<compile_context>
chip_gen: v7x
topology: tpu7x:2x2x1
jax: 0.10.2.dev20260603
libtpu: 0.0.44.dev20260713+nightly
codegen_flags: <defaults>
</compile_context>

<pallas_src>
import functools

import jax
import jax.numpy as jnp
from jax import lax
from jax.experimental import pallas as pl
from jax.experimental.pallas import tpu as pltpu
from jax.experimental.pallas import tpu_sc as plsc

NC, NS, L = 2, 16, 16
NW = NC * NS
CH = 128

f32 = jnp.float32
i32 = jnp.int32


def _lrelu(x):
    return jnp.where(x >= 0, x, 0.01 * x)



def _node_body(x_ref, wpn_ref, bpn_ref, wp1n_ref, w2a_ref, hv_ref, p_ref, a_ref):
    x = x_ref[...]
    hv = _lrelu(jnp.dot(x, wpn_ref[...], preferred_element_type=f32) + bpn_ref[...])
    hv_ref[...] = hv
    p_ref[...] = jnp.dot(x, wp1n_ref[...], preferred_element_type=f32)
    a_ref[...] = jnp.dot(hv, w2a_ref[...], preferred_element_type=f32)


def _he1x_body(g_ref, eft_ref, adst_ref, w1e_ref, b1_ref, w2b_ref, b2_ref,
               he1x_ref, ex_ref):
    et = lax.dot_general(eft_ref[...], w1e_ref[...],
                         (((0,), (0,)), ((), ())),
                         preferred_element_type=f32)
    he1 = _lrelu(g_ref[...] + et + b1_ref[...])
    z = jnp.dot(he1, w2b_ref[...], preferred_element_type=f32) + b2_ref[...]
    ex = jnp.exp(_lrelu(adst_ref[...] + z))
    ex_ref[...] = ex
    he1x_ref[...] = ex * he1


def _final_body(u0_ref, u1_ref, s0_ref, s1_ref, hv_ref, wet_ref, bet_ref,
                wm1a_ref, wm1b_ref, bm1_ref, wm2_ref, bm2_ref, out_ref):
    st = s0_ref[...] + s1_ref[...]
    mask = (st > 0).astype(f32)
    sdiv = jnp.where(st > 0, st, 1.0)
    u = (u0_ref[...] + u1_ref[...]) / sdiv
    c = jnp.dot(u, wet_ref[...], preferred_element_type=f32) + mask * bet_ref[...]
    ctx = jnp.where(c > 0, c, jnp.exp(c) - 1.0)
    h1 = jnp.maximum(
        jnp.dot(ctx, wm1a_ref[...], preferred_element_type=f32)
        + jnp.dot(hv_ref[...], wm1b_ref[...], preferred_element_type=f32)
        + bm1_ref[...], 0.0)
    out_ref[...] = jnp.maximum(
        jnp.dot(h1, wm2_ref[...], preferred_element_type=f32) + bm2_ref[...], 0.0)



def _mesh():
    return plsc.VectorSubcoreMesh(core_axis_name="c", subcore_axis_name="s",
                                  num_cores=NC, num_subcores=NS)


def _make_gather(np_, d, chunks):
    epw = chunks * CH
    q0 = ((chunks * 2 * 9 // 10) // 8) * 8
    q1 = chunks * 2 - q0
    quads = -(-q0 // 4)

    @functools.partial(
        pl.kernel,
        out_type=(jax.ShapeDtypeStruct((NW * epw, d), f32),
                  jax.ShapeDtypeStruct((NW * epw,), f32)),
        mesh=_mesh(),
        compiler_params=pltpu.CompilerParams(needs_layout_passes=False),
        scratch_types=[pltpu.VMEM((q0, CH), i32),
                       pltpu.VMEM((epw,), i32),
                       pltpu.VMEM((np_,), f32),
                       pltpu.VMEM((epw,), f32),
                       [pltpu.VMEM((CH, d), f32)] * 4,
                       pltpu.VMEM_SHARED((np_,), f32),
                       [pltpu.SemaphoreType.DMA] * 4],
    )
    def kg(table_hbm, idx_hbm, dst_hbm, a_hbm, out_hbm, adst_hbm,
           idx_v, dst_v, a_tab, adst_v, rows, sh_a, sems):
        cid = lax.axis_index("c")
        sid = lax.axis_index("s")
        wid = sid * NC + cid
        base = wid * epw
        qw = jnp.where(cid == 0, q0, q1)
        cstart = pl.multiple_of(
            jnp.where(cid == 0, sid * q0, NS * q0 + sid * q1), 8)
        pltpu.sync_copy(idx_hbm.at[pl.ds(cstart, q0)], idx_v)
        pltpu.sync_copy(dst_hbm.at[pl.ds(base, epw)], dst_v)

        @pl.when(sid == 0)
        def _():
            pltpu.sync_copy(a_hbm, a_tab)
            pltpu.sync_copy(a_tab, sh_a)
        plsc.subcore_barrier()

        @pl.when(sid != 0)
        def _():
            pltpu.sync_copy(sh_a, a_tab)

        for r in range(3):
            @pl.when(r < qw)
            def _():
                pltpu.async_copy(table_hbm.at[idx_v.at[r]], rows[r], sems[r])

        def quad(i, _):
            j0 = i * 4
            for r in range(4):
                j = j0 + r
                nslot = (r + 3) % 4

                @pl.when(j + 3 < qw)
                def _():
                    pltpu.async_copy(table_hbm.at[idx_v.at[j + 3]],
                                     rows[nslot], sems[nslot])

                @pl.when(j < qw)
                def _():
                    pltpu.make_async_copy(table_hbm.at[idx_v.at[j]],
                                         rows[r], sems[r]).wait()
                    pltpu.sync_copy(
                        rows[r],
                        out_hbm.at[pl.ds(pl.multiple_of((cstart + j) * CH, CH),
                                         CH)])
            return 0

        lax.fori_loop(0, quads, quad, 0)

        def abody(i, _):
            o = i * L
            idx = dst_v[pl.ds(o, L)]
            adst_v[pl.ds(o, L)] = plsc.load_gather(a_tab, [idx])
            return 0
        lax.fori_loop(0, epw // L, abody, 0)
        pltpu.sync_copy(adst_v, adst_hbm.at[pl.ds(base, epw)])

    return kg


def _make_ssum(np_, chunks):
    epw = chunks * CH
    sl = np_ // NS
    groups = epw // L

    @functools.partial(
        pl.kernel,
        out_type=jax.ShapeDtypeStruct((NC, np_), f32),
        mesh=_mesh(),
        compiler_params=pltpu.CompilerParams(needs_layout_passes=False),
        scratch_types=[pltpu.VMEM((epw,), i32),
                       pltpu.VMEM((epw,), f32),
                       pltpu.VMEM((np_,), f32),
                       pltpu.VMEM((NS, sl), f32),
                       pltpu.VMEM((sl,), f32),
                       pltpu.VMEM_SHARED((NS, np_), f32)],
    )
    def ks(dst_hbm, ex_hbm, spar_hbm, dst_v, ex_v, s_loc, cmb_in, s_cmb, shared):
        cid = lax.axis_index("c")
        sid = lax.axis_index("s")
        wid = sid * NC + cid
        base = wid * epw
        pltpu.sync_copy(dst_hbm.at[pl.ds(base, epw)], dst_v)
        pltpu.sync_copy(ex_hbm.at[pl.ds(base, epw)], ex_v)

        zero = jnp.zeros((L,), f32)

        def zbody(i, _):
            s_loc[pl.ds(i * L, L)] = zero
            return 0
        lax.fori_loop(0, np_ // L, zbody, 0)

        def ebody(i, _):
            o = i * L
            idx = dst_v[pl.ds(o, L)]
            plsc.addupdate_scatter(s_loc, [idx], ex_v[pl.ds(o, L)])
            return 0
        lax.fori_loop(0, groups, ebody, 0)

        pltpu.sync_copy(s_loc, shared.at[sid])
        plsc.subcore_barrier()

        for t in range(NS):
            pltpu.sync_copy(shared.at[t, pl.ds(sid * sl, sl)], cmb_in.at[t])

        def cbody(i, _):
            o = i * L
            acc = cmb_in[0, pl.ds(o, L)]
            for t in range(1, NS):
                acc = acc + cmb_in[t, pl.ds(o, L)]
            s_cmb[pl.ds(o, L)] = acc
            return 0
        lax.fori_loop(0, sl // L, cbody, 0)

        pltpu.sync_copy(s_cmb, spar_hbm.at[cid, pl.ds(sid * sl, sl)])

    return ks


def _make_scatter(np_, d, chunks):
    epw = chunks * CH
    sl = np_ // NS
    n_out = sl // CH
    pairs = chunks // 2

    @functools.partial(
        pl.kernel,
        out_type=jax.ShapeDtypeStruct((NC, np_, d), f32),
        mesh=_mesh(),
        compiler_params=pltpu.CompilerParams(needs_layout_passes=False,
                                             use_tc_tiling_on_sc=True),
        scratch_types=[pltpu.VMEM((chunks, CH), i32),
                       pltpu.VMEM((CH, d), f32),
                       pltpu.VMEM((CH, d), f32),
                       pltpu.VMEM_SHARED((np_, d), f32),
                       pltpu.SemaphoreType.DMA,
                       pltpu.SemaphoreType.DMA],
    )
    def ks(rows_hbm, idx_hbm, u_hbm, idx_v, buf0, buf1, shared_u, sem0, sem1):
        cid = lax.axis_index("c")
        sid = lax.axis_index("s")
        wid = sid * NC + cid
        base = wid * epw
        pltpu.sync_copy(idx_hbm.at[wid], idx_v)

        zero = jnp.zeros((L,), f32)

        def zrow(r, _):
            for cc in range(d // L):
                buf0[r, pl.ds(cc * L, L)] = zero
            return 0
        lax.fori_loop(0, CH, zrow, 0)
        for k in range(n_out):
            pltpu.sync_copy(buf0, shared_u.at[pl.ds(sid * sl + k * CH, CH)])
        plsc.subcore_barrier()

        pltpu.async_copy(rows_hbm.at[pl.ds(base, CH)], buf0, sem0)

        def pair(i, _):
            j0 = i * 2
            pltpu.async_copy(rows_hbm.at[pl.ds(base + (j0 + 1) * CH, CH)], buf1, sem1)
            pltpu.make_async_copy(rows_hbm.at[pl.ds(base + j0 * CH, CH)], buf0, sem0).wait()
            pltpu.sync_copy(buf0, shared_u.at[idx_v.at[j0]], add=True)

            @pl.when(j0 + 2 < chunks)
            def _():
                pltpu.async_copy(rows_hbm.at[pl.ds(base + (j0 + 2) * CH, CH)], buf0, sem0)
            pltpu.make_async_copy(rows_hbm.at[pl.ds(base + (j0 + 1) * CH, CH)], buf1, sem1).wait()
            pltpu.sync_copy(buf1, shared_u.at[idx_v.at[j0 + 1]], add=True)
            return 0

        lax.fori_loop(0, pairs, pair, 0)
        plsc.subcore_barrier()

        for k in range(n_out):
            pltpu.sync_copy(shared_u.at[pl.ds(sid * sl + k * CH, CH)], buf0)
            pltpu.sync_copy(buf0, u_hbm.at[cid, pl.ds(sid * sl + k * CH, CH)])

    return ks



def _tc_call(body, grid, in_specs, out_specs, out_shapes):
    return pl.pallas_call(
        body,
        grid=grid,
        in_specs=in_specs,
        out_specs=out_specs,
        out_shape=out_shapes,
    )


def kernel(node_feats, edge_feats, edge_index, W_pn, b_pn, W_pe1, b_pe1,
           W_pe2, b_pe2, W_et, b_et, W_m1, b_m1, W_m2, b_m2):
    N, Dn = node_feats.shape
    E, De = edge_feats.shape
    G = W_pn.shape[1]

    src = edge_index[0].astype(i32)
    dst = edge_index[1].astype(i32)

    chunks = -(-E // (NW * CH))
    chunks += (-chunks) % 4
    e_pad = NW * chunks * CH
    pad_e = e_pad - E
    np_ = -(-(N + 1) // (NS * L)) * (NS * L)

    src_p = jnp.concatenate([src, jnp.zeros((pad_e,), i32)])
    dst_p = jnp.concatenate([dst, jnp.full((pad_e,), N, i32)])
    q0 = ((chunks * 2 * 9 // 10) // 8) * 8
    q1 = chunks * 2 - q0
    src2 = jnp.concatenate(
        [src_p.reshape(NW * chunks, CH),
         jnp.zeros((q0 - q1, CH), i32)])
    dst3 = dst_p.reshape(NW, chunks, CH)
    ef_t = jnp.pad(edge_feats.T, ((0, 0), (0, pad_e)))

    bn = next(b for b in (2000, 1000, 500, 250, 125, N) if N % b == 0)
    gridn = N // bn
    full = lambda shp: pl.BlockSpec(shp, lambda i: (0, 0))
    rown = lambda w: pl.BlockSpec((bn, w), lambda i: (i, 0))
    hv, P, a = _tc_call(
        _node_body, (gridn,),
        [rown(Dn), full((Dn, G)), full((1, G)), full((Dn, G)), full((G, 1))],
        [rown(G), rown(G), rown(1)],
        [jax.ShapeDtypeStruct((N, G), f32),
         jax.ShapeDtypeStruct((N, G), f32),
         jax.ShapeDtypeStruct((N, 1), f32)],
    )(node_feats, W_pn, b_pn.reshape(1, G), W_pe1[:Dn], W_pe2[:G])

    a_pad = jnp.pad(a.reshape(N), (0, np_ - N))

    g_rows, adst = _make_gather(np_, G, chunks)(P, src2, dst_p, a_pad)

    be = NW * CH
    gride = e_pad // be
    rowe = lambda w: pl.BlockSpec((be, w), lambda i: (i, 0))
    colt = pl.BlockSpec((De, be), lambda i: (0, i))
    he1x, ex2 = _tc_call(
        _he1x_body, (gride,),
        [rowe(G), colt, rowe(1), full((De, G)), full((1, G)), full((G, 1)),
         full((1, 1))],
        [rowe(G), rowe(1)],
        [jax.ShapeDtypeStruct((e_pad, G), f32),
         jax.ShapeDtypeStruct((e_pad, 1), f32)],
    )(g_rows, ef_t, adst.reshape(e_pad, 1), W_pe1[Dn:], b_pe1.reshape(1, G),
      W_pe2[G:], b_pe2.reshape(1, 1))
    ex = ex2.reshape(e_pad)

    s_par = _make_ssum(np_, chunks)(dst_p, ex)

    u = _make_scatter(np_, G, chunks)(he1x, dst3)

    s0 = s_par[0, :N].reshape(N, 1)
    s1 = s_par[1, :N].reshape(N, 1)
    out = _tc_call(
        _final_body, (gridn,),
        [rown(G), rown(G), rown(1), rown(1), rown(G),
         full((G, G)), full((1, G)), full((G, G)), full((G, G)), full((1, G)),
         full((G, G)), full((1, G))],
        rown(G),
        jax.ShapeDtypeStruct((N, G), f32),
    )(u[0, :N], u[1, :N], s0, s1, hv,
      W_et, b_et.reshape(1, G), W_m1[:G], W_m1[G:], b_m1.reshape(1, G),
      W_m2, b_m2.reshape(1, G))
    return out

# --- scband reference (transcript-rebuilt; emitter-appended) ---
"""Pipeline reference for scband-get-mlpcontext-6236292513985 (READ-ONLY COPY).

The authoritative reference and input builder live on the scoring server;
editing this copy changes nothing except your own understanding.
"""

import jax, jax.numpy as jnp
import numpy as np

N_NODES = 10000
N_EDGES = 320000
D_NODE = 128
D_EDGE = 16
G = 128

def _w(key, i, shape):
    return jax.random.normal(jax.random.fold_in(key, i), shape, dtype=jnp.float32) * 0.05

def setup_inputs(seed: int = 0) -> dict:
    key = jax.random.key(seed)
    node_feats = jax.random.normal(jax.random.fold_in(key, 0), (N_NODES, D_NODE), dtype=jnp.float32)
    edge_feats = jax.random.normal(jax.random.fold_in(key, 1), (N_EDGES, D_EDGE), dtype=jnp.float32)
    edge_index = jax.random.randint(jax.random.fold_in(key, 2), (2, N_EDGES), 0, N_NODES, dtype=jnp.int64)
    return {
        "node_feats": node_feats,
        "edge_feats": edge_feats,
        "edge_index": edge_index,
        "W_pn": _w(key, 10, (D_NODE, G)), "b_pn": jnp.zeros((G,), jnp.float32),
        "W_pe1": _w(key, 11, (D_NODE + D_EDGE, G)), "b_pe1": jnp.zeros((G,), jnp.float32),
        "W_pe2": _w(key, 12, (2 * G, 1)), "b_pe2": jnp.zeros((1,), jnp.float32),
        "W_et": _w(key, 13, (G, G)), "b_et": jnp.zeros((G,), jnp.float32),
        "W_m1": _w(key, 14, (2 * G, G)), "b_m1": jnp.zeros((G,), jnp.float32),
        "W_m2": _w(key, 15, (G, G)), "b_m2": jnp.zeros((G,), jnp.float32),
    }

def _edge_softmax(logits, dst, num_nodes):
    m = jax.ops.segment_max(logits, dst, num_segments=num_nodes)
    ex = jnp.exp(logits - m[dst])
    s = jax.ops.segment_sum(ex, dst, num_segments=num_nodes)
    return ex / s[dst]

def reference(node_feats, edge_feats, edge_index, W_pn, b_pn, W_pe1, b_pe1, W_pe2, b_pe2, W_et, b_et, W_m1, b_m1, W_m2, b_m2):
    src = edge_index[0]
    dst = edge_index[1]
    num_nodes = node_feats.shape[0]
    lrelu = lambda x: jax.nn.leaky_relu(x, 0.01)
    # project_node
    hv_new = lrelu(node_feats @ W_pn + b_pn)
    # apply_edges1 + project_edge1
    he1 = lrelu(jnp.concatenate([node_feats[src], edge_feats], axis=1) @ W_pe1 + b_pe1)
    # apply_edges2 + project_edge2 (dropout p=0 => identity)
    logits = lrelu(jnp.concatenate([hv_new[dst], he1], axis=1) @ W_pe2 + b_pe2)
    # AttentiveMLP1: edge_softmax over dst, edge_transform, copy_edge + sum
    attn = _edge_softmax(logits, dst, num_nodes)
    e = attn * (he1 @ W_et + b_et)
    c = jax.ops.segment_sum(e, dst, num_segments=num_nodes)
    context = jax.nn.elu(c)
    h = jnp.concatenate([context, hv_new], axis=1)
    h = jax.nn.relu(h @ W_m1 + b_m1)
    h = h @ W_m2 + b_m2
    return jax.nn.relu(h)

if __name__ == "__main__":
    import jax
    _d = setup_inputs()
    print(jax.jit(kernel)(*tuple(_d.values())))

</pallas_src>

<mosaic_0001>
#map = affine_map<(d0, d1) -> (0, 0)>
#map1 = affine_map<(d0, d1) -> (0)>
module attributes {stable_mosaic.version = 14 : i64} {
  func.func @kg(%arg0: i32, %arg1: i32, %arg2: memref<10000x128xf32, #tpu.memory_space<hbm>>, %arg3: memref<2688x128xi32, #tpu.memory_space<hbm>>, %arg4: memref<327680xi32, #tpu.memory_space<hbm>>, %arg5: memref<10240xf32, #tpu.memory_space<hbm>>, %arg6: memref<327680x128xf32, #tpu.memory_space<hbm>>, %arg7: memref<327680xf32, #tpu.memory_space<hbm>>, %arg8: memref<144x128xi32, #tpu.memory_space<vmem>>, %arg9: memref<10240xi32, #tpu.memory_space<vmem>>, %arg10: memref<10240xf32, #tpu.memory_space<vmem>>, %arg11: memref<10240xf32, #tpu.memory_space<vmem>>, %arg12: memref<128x128xf32, #tpu.memory_space<vmem>>, %arg13: memref<128x128xf32, #tpu.memory_space<vmem>>, %arg14: memref<128x128xf32, #tpu.memory_space<vmem>>, %arg15: memref<128x128xf32, #tpu.memory_space<vmem>>, %arg16: memref<10240xf32, #tpu.memory_space<vmem_shared>>, %arg17: memref<!tpu.dma_semaphore, #tpu.memory_space<semaphore_mem>>, %arg18: memref<!tpu.dma_semaphore, #tpu.memory_space<semaphore_mem>>, %arg19: memref<!tpu.dma_semaphore, #tpu.memory_space<semaphore_mem>>, %arg20: memref<!tpu.dma_semaphore, #tpu.memory_space<semaphore_mem>>) attributes {dimension_semantics = [#tpu.dimension_semantics<core_parallel>, #tpu.dimension_semantics<subcore_parallel>], iteration_bounds = array<i64: 2, 16>, scalar_prefetch = 0 : i64, scratch_operands = 13 : i64, tpu.core_type = #tpu.core_type<sc_vector_subcore>, window_params = [{transform_indices = #map}, {transform_indices = #map}, {transform_indices = #map1}, {transform_indices = #map1}, {transform_indices = #map}, {transform_indices = #map1}]} {
    %mul3A = arith.constant 2 : i32
    %mul3A_0 = arith.muli %arg1, %mul3A : i32
    %add3A = arith.addi %mul3A_0, %arg0 : i32
    %mul3A_1 = arith.constant 10240 : i32
    %mul3A_2 = arith.muli %add3A, %mul3A_1 : i32
    %eq3A = arith.constant 0 : i32
    %eq3A_3 = arith.cmpi eq, %arg0, %eq3A : i32
    %jit3A = arith.constant 144 : i32
    %jit3A_4 = arith.constant 16 : i32
    %select_n3A = arith.select %eq3A_3, %jit3A, %jit3A_4 : i32
    %eq3A_5 = arith.constant 0 : i32
    %eq3A_6 = arith.cmpi eq, %arg0, %eq3A_5 : i32
    %mul3A_7 = arith.constant 144 : i32
    %mul3A_8 = arith.muli %arg1, %mul3A_7 : i32
    %mul3A_9 = arith.constant 16 : i32
    %mul3A_10 = arith.muli %arg1, %mul3A_9 : i32
    %add3A_11 = arith.constant 2304 : i32
    %add3A_12 = arith.addi %add3A_11, %mul3A_10 : i32
    %select_n3A_13 = arith.select %eq3A_6, %mul3A_8, %add3A_12 : i32
    %multiple_of3A = tpu.assume_multiple %select_n3A_13, 8 : i32
    "tpu.region"() ({
      %run_scoped3A = tpu.sem_alloc : memref<!tpu.dma_semaphore, #tpu.memory_space<semaphore_mem>>
      %dma_start3A = arith.constant 0 : i32
      %dma_start3A_48 = tpu.memref_slice %arg3[%multiple_of3A, %dma_start3A] : memref<2688x128xi32, #tpu.memory_space<hbm>> -> memref<144x128xi32, #tpu.memory_space<hbm>>
      %dma_start3A_49 = arith.constant 0 : i32
      %dma_start3A_50 = tpu.memref_slice %arg3[%multiple_of3A, %dma_start3A_49] : memref<2688x128xi32, #tpu.memory_space<hbm>> -> memref<144x128xi32, #tpu.memory_space<hbm>>
      tpu.enqueue_dma source(%dma_start3A_50 : memref<144x128xi32, #tpu.memory_space<hbm>>) target(%arg8 : memref<144x128xi32, #tpu.memory_space<vmem>>) target_semaphore(%run_scoped3A : memref<!tpu.dma_semaphore, #tpu.memory_space<semaphore_mem>>)
      %dma_wait3A = arith.constant 0 : i32
      %dma_wait3A_51 = tpu.memref_slice %arg3[%multiple_of3A, %dma_wait3A] : memref<2688x128xi32, #tpu.memory_space<hbm>> -> memref<144x128xi32, #tpu.memory_space<hbm>>
      %dma_wait3A_52 = arith.constant 0 : i32
      %dma_wait3A_53 = tpu.memref_slice %arg3[%multiple_of3A, %dma_wait3A_52] : memref<2688x128xi32, #tpu.memory_space<hbm>> -> memref<144x128xi32, #tpu.memory_space<hbm>>
      tpu.wait_dma2 semaphore(%run_scoped3A : memref<!tpu.dma_semaphore, #tpu.memory_space<semaphore_mem>>) src(%dma_wait3A_53 : memref<144x128xi32, #tpu.memory_space<hbm>>) dst(%arg8 : memref<144x128xi32, #tpu.memory_space<vmem>>)
      tpu.yield
    }) : () -> ()
    "tpu.region"() ({
      %run_scoped3A = tpu.sem_alloc : memref<!tpu.dma_semaphore, #tpu.memory_space<semaphore_mem>>
      %dma_start3A = tpu.memref_slice %arg4[%mul3A_2] : memref<327680xi32, #tpu.memory_space<hbm>> -> memref<10240xi32, #tpu.memory_space<hbm>>
      %dma_start3A_48 = tpu.memref_slice %arg4[%mul3A_2] : memref<327680xi32, #tpu.memory_space<hbm>> -> memref<10240xi32, #tpu.memory_space<hbm>>
      tpu.enqueue_dma source(%dma_start3A_48 : memref<10240xi32, #tpu.memory_space<hbm>>) target(%arg9 : memref<10240xi32, #tpu.memory_space<vmem>>) target_semaphore(%run_scoped3A : memref<!tpu.dma_semaphore, #tpu.memory_space<semaphore_mem>>)
      %dma_wait3A = tpu.memref_slice %arg4[%mul3A_2] : memref<327680xi32, #tpu.memory_space<hbm>> -> memref<10240xi32, #tpu.memory_space<hbm>>
      %dma_wait3A_49 = tpu.memref_slice %arg4[%mul3A_2] : memref<327680xi32, #tpu.memory_space<hbm>> -> memref<10240xi32, #tpu.memory_space<hbm>>
      tpu.wait_dma2 semaphore(%run_scoped3A : memref<!tpu.dma_semaphore, #tpu.memory_space<semaphore_mem>>) src(%dma_wait3A_49 : memref<10240xi32, #tpu.memory_space<hbm>>) dst(%arg9 : memref<10240xi32, #tpu.memory_space<vmem>>)
      tpu.yield
    }) : () -> ()
    %eq3A_14 = arith.constant 0 : i32
    %eq3A_15 = arith.cmpi eq, %arg1, %eq3A_14 : i32
    %convert_element_type3A = arith.extui %eq3A_15 : i1 to i32
    %cond3A = arith.constant 0 : i32
    %cond3A_16 = arith.cmpi ne, %convert_element_type3A, %cond3A : i32
    scf.if %cond3A_16 {
      "tpu.region"() ({
        %run_scoped3A = tpu.sem_alloc : memref<!tpu.dma_semaphore, #tpu.memory_space<semaphore_mem>>
        tpu.enqueue_dma source(%arg5 : memref<10240xf32, #tpu.memory_space<hbm>>) target(%arg10 : memref<10240xf32, #tpu.memory_space<vmem>>) target_semaphore(%run_scoped3A : memref<!tpu.dma_semaphore, #tpu.memory_space<semaphore_mem>>)
        tpu.wait_dma2 semaphore(%run_scoped3A : memref<!tpu.dma_semaphore, #tpu.memory_space<semaphore_mem>>) src(%arg5 : memref<10240xf32, #tpu.memory_space<hbm>>) dst(%arg10 : memref<10240xf32, #tpu.memory_space<vmem>>)
        tpu.yield
      }) : () -> ()
      "tpu.region"() ({
        %run_scoped3A = tpu.sem_alloc : memref<!tpu.dma_semaphore, #tpu.memory_space<semaphore_mem>>
        tpu.enqueue_dma source(%arg10 : memref<10240xf32, #tpu.memory_space<vmem>>) target(%arg16 : memref<10240xf32, #tpu.memory_space<vmem_shared>>) target_semaphore(%run_scoped3A : memref<!tpu.dma_semaphore, #tpu.memory_space<semaphore_mem>>)
        tpu.wait_dma2 semaphore(%run_scoped3A : memref<!tpu.dma_semaphore, #tpu.memory_space<semaphore_mem>>) src(%arg10 : memref<10240xf32, #tpu.memory_space<vmem>>) dst(%arg16 : memref<10240xf32, #tpu.memory_space<vmem_shared>>)
        tpu.yield
      }) : () -> ()
    } else {
    }
    %barrier3A = arith.constant 0 : index
    tpu.barrier barrier_id(%barrier3A)
    %ne3A = arith.constant 0 : i32
    %ne3A_17 = arith.cmpi ne, %arg1, %ne3A : i32
    %convert_element_type3A_18 = arith.extui %ne3A_17 : i1 to i32
    %cond3A_19 = arith.constant 0 : i32
    %cond3A_20 = arith.cmpi ne, %convert_element_type3A_18, %cond3A_19 : i32
    scf.if %cond3A_20 {
      "tpu.region"() ({
        %run_scoped3A = tpu.sem_alloc : memref<!tpu.dma_semaphore, #tpu.memory_space<semaphore_mem>>
        tpu.enqueue_dma source(%arg16 : memref<10240xf32, #tpu.memory_space<vmem_shared>>) target(%arg10 : memref<10240xf32, #tpu.memory_space<vmem>>) target_semaphore(%run_scoped3A : memref<!tpu.dma_semaphore, #tpu.memory_space<semaphore_mem>>)
        tpu.wait_dma2 semaphore(%run_scoped3A : memref<!tpu.dma_semaphore, #tpu.memory_space<semaphore_mem>>) src(%arg16 : memref<10240xf32, #tpu.memory_space<vmem_shared>>) dst(%arg10 : memref<10240xf32, #tpu.memory_space<vmem>>)
        tpu.yield
      }) : () -> ()
    } else {
    }
    %gt3A = arith.constant 0 : i32
    %gt3A_21 = arith.cmpi sgt, %select_n3A, %gt3A : i32
    %convert_element_type3A_22 = arith.extui %gt3A_21 : i1 to i32
    %cond3A_23 = arith.constant 0 : i32
    %cond3A_24 = arith.cmpi ne, %convert_element_type3A_22, %cond3A_23 : i32
    scf.if %cond3A_24 {
      %dma_start3A = arith.constant 0 : i32
      %dma_start3A_48 = arith.constant 0 : i32
      %dma_start3A_49 = tpu.memref_slice %arg8[%dma_start3A, %dma_start3A_48] : memref<144x128xi32, #tpu.memory_space<vmem>> -> memref<1x128xi32, #tpu.memory_space<vmem>>
      %dma_start3A_50 = tpu.memref_squeeze %dma_start3A_49 : memref<1x128xi32, #tpu.memory_space<vmem>> -> memref<128xi32, #tpu.memory_space<vmem>>
      %dma_start3A_51 = arith.constant 0 : i32
      %dma_start3A_52 = arith.constant 0 : i32
      %dma_start3A_53 = tpu.memref_slice %arg2[%dma_start3A_51, %dma_start3A_52] : memref<10000x128xf32, #tpu.memory_space<hbm>> -> memref<10000x128xf32, #tpu.memory_space<hbm>>
      tpu.enqueue_indirect_dma source(%dma_start3A_53 : memref<10000x128xf32, #tpu.memory_space<hbm>>) target(%arg12 : memref<128x128xf32, #tpu.memory_space<vmem>>) offsets(%dma_start3A_50 : memref<128xi32, #tpu.memory_space<vmem>>) semaphore(%arg17 : memref<!tpu.dma_semaphore, #tpu.memory_space<semaphore_mem>>)
    } else {
    }
    %gt3A_25 = arith.constant 1 : i32
    %gt3A_26 = arith.cmpi sgt, %select_n3A, %gt3A_25 : i32
    %convert_element_type3A_27 = arith.extui %gt3A_26 : i1 to i32
    %cond3A_28 = arith.constant 0 : i32
    %cond3A_29 = arith.cmpi ne, %convert_element_type3A_27, %cond3A_28 : i32
    scf.if %cond3A_29 {
      %dma_start3A = arith.constant 1 : i32
      %dma_start3A_48 = arith.constant 0 : i32
      %dma_start3A_49 = tpu.memref_slice %arg8[%dma_start3A, %dma_start3A_48] : memref<144x128xi32, #tpu.memory_space<vmem>> -> memref<1x128xi32, #tpu.memory_space<vmem>>
      %dma_start3A_50 = tpu.memref_squeeze %dma_start3A_49 : memref<1x128xi32, #tpu.memory_space<vmem>> -> memref<128xi32, #tpu.memory_space<vmem>>
      %dma_start3A_51 = arith.constant 0 : i32
      %dma_start3A_52 = arith.constant 0 : i32
      %dma_start3A_53 = tpu.memref_slice %arg2[%dma_start3A_51, %dma_start3A_52] : memref<10000x128xf32, #tpu.memory_space<hbm>> -> memref<10000x128xf32, #tpu.memory_space<hbm>>
      tpu.enqueue_indirect_dma source(%dma_start3A_53 : memref<10000x128xf32, #tpu.memory_space<hbm>>) target(%arg13 : memref<128x128xf32, #tpu.memory_space<vmem>>) offsets(%dma_start3A_50 : memref<128xi32, #tpu.memory_space<vmem>>) semaphore(%arg18 : memref<!tpu.dma_semaphore, #tpu.memory_space<semaphore_mem>>)
    } else {
    }
    %gt3A_30 = arith.constant 2 : i32
    %gt3A_31 = arith.cmpi sgt, %select_n3A, %gt3A_30 : i32
    %convert_element_type3A_32 = arith.extui %gt3A_31 : i1 to i32
    %cond3A_33 = arith.constant 0 : i32
    %cond3A_34 = arith.cmpi ne, %convert_element_type3A_32, %cond3A_33 : i32
    scf.if %cond3A_34 {
      %dma_start3A = arith.constant 2 : i32
      %dma_start3A_48 = arith.constant 0 : i32
      %dma_start3A_49 = tpu.memref_slice %arg8[%dma_start3A, %dma_start3A_48] : memref<144x128xi32, #tpu.memory_space<vmem>> -> memref<1x128xi32, #tpu.memory_space<vmem>>
      %dma_start3A_50 = tpu.memref_squeeze %dma_start3A_49 : memref<1x128xi32, #tpu.memory_space<vmem>> -> memref<128xi32, #tpu.memory_space<vmem>>
      %dma_start3A_51 = arith.constant 0 : i32
      %dma_start3A_52 = arith.constant 0 : i32
      %dma_start3A_53 = tpu.memref_slice %arg2[%dma_start3A_51, %dma_start3A_52] : memref<10000x128xf32, #tpu.memory_space<hbm>> -> memref<10000x128xf32, #tpu.memory_space<hbm>>
      tpu.enqueue_indirect_dma source(%dma_start3A_53 : memref<10000x128xf32, #tpu.memory_space<hbm>>) target(%arg14 : memref<128x128xf32, #tpu.memory_space<vmem>>) offsets(%dma_start3A_50 : memref<128xi32, #tpu.memory_space<vmem>>) semaphore(%arg19 : memref<!tpu.dma_semaphore, #tpu.memory_space<semaphore_mem>>)
    } else {
    }
    %scan3A = arith.constant 0 : i32
    %scan3A_35 = arith.constant 0 : i32
    %scan3A_36 = arith.constant 36 : i32
    %scan3A_37 = arith.addi %scan3A_35, %scan3A_36 : i32
    %scan3A_38 = arith.constant 1 : i32
    %scan3A_39 = scf.for %scan3A_48 = %scan3A_35 to %scan3A_37 step %scan3A_38 iter_args(%scan3A_49 = %scan3A) -> (i32)  : i32 {
      %mul3A_50 = arith.constant 4 : i32
      %mul3A_51 = arith.muli %scan3A_48, %mul3A_50 : i32
      %add3A_52 = arith.constant 0 : i32
      %add3A_53 = arith.addi %mul3A_51, %add3A_52 : i32
      %add3A_54 = arith.constant 3 : i32
      %add3A_55 = arith.addi %add3A_53, %add3A_54 : i32
      %lt3A = arith.cmpi slt, %add3A_55, %select_n3A : i32
      %convert_element_type3A_56 = arith.extui %lt3A : i1 to i32
      %cond3A_57 = arith.constant 0 : i32
      %cond3A_58 = arith.cmpi ne, %convert_element_type3A_56, %cond3A_57 : i32
      scf.if %cond3A_58 {
        %add3A_100 = arith.constant 3 : i32
        %add3A_101 = arith.addi %add3A_53, %add3A_100 : i32
        %dma_start3A = arith.constant 0 : i32
        %dma_start3A_102 = tpu.memref_slice %arg8[%add3A_101, %dma_start3A] : memref<144x128xi32, #tpu.memory_space<vmem>> -> memref<1x128xi32, #tpu.memory_space<vmem>>
        %dma_start3A_103 = tpu.memref_squeeze %dma_start3A_102 : memref<1x128xi32, #tpu.memory_space<vmem>> -> memref<128xi32, #tpu.memory_space<vmem>>
        %dma_start3A_104 = arith.constant 0 : i32
        %dma_start3A_105 = arith.constant 0 : i32
        %dma_start3A_106 = tpu.memref_slice %arg2[%dma_start3A_104, %dma_start3A_105] : memref<10000x128xf32, #tpu.memory_space<hbm>> -> memref<10000x128xf32, #tpu.memory_space<hbm>>
        tpu.enqueue_indirect_dma source(%dma_start3A_106 : memref<10000x128xf32, #tpu.memory_space<hbm>>) target(%arg15 : memref<128x128xf32, #tpu.memory_space<vmem>>) offsets(%dma_start3A_103 : memref<128xi32, #tpu.memory_space<vmem>>) semaphore(%arg20 : memref<!tpu.dma_semaphore, #tpu.memory_space<semaphore_mem>>)
      } else {
      }
      %lt3A_59 = arith.cmpi slt, %add3A_53, %select_n3A : i32
      %convert_element_type3A_60 = arith.extui %lt3A_59 : i1 to i32
      %cond3A_61 = arith.constant 0 : i32
      %cond3A_62 = arith.cmpi ne, %convert_element_type3A_60, %cond3A_61 : i32
      scf.if %cond3A_62 {
        %dma_wait3A = arith.constant 0 : i32
        %dma_wait3A_100 = tpu.memref_slice %arg8[%add3A_53, %dma_wait3A] : memref<144x128xi32, #tpu.memory_space<vmem>> -> memref<1x128xi32, #tpu.memory_space<vmem>>
        %dma_wait3A_101 = tpu.memref_squeeze %dma_wait3A_100 : memref<1x128xi32, #tpu.memory_space<vmem>> -> memref<128xi32, #tpu.memory_space<vmem>>
        %dma_wait3A_102 = arith.constant 0 : i32
        %dma_wait3A_103 = arith.constant 0 : i32
        %dma_wait3A_104 = tpu.memref_slice %arg2[%dma_wait3A_102, %dma_wait3A_103] : memref<10000x128xf32, #tpu.memory_space<hbm>> -> memref<10000x128xf32, #tpu.memory_space<hbm>>
        tpu.wait_indirect_dma semaphore(%arg17 : memref<!tpu.dma_semaphore, #tpu.memory_space<semaphore_mem>>) src(%dma_wait3A_104 : memref<10000x128xf32, #tpu.memory_space<hbm>>) dst(%arg12 : memref<128x128xf32, #tpu.memory_space<vmem>>)
        %add3A_105 = arith.addi %multiple_of3A, %add3A_53 : i32
        %mul3A_106 = arith.constant 128 : i32
        %mul3A_107 = arith.muli %add3A_105, %mul3A_106 : i32
        %multiple_of3A_108 = tpu.assume_multiple %mul3A_107, 128 : i32
        "tpu.region"() ({
          %run_scoped3A = tpu.sem_alloc : memref<!tpu.dma_semaphore, #tpu.memory_space<semaphore_mem>>
          %dma_start3A = arith.constant 0 : i32
          %dma_start3A_109 = tpu.memref_slice %arg6[%multiple_of3A_108, %dma_start3A] : memref<327680x128xf32, #tpu.memory_space<hbm>> -> memref<128x128xf32, #tpu.memory_space<hbm>>
          %dma_start3A_110 = arith.constant 0 : i32
          %dma_start3A_111 = tpu.memref_slice %arg6[%multiple_of3A_108, %dma_start3A_110] : memref<327680x128xf32, #tpu.memory_space<hbm>> -> memref<128x128xf32, #tpu.memory_space<hbm>>
          tpu.enqueue_dma source(%arg12 : memref<128x128xf32, #tpu.memory_space<vmem>>) target(%dma_start3A_111 : memref<128x128xf32, #tpu.memory_space<hbm>>) target_semaphore(%run_scoped3A : memref<!tpu.dma_semaphore, #tpu.memory_space<semaphore_mem>>)
          %dma_wait3A_112 = arith.constant 0 : i32
          %dma_wait3A_113 = tpu.memref_slice %arg6[%multiple_of3A_108, %dma_wait3A_112] : memref<327680x128xf32, #tpu.memory_space<hbm>> -> memref<128x128xf32, #tpu.memory_space<hbm>>
          %dma_wait3A_114 = arith.constant 0 : i32
          %dma_wait3A_115 = tpu.memref_slice %arg6[%multiple_of3A_108, %dma_wait3A_114] : memref<327680x128xf32, #tpu.memory_space<hbm>> -> memref<128x128xf32, #tpu.memory_space<hbm>>
          tpu.wait_dma2 semaphore(%run_scoped3A : memref<!tpu.dma_semaphore, #tpu.memory_space<semaphore_mem>>) src(%arg12 : memref<128x128xf32, #tpu.memory_space<vmem>>) dst(%dma_wait3A_115 : memref<128x128xf32, #tpu.memory_space<hbm>>)
          tpu.yield
        }) : () -> ()
      } else {
      }
      %add3A_63 = arith.constant 1 : i32
      %add3A_64 = arith.addi %mul3A_51, %add3A_63 : i32
      %add3A_65 = arith.constant 3 : i32
      %add3A_66 = arith.addi %add3A_64, %add3A_65 : i32
      %lt3A_67 = arith.cmpi slt, %add3A_66, %select_n3A : i32
      %convert_element_type3A_68 = arith.extui %lt3A_67 : i1 to i32
      %cond3A_69 = arith.constant 0 : i32
      %cond3A_70 = arith.cmpi ne, %convert_element_type3A_68, %cond3A_69 : i32
      scf.if %cond3A_70 {
        %add3A_100 = arith.constant 3 : i32
        %add3A_101 = arith.addi %add3A_64, %add3A_100 : i32
        %dma_start3A = arith.constant 0 : i32
        %dma_start3A_102 = tpu.memref_slice %arg8[%add3A_101, %dma_start3A] : memref<144x128xi32, #tpu.memory_space<vmem>> -> memref<1x128xi32, #tpu.memory_space<vmem>>
        %dma_start3A_103 = tpu.memref_squeeze %dma_start3A_102 : memref<1x128xi32, #tpu.memory_space<vmem>> -> memref<128xi32, #tpu.memory_space<vmem>>
        %dma_start3A_104 = arith.constant 0 : i32
        %dma_start3A_105 = arith.constant 0 : i32
        %dma_start3A_106 = tpu.memref_slice %arg2[%dma_start3A_104, %dma_start3A_105] : memref<10000x128xf32, #tpu.memory_space<hbm>> -> memref<10000x128xf32, #tpu.memory_space<hbm>>
        tpu.enqueue_indirect_dma source(%dma_start3A_106 : memref<10000x128xf32, #tpu.memory_space<hbm>>) target(%arg12 : memref<128x128xf32, #tpu.memory_space<vmem>>) offsets(%dma_start3A_103 : memref<128xi32, #tpu.memory_space<vmem>>) semaphore(%arg17 : memref<!tpu.dma_semaphore, #tpu.memory_space<semaphore_mem>>)
      } else {
      }
      %lt3A_71 = arith.cmpi slt, %add3A_64, %select_n3A : i32
      %convert_element_type3A_72 = arith.extui %lt3A_71 : i1 to i32
      %cond3A_73 = arith.constant 0 : i32
      %cond3A_74 = arith.cmpi ne, %convert_element_type3A_72, %cond3A_73 : i32
      scf.if %cond3A_74 {
        %dma_wait3A = arith.constant 0 : i32
        %dma_wait3A_100 = tpu.memref_slice %arg8[%add3A_64, %dma_wait3A] : memref<144x128xi32, #tpu.memory_space<vmem>> -> memref<1x128xi32, #tpu.memory_space<vmem>>
        %dma_wait3A_101 = tpu.memref_squeeze %dma_wait3A_100 : memref<1x128xi32, #tpu.memory_space<vmem>> -> memref<128xi32, #tpu.memory_space<vmem>>
        %dma_wait3A_102 = arith.constant 0 : i32
        %dma_wait3A_103 = arith.constant 0 : i32
        %dma_wait3A_104 = tpu.memref_slice %arg2[%dma_wait3A_102, %dma_wait3A_103] : memref<10000x128xf32, #tpu.memory_space<hbm>> -> memref<10000x128xf32, #tpu.memory_space<hbm>>
        tpu.wait_indirect_dma semaphore(%arg18 : memref<!tpu.dma_semaphore, #tpu.memory_space<semaphore_mem>>) src(%dma_wait3A_104 : memref<10000x128xf32, #tpu.memory_space<hbm>>) dst(%arg13 : memref<128x128xf32, #tpu.memory_space<vmem>>)
        %add3A_105 = arith.addi %multiple_of3A, %add3A_64 : i32
        %mul3A_106 = arith.constant 128 : i32
        %mul3A_107 = arith.muli %add3A_105, %mul3A_106 : i32
        %multiple_of3A_108 = tpu.assume_multiple %mul3A_107, 128 : i32
        "tpu.region"() ({
          %run_scoped3A = tpu.sem_alloc : memref<!tpu.dma_semaphore, #tpu.memory_space<semaphore_mem>>
          %dma_start3A = arith.constant 0 : i32
          %dma_start3A_109 = tpu.memref_slice %arg6[%multiple_of3A_108, %dma_start3A] : memref<327680x128xf32, #tpu.memory_space<hbm>> -> memref<128x128xf32, #tpu.memory_space<hbm>>
          %dma_start3A_110 = arith.constant 0 : i32
          %dma_start3A_111 = tpu.memref_slice %arg6[%multiple_of3A_108, %dma_start3A_110] : memref<327680x128xf32, #tpu.memory_space<hbm>> -> memref<128x128xf32, #tpu.memory_space<hbm>>
          tpu.enqueue_dma source(%arg13 : memref<128x128xf32, #tpu.memory_space<vmem>>) target(%dma_start3A_111 : memref<128x128xf32, #tpu.memory_space<hbm>>) target_semaphore(%run_scoped3A : memref<!tpu.dma_semaphore, #tpu.memory_space<semaphore_mem>>)
          %dma_wait3A_112 = arith.constant 0 : i32
          %dma_wait3A_113 = tpu.memref_slice %arg6[%multiple_of3A_108, %dma_wait3A_112] : memref<327680x128xf32, #tpu.memory_space<hbm>> -> memref<128x128xf32, #tpu.memory_space<hbm>>
          %dma_wait3A_114 = arith.constant 0 : i32
          %dma_wait3A_115 = tpu.memref_slice %arg6[%multiple_of3A_108, %dma_wait3A_114] : memref<327680x128xf32, #tpu.memory_space<hbm>> -> memref<128x128xf32, #tpu.memory_space<hbm>>
          tpu.wait_dma2 semaphore(%run_scoped3A : memref<!tpu.dma_semaphore, #tpu.memory_space<semaphore_mem>>) src(%arg13 : memref<128x128xf32, #tpu.memory_space<vmem>>) dst(%dma_wait3A_115 : memref<128x128xf32, #tpu.memory_space<hbm>>)
          tpu.yield
        }) : () -> ()
      } else {
      }
      %add3A_75 = arith.constant 2 : i32
      %add3A_76 = arith.addi %mul3A_51, %add3A_75 : i32
      %add3A_77 = arith.constant 3 : i32
      %add3A_78 = arith.addi %add3A_76, %add3A_77 : i32
      %lt3A_79 = arith.cmpi slt, %add3A_78, %select_n3A : i32
      %convert_element_type3A_80 = arith.extui %lt3A_79 : i1 to i32
      %cond3A_81 = arith.constant 0 : i32
      %cond3A_82 = arith.cmpi ne, %convert_element_type3A_80, %cond3A_81 : i32
      scf.if %cond3A_82 {
        %add3A_100 = arith.constant 3 : i32
        %add3A_101 = arith.addi %add3A_76, %add3A_100 : i32
        %dma_start3A = arith.constant 0 : i32
        %dma_start3A_102 = tpu.memref_slice %arg8[%add3A_101, %dma_start3A] : memref<144x128xi32, #tpu.memory_space<vmem>> -> memref<1x128xi32, #tpu.memory_space<vmem>>
        %dma_start3A_103 = tpu.memref_squeeze %dma_start3A_102 : memref<1x128xi32, #tpu.memory_space<vmem>> -> memref<128xi32, #tpu.memory_space<vmem>>
        %dma_start3A_104 = arith.constant 0 : i32
        %dma_start3A_105 = arith.constant 0 : i32
        %dma_start3A_106 = tpu.memref_slice %arg2[%dma_start3A_104, %dma_start3A_105] : memref<10000x128xf32, #tpu.memory_space<hbm>> -> memref<10000x128xf32, #tpu.memory_space<hbm>>
        tpu.enqueue_indirect_dma source(%dma_start3A_106 : memref<10000x128xf32, #tpu.memory_space<hbm>>) target(%arg13 : memref<128x128xf32, #tpu.memory_space<vmem>>) offsets(%dma_start3A_103 : memref<128xi32, #tpu.memory_space<vmem>>) semaphore(%arg18 : memref<!tpu.dma_semaphore, #tpu.memory_space<semaphore_mem>>)
      } else {
      }
      %lt3A_83 = arith.cmpi slt, %add3A_76, %select_n3A : i32
      %convert_element_type3A_84 = arith.extui %lt3A_83 : i1 to i32
      %cond3A_85 = arith.constant 0 : i32
      %cond3A_86 = arith.cmpi ne, %convert_element_type3A_84, %cond3A_85 : i32
      scf.if %cond3A_86 {
        %dma_wait3A = arith.constant 0 : i32
        %dma_wait3A_100 = tpu.memref_slice %arg8[%add3A_76, %dma_wait3A] : memref<144x128xi32, #tpu.memory_space<vmem>> -> memref<1x128xi32, #tpu.memory_space<vmem>>
        %dma_wait3A_101 = tpu.memref_squeeze %dma_wait3A_100 : memref<1x128xi32, #tpu.memory_space<vmem>> -> memref<128xi32, #tpu.memory_space<vmem>>
        %dma_wait3A_102 = arith.constant 0 : i32
        %dma_wait3A_103 = arith.constant 0 : i32
        %dma_wait3A_104 = tpu.memref_slice %arg2[%dma_wait3A_102, %dma_wait3A_103] : memref<10000x128xf32, #tpu.memory_space<hbm>> -> memref<10000x128xf32, #tpu.memory_space<hbm>>
        tpu.wait_indirect_dma semaphore(%arg19 : memref<!tpu.dma_semaphore, #tpu.memory_space<semaphore_mem>>) src(%dma_wait3A_104 : memref<10000x128xf32, #tpu.memory_space<hbm>>) dst(%arg14 : memref<128x128xf32, #tpu.memory_space<vmem>>)
        %add3A_105 = arith.addi %multiple_of3A, %add3A_76 : i32
        %mul3A_106 = arith.constant 128 : i32
        %mul3A_107 = arith.muli %add3A_105, %mul3A_106 : i32
        %multiple_of3A_108 = tpu.assume_multiple %mul3A_107, 128 : i32
        "tpu.region"() ({
          %run_scoped3A = tpu.sem_alloc : memref<!tpu.dma_semaphore, #tpu.memory_space<semaphore_mem>>
          %dma_start3A = arith.constant 0 : i32
          %dma_start3A_109 = tpu.memref_slice %arg6[%multiple_of3A_108, %dma_start3A] : memref<327680x128xf32, #tpu.memory_space<hbm>> -> memref<128x128xf32, #tpu.memory_space<hbm>>
          %dma_start3A_110 = arith.constant 0 : i32
          %dma_start3A_111 = tpu.memref_slice %arg6[%multiple_of3A_108, %dma_start3A_110] : memref<327680x128xf32, #tpu.memory_space<hbm>> -> memref<128x128xf32, #tpu.memory_space<hbm>>
          tpu.enqueue_dma source(%arg14 : memref<128x128xf32, #tpu.memory_space<vmem>>) target(%dma_start3A_111 : memref<128x128xf32, #tpu.memory_space<hbm>>) target_semaphore(%run_scoped3A : memref<!tpu.dma_semaphore, #tpu.memory_space<semaphore_mem>>)
          %dma_wait3A_112 = arith.constant 0 : i32
          %dma_wait3A_113 = tpu.memref_slice %arg6[%multiple_of3A_108, %dma_wait3A_112] : memref<327680x128xf32, #tpu.memory_space<hbm>> -> memref<128x128xf32, #tpu.memory_space<hbm>>
          %dma_wait3A_114 = arith.constant 0 : i32
          %dma_wait3A_115 = tpu.memref_slice %arg6[%multiple_of3A_108, %dma_wait3A_114] : memref<327680x128xf32, #tpu.memory_space<hbm>> -> memref<128x128xf32, #tpu.memory_space<hbm>>
          tpu.wait_dma2 semaphore(%run_scoped3A : memref<!tpu.dma_semaphore, #tpu.memory_space<semaphore_mem>>) src(%arg14 : memref<128x128xf32, #tpu.memory_space<vmem>>) dst(%dma_wait3A_115 : memref<128x128xf32, #tpu.memory_space<hbm>>)
          tpu.yield
        }) : () -> ()
      } else {
      }
      %add3A_87 = arith.constant 3 : i32
      %add3A_88 = arith.addi %mul3A_51, %add3A_87 : i32
      %add3A_89 = arith.constant 3 : i32
      %add3A_90 = arith.addi %add3A_88, %add3A_89 : i32
      %lt3A_91 = arith.cmpi slt, %add3A_90, %select_n3A : i32
      %convert_element_type3A_92 = arith.extui %lt3A_91 : i1 to i32
      %cond3A_93 = arith.constant 0 : i32
      %cond3A_94 = arith.cmpi ne, %convert_element_type3A_92, %cond3A_93 : i32
      scf.if %cond3A_94 {
        %add3A_100 = arith.constant 3 : i32
        %add3A_101 = arith.addi %add3A_88, %add3A_100 : i32
        %dma_start3A = arith.constant 0 : i32
        %dma_start3A_102 = tpu.memref_slice %arg8[%add3A_101, %dma_start3A] : memref<144x128xi32, #tpu.memory_space<vmem>> -> memref<1x128xi32, #tpu.memory_space<vmem>>
        %dma_start3A_103 = tpu.memref_squeeze %dma_start3A_102 : memref<1x128xi32, #tpu.memory_space<vmem>> -> memref<128xi32, #tpu.memory_space<vmem>>
        %dma_start3A_104 = arith.constant 0 : i32
        %dma_start3A_105 = arith.constant 0 : i32
        %dma_start3A_106 = tpu.memref_slice %arg2[%dma_start3A_104, %dma_start3A_105] : memref<10000x128xf32, #tpu.memory_space<hbm>> -> memref<10000x128xf32, #tpu.memory_space<hbm>>
        tpu.enqueue_indirect_dma source(%dma_start3A_106 : memref<10000x128xf32, #tpu.memory_space<hbm>>) target(%arg14 : memref<128x128xf32, #tpu.memory_space<vmem>>) offsets(%dma_start3A_103 : memref<128xi32, #tpu.memory_space<vmem>>) semaphore(%arg19 : memref<!tpu.dma_semaphore, #tpu.memory_space<semaphore_mem>>)
      } else {
      }
      %lt3A_95 = arith.cmpi slt, %add3A_88, %select_n3A : i32
      %convert_element_type3A_96 = arith.extui %lt3A_95 : i1 to i32
      %cond3A_97 = arith.constant 0 : i32
      %cond3A_98 = arith.cmpi ne, %convert_element_type3A_96, %cond3A_97 : i32
      scf.if %cond3A_98 {
        %dma_wait3A = arith.constant 0 : i32
        %dma_wait3A_100 = tpu.memref_slice %arg8[%add3A_88, %dma_wait3A] : memref<144x128xi32, #tpu.memory_space<vmem>> -> memref<1x128xi32, #tpu.memory_space<vmem>>
        %dma_wait3A_101 = tpu.memref_squeeze %dma_wait3A_100 : memref<1x128xi32, #tpu.memory_space<vmem>> -> memref<128xi32, #tpu.memory_space<vmem>>
        %dma_wait3A_102 = arith.constant 0 : i32
        %dma_wait3A_103 = arith.constant 0 : i32
        %dma_wait3A_104 = tpu.memref_slice %arg2[%dma_wait3A_102, %dma_wait3A_103] : memref<10000x128xf32, #tpu.memory_space<hbm>> -> memref<10000x128xf32, #tpu.memory_space<hbm>>
        tpu.wait_indirect_dma semaphore(%arg20 : memref<!tpu.dma_semaphore, #tpu.memory_space<semaphore_mem>>) src(%dma_wait3A_104 : memref<10000x128xf32, #tpu.memory_space<hbm>>) dst(%arg15 : memref<128x128xf32, #tpu.memory_space<vmem>>)
        %add3A_105 = arith.addi %multiple_of3A, %add3A_88 : i32
        %mul3A_106 = arith.constant 128 : i32
        %mul3A_107 = arith.muli %add3A_105, %mul3A_106 : i32
        %multiple_of3A_108 = tpu.assume_multiple %mul3A_107, 128 : i32
        "tpu.region"() ({
          %run_scoped3A = tpu.sem_alloc : memref<!tpu.dma_semaphore, #tpu.memory_space<semaphore_mem>>
          %dma_start3A = arith.constant 0 : i32
          %dma_start3A_109 = tpu.memref_slice %arg6[%multiple_of3A_108, %dma_start3A] : memref<327680x128xf32, #tpu.memory_space<hbm>> -> memref<128x128xf32, #tpu.memory_space<hbm>>
          %dma_start3A_110 = arith.constant 0 : i32
          %dma_start3A_111 = tpu.memref_slice %arg6[%multiple_of3A_108, %dma_start3A_110] : memref<327680x128xf32, #tpu.memory_space<hbm>> -> memref<128x128xf32, #tpu.memory_space<hbm>>
          tpu.enqueue_dma source(%arg15 : memref<128x128xf32, #tpu.memory_space<vmem>>) target(%dma_start3A_111 : memref<128x128xf32, #tpu.memory_space<hbm>>) target_semaphore(%run_scoped3A : memref<!tpu.dma_semaphore, #tpu.memory_space<semaphore_mem>>)
          %dma_wait3A_112 = arith.constant 0 : i32
          %dma_wait3A_113 = tpu.memref_slice %arg6[%multiple_of3A_108, %dma_wait3A_112] : memref<327680x128xf32, #tpu.memory_space<hbm>> -> memref<128x128xf32, #tpu.memory_space<hbm>>
          %dma_wait3A_114 = arith.constant 0 : i32
          %dma_wait3A_115 = tpu.memref_slice %arg6[%multiple_of3A_108, %dma_wait3A_114] : memref<327680x128xf32, #tpu.memory_space<hbm>> -> memref<128x128xf32, #tpu.memory_space<hbm>>
          tpu.wait_dma2 semaphore(%run_scoped3A : memref<!tpu.dma_semaphore, #tpu.memory_space<semaphore_mem>>) src(%arg15 : memref<128x128xf32, #tpu.memory_space<vmem>>) dst(%dma_wait3A_115 : memref<128x128xf32, #tpu.memory_space<hbm>>)
          tpu.yield
        }) : () -> ()
      } else {
      }
      %scan3A_99 = arith.constant 0 : i32
      scf.yield %scan3A_99 : i32
    }
    %scan3A_40 = arith.constant 36 : i32
    %scan3A_41 = arith.constant 0 : i32
    %scan3A_42 = arith.constant 0 : i32
    %scan3A_43 = arith.constant 640 : i32
    %scan3A_44 = arith.addi %scan3A_42, %scan3A_43 : i32
    %scan3A_45 = arith.constant 1 : i32
    %scan3A_46 = scf.for %scan3A_48 = %scan3A_42 to %scan3A_44 step %scan3A_45 iter_args(%scan3A_49 = %scan3A_41) -> (i32)  : i32 {
      %mul3A_50 = arith.constant 16 : i32
      %mul3A_51 = arith.muli %scan3A_48, %mul3A_50 : i32
      %get3A = arith.index_cast %mul3A_51 : i32 to index
      %get3A_52 = tpu.vector_load %arg9[%get3A] {strides = array<i32>} : memref<10240xi32, #tpu.memory_space<vmem>>, vector<16xi32>,
      %gather3A = tpu.vector_load_idx %arg10[%get3A_52] : memref<10240xf32, #tpu.memory_space<vmem>>[vector<16xi32>], vector<16xf32>,
      %swap3A = arith.index_cast %mul3A_51 : i32 to index
      %swap3A_53 = tpu.vector_load %arg11[%swap3A] {strides = array<i32>} : memref<10240xf32, #tpu.memory_space<vmem>>, vector<16xf32>,
      tpu.vector_store %arg11[%swap3A], %gather3A {strides = array<i32>} : memref<10240xf32, #tpu.memory_space<vmem>>, vector<16xf32>,
      %scan3A_54 = arith.constant 0 : i32
      scf.yield %scan3A_54 : i32
    }
    %scan3A_47 = arith.constant 640 : i32
    "tpu.region"() ({
      %run_scoped3A = tpu.sem_alloc : memref<!tpu.dma_semaphore, #tpu.memory_space<semaphore_mem>>
      %dma_start3A = tpu.memref_slice %arg7[%mul3A_2] : memref<327680xf32, #tpu.memory_space<hbm>> -> memref<10240xf32, #tpu.memory_space<hbm>>
      %dma_start3A_48 = tpu.memref_slice %arg7[%mul3A_2] : memref<327680xf32, #tpu.memory_space<hbm>> -> memref<10240xf32, #tpu.memory_space<hbm>>
      tpu.enqueue_dma source(%arg11 : memref<10240xf32, #tpu.memory_space<vmem>>) target(%dma_start3A_48 : memref<10240xf32, #tpu.memory_space<hbm>>) target_semaphore(%run_scoped3A : memref<!tpu.dma_semaphore, #tpu.memory_space<semaphore_mem>>)
      %dma_wait3A = tpu.memref_slice %arg7[%mul3A_2] : memref<327680xf32, #tpu.memory_space<hbm>> -> memref<10240xf32, #tpu.memory_space<hbm>>
      %dma_wait3A_49 = tpu.memref_slice %arg7[%mul3A_2] : memref<327680xf32, #tpu.memory_space<hbm>> -> memref<10240xf32, #tpu.memory_space<hbm>>
      tpu.wait_dma2 semaphore(%run_scoped3A : memref<!tpu.dma_semaphore, #tpu.memory_space<semaphore_mem>>) src(%arg11 : memref<10240xf32, #tpu.memory_space<vmem>>) dst(%dma_wait3A_49 : memref<10240xf32, #tpu.memory_space<hbm>>)
      tpu.yield
    }) : () -> ()
    return
  }
}

#map = affine_map<(d0, d1) -> (0, 0)>
#map1 = affine_map<(d0, d1) -> (0, 0, 0)>
module attributes {stable_mosaic.version = 14 : i64} {
  func.func @ks(%arg0: i32, %arg1: i32, %arg2: memref<327680x128xf32, #tpu.memory_space<hbm>>, %arg3: memref<32x80x128xi32, #tpu.memory_space<hbm>>, %arg4: memref<2x10240x128xf32, #tpu.memory_space<hbm>>, %arg5: memref<80x128xi32, #tpu.memory_space<vmem>>, %arg6: memref<128x128xf32, #tpu.memory_space<vmem>>, %arg7: memref<128x128xf32, #tpu.memory_space<vmem>>, %arg8: memref<10240x128xf32, #tpu.memory_space<vmem_shared>>, %arg9: memref<!tpu.dma_semaphore, #tpu.memory_space<semaphore_mem>>, %arg10: memref<!tpu.dma_semaphore, #tpu.memory_space<semaphore_mem>>) attributes {dimension_semantics = [#tpu.dimension_semantics<core_parallel>, #tpu.dimension_semantics<subcore_parallel>], iteration_bounds = array<i64: 2, 16>, scalar_prefetch = 0 : i64, scratch_operands = 6 : i64, tpu.core_type = #tpu.core_type<sc_vector_subcore>, window_params = [{transform_indices = #map}, {transform_indices = #map1}, {transform_indices = #map1}]} {
    %mul3A = arith.constant 2 : i32
    %mul3A_0 = arith.muli %arg1, %mul3A : i32
    %add3A = arith.addi %mul3A_0, %arg0 : i32
    %mul3A_1 = arith.constant 10240 : i32
    %mul3A_2 = arith.muli %add3A, %mul3A_1 : i32
    "tpu.region"() ({
      %run_scoped3A = tpu.sem_alloc : memref<!tpu.dma_semaphore, #tpu.memory_space<semaphore_mem>>
      %dma_start3A_81 = arith.constant 0 : i32
      %dma_start3A_82 = arith.constant 0 : i32
      %dma_start3A_83 = tpu.memref_slice %arg3[%add3A, %dma_start3A_81, %dma_start3A_82] : memref<32x80x128xi32, #tpu.memory_space<hbm>> -> memref<1x80x128xi32, #tpu.memory_space<hbm>>
      %dma_start3A_84 = tpu.memref_squeeze %dma_start3A_83 : memref<1x80x128xi32, #tpu.memory_space<hbm>> -> memref<80x128xi32, #tpu.memory_space<hbm>>
      %dma_start3A_85 = arith.constant 0 : i32
      %dma_start3A_86 = arith.constant 0 : i32
      %dma_start3A_87 = tpu.memref_slice %arg3[%add3A, %dma_start3A_85, %dma_start3A_86] : memref<32x80x128xi32, #tpu.memory_space<hbm>> -> memref<1x80x128xi32, #tpu.memory_space<hbm>>
      %dma_start3A_88 = tpu.memref_squeeze %dma_start3A_87 : memref<1x80x128xi32, #tpu.memory_space<hbm>> -> memref<80x128xi32, #tpu.memory_space<hbm>>
      tpu.enqueue_dma source(%dma_start3A_88 : memref<80x128xi32, #tpu.memory_space<hbm>>) target(%arg5 : memref<80x128xi32, #tpu.memory_space<vmem>>) target_semaphore(%run_scoped3A : memref<!tpu.dma_semaphore, #tpu.memory_space<semaphore_mem>>)
      %dma_wait3A = arith.constant 0 : i32
      %dma_wait3A_89 = arith.constant 0 : i32
      %dma_wait3A_90 = tpu.memref_slice %arg3[%add3A, %dma_wait3A, %dma_wait3A_89] : memref<32x80x128xi32, #tpu.memory_space<hbm>> -> memref<1x80x128xi32, #tpu.memory_space<hbm>>
      %dma_wait3A_91 = tpu.memref_squeeze %dma_wait3A_90 : memref<1x80x128xi32, #tpu.memory_space<hbm>> -> memref<80x128xi32, #tpu.memory_space<hbm>>
      %dma_wait3A_92 = arith.constant 0 : i32
      %dma_wait3A_93 = arith.constant 0 : i32
      %dma_wait3A_94 = tpu.memref_slice %arg3[%add3A, %dma_wait3A_92, %dma_wait3A_93] : memref<32x80x128xi32, #tpu.memory_space<hbm>> -> memref<1x80x128xi32, #tpu.memory_space<hbm>>
      %dma_wait3A_95 = tpu.memref_squeeze %dma_wait3A_94 : memref<1x80x128xi32, #tpu.memory_space<hbm>> -> memref<80x128xi32, #tpu.memory_space<hbm>>
      tpu.wait_dma2 semaphore(%run_scoped3A : memref<!tpu.dma_semaphore, #tpu.memory_space<semaphore_mem>>) src(%dma_wait3A_95 : memref<80x128xi32, #tpu.memory_space<hbm>>) dst(%arg5 : memref<80x128xi32, #tpu.memory_space<vmem>>)
      tpu.yield
    }) : () -> ()
    %broadcast_in_dim3A = arith.constant 0.000000e+00 : f32
    %broadcast_in_dim3A_3 = vector.broadcast %broadcast_in_dim3A : f32 to vector<16xf32>
    %scan3A = arith.constant 0 : i32
    %scan3A_4 = arith.constant 0 : i32
    %scan3A_5 = arith.constant 128 : i32
    %scan3A_6 = arith.addi %scan3A_4, %scan3A_5 : i32
    %scan3A_7 = arith.constant 1 : i32
    %scan3A_8 = scf.for %scan3A_81 = %scan3A_4 to %scan3A_6 step %scan3A_7 iter_args(%scan3A_82 = %scan3A) -> (i32)  : i32 {
      %swap3A = arith.index_cast %scan3A_81 : i32 to index
      %swap3A_83 = arith.constant 0 : index
      %swap3A_84 = tpu.vector_load %arg6[%swap3A, %swap3A_83] {strides = array<i32>} : memref<128x128xf32, #tpu.memory_space<vmem>>, vector<16xf32>,
      tpu.vector_store %arg6[%swap3A, %swap3A_83], %broadcast_in_dim3A_3 {strides = array<i32>} : memref<128x128xf32, #tpu.memory_space<vmem>>, vector<16xf32>,
      %swap3A_85 = arith.index_cast %scan3A_81 : i32 to index
      %swap3A_86 = arith.constant 16 : index
      %swap3A_87 = tpu.vector_load %arg6[%swap3A_85, %swap3A_86] {strides = array<i32>} : memref<128x128xf32, #tpu.memory_space<vmem>>, vector<16xf32>,
      tpu.vector_store %arg6[%swap3A_85, %swap3A_86], %broadcast_in_dim3A_3 {strides = array<i32>} : memref<128x128xf32, #tpu.memory_space<vmem>>, vector<16xf32>,
      %swap3A_88 = arith.index_cast %scan3A_81 : i32 to index
      %swap3A_89 = arith.constant 32 : index
      %swap3A_90 = tpu.vector_load %arg6[%swap3A_88, %swap3A_89] {strides = array<i32>} : memref<128x128xf32, #tpu.memory_space<vmem>>, vector<16xf32>,
      tpu.vector_store %arg6[%swap3A_88, %swap3A_89], %broadcast_in_dim3A_3 {strides = array<i32>} : memref<128x128xf32, #tpu.memory_space<vmem>>, vector<16xf32>,
      %swap3A_91 = arith.index_cast %scan3A_81 : i32 to index
      %swap3A_92 = arith.constant 48 : index
      %swap3A_93 = tpu.vector_load %arg6[%swap3A_91, %swap3A_92] {strides = array<i32>} : memref<128x128xf32, #tpu.memory_space<vmem>>, vector<16xf32>,
      tpu.vector_store %arg6[%swap3A_91, %swap3A_92], %broadcast_in_dim3A_3 {strides = array<i32>} : memref<128x128xf32, #tpu.memory_space<vmem>>, vector<16xf32>,
      %swap3A_94 = arith.index_cast %scan3A_81 : i32 to index
      %swap3A_95 = arith.constant 64 : index
      %swap3A_96 = tpu.vector_load %arg6[%swap3A_94, %swap3A_95] {strides = array<i32>} : memref<128x128xf32, #tpu.memory_space<vmem>>, vector<16xf32>,
      tpu.vector_store %arg6[%swap3A_94, %swap3A_95], %broadcast_in_dim3A_3 {strides = array<i32>} : memref<128x128xf32, #tpu.memory_space<vmem>>, vector<16xf32>,
      %swap3A_97 = arith.index_cast %scan3A_81 : i32 to index
      %swap3A_98 = arith.constant 80 : index
      %swap3A_99 = tpu.vector_load %arg6[%swap3A_97, %swap3A_98] {strides = array<i32>} : memref<128x128xf32, #tpu.memory_space<vmem>>, vector<16xf32>,
      tpu.vector_store %arg6[%swap3A_97, %swap3A_98], %broadcast_in_dim3A_3 {strides = array<i32>} : memref<128x128xf32, #tpu.memory_space<vmem>>, vector<16xf32>,
      %swap3A_100 = arith.index_cast %scan3A_81 : i32 to index
      %swap3A_101 = arith.constant 96 : index
      %swap3A_102 = tpu.vector_load %arg6[%swap3A_100, %swap3A_101] {strides = array<i32>} : memref<128x128xf32, #tpu.memory_space<vmem>>, vector<16xf32>,
      tpu.vector_store %arg6[%swap3A_100, %swap3A_101], %broadcast_in_dim3A_3 {strides = array<i32>} : memref<128x128xf32, #tpu.memory_space<vmem>>, vector<16xf32>,
      %swap3A_103 = arith.index_cast %scan3A_81 : i32 to index
      %swap3A_104 = arith.constant 112 : index
      %swap3A_105 = tpu.vector_load %arg6[%swap3A_103, %swap3A_104] {strides = array<i32>} : memref<128x128xf32, #tpu.memory_space<vmem>>, vector<16xf32>,
      tpu.vector_store %arg6[%swap3A_103, %swap3A_104], %broadcast_in_dim3A_3 {strides = array<i32>} : memref<128x128xf32, #tpu.memory_space<vmem>>, vector<16xf32>,
      %scan3A_106 = arith.constant 0 : i32
      scf.yield %scan3A_106 : i32
    }
    %scan3A_9 = arith.constant 128 : i32
    %mul3A_10 = arith.constant 640 : i32
    %mul3A_11 = arith.muli %arg1, %mul3A_10 : i32
    %add3A_12 = arith.constant 0 : i32
    %add3A_13 = arith.addi %mul3A_11, %add3A_12 : i32
    "tpu.region"() ({
      %run_scoped3A = tpu.sem_alloc : memref<!tpu.dma_semaphore, #tpu.memory_space<semaphore_mem>>
      %dma_start3A_81 = arith.constant 0 : i32
      %dma_start3A_82 = tpu.memref_slice %arg8[%add3A_13, %dma_start3A_81] : memref<10240x128xf32, #tpu.memory_space<vmem_shared>> -> memref<128x128xf32, #tpu.memory_space<vmem_shared>>
      %dma_start3A_83 = arith.constant 0 : i32
      %dma_start3A_84 = tpu.memref_slice %arg8[%add3A_13, %dma_start3A_83] : memref<10240x128xf32, #tpu.memory_space<vmem_shared>> -> memref<128x128xf32, #tpu.memory_space<vmem_shared>>
      tpu.enqueue_dma source(%arg6 : memref<128x128xf32, #tpu.memory_space<vmem>>) target(%dma_start3A_84 : memref<128x128xf32, #tpu.memory_space<vmem_shared>>) target_semaphore(%run_scoped3A : memref<!tpu.dma_semaphore, #tpu.memory_space<semaphore_mem>>)
      %dma_wait3A = arith.constant 0 : i32
      %dma_wait3A_85 = tpu.memref_slice %arg8[%add3A_13, %dma_wait3A] : memref<10240x128xf32, #tpu.memory_space<vmem_shared>> -> memref<128x128xf32, #tpu.memory_space<vmem_shared>>
      %dma_wait3A_86 = arith.constant 0 : i32
      %dma_wait3A_87 = tpu.memref_slice %arg8[%add3A_13, %dma_wait3A_86] : memref<10240x128xf32, #tpu.memory_space<vmem_shared>> -> memref<128x128xf32, #tpu.memory_space<vmem_shared>>
      tpu.wait_dma2 semaphore(%run_scoped3A : memref<!tpu.dma_semaphore, #tpu.memory_space<semaphore_mem>>) src(%arg6 : memref<128x128xf32, #tpu.memory_space<vmem>>) dst(%dma_wait3A_87 : memref<128x128xf32, #tpu.memory_space<vmem_shared>>)
      tpu.yield
    }) : () -> ()
    %mul3A_14 = arith.constant 640 : i32
    %mul3A_15 = arith.muli %arg1, %mul3A_14 : i32
    %add3A_16 = arith.constant 128 : i32
    %add3A_17 = arith.addi %mul3A_15, %add3A_16 : i32
    "tpu.region"() ({
      %run_scoped3A = tpu.sem_alloc : memref<!tpu.dma_semaphore, #tpu.memory_space<semaphore_mem>>
      %dma_start3A_81 = arith.constant 0 : i32
      %dma_start3A_82 = tpu.memref_slice %arg8[%add3A_17, %dma_start3A_81] : memref<10240x128xf32, #tpu.memory_space<vmem_shared>> -> memref<128x128xf32, #tpu.memory_space<vmem_shared>>
      %dma_start3A_83 = arith.constant 0 : i32
      %dma_start3A_84 = tpu.memref_slice %arg8[%add3A_17, %dma_start3A_83] : memref<10240x128xf32, #tpu.memory_space<vmem_shared>> -> memref<128x128xf32, #tpu.memory_space<vmem_shared>>
      tpu.enqueue_dma source(%arg6 : memref<128x128xf32, #tpu.memory_space<vmem>>) target(%dma_start3A_84 : memref<128x128xf32, #tpu.memory_space<vmem_shared>>) target_semaphore(%run_scoped3A : memref<!tpu.dma_semaphore, #tpu.memory_space<semaphore_mem>>)
      %dma_wait3A = arith.constant 0 : i32
      %dma_wait3A_85 = tpu.memref_slice %arg8[%add3A_17, %dma_wait3A] : memref<10240x128xf32, #tpu.memory_space<vmem_shared>> -> memref<128x128xf32, #tpu.memory_space<vmem_shared>>
      %dma_wait3A_86 = arith.constant 0 : i32
      %dma_wait3A_87 = tpu.memref_slice %arg8[%add3A_17, %dma_wait3A_86] : memref<10240x128xf32, #tpu.memory_space<vmem_shared>> -> memref<128x128xf32, #tpu.memory_space<vmem_shared>>
      tpu.wait_dma2 semaphore(%run_scoped3A : memref<!tpu.dma_semaphore, #tpu.memory_space<semaphore_mem>>) src(%arg6 : memref<128x128xf32, #tpu.memory_space<vmem>>) dst(%dma_wait3A_87 : memref<128x128xf32, #tpu.memory_space<vmem_shared>>)
      tpu.yield
    }) : () -> ()
    %mul3A_18 = arith.constant 640 : i32
    %mul3A_19 = arith.muli %arg1, %mul3A_18 : i32
    %add3A_20 = arith.constant 256 : i32
    %add3A_21 = arith.addi %mul3A_19, %add3A_20 : i32
    "tpu.region"() ({
      %run_scoped3A = tpu.sem_alloc : memref<!tpu.dma_semaphore, #tpu.memory_space<semaphore_mem>>
      %dma_start3A_81 = arith.constant 0 : i32
      %dma_start3A_82 = tpu.memref_slice %arg8[%add3A_21, %dma_start3A_81] : memref<10240x128xf32, #tpu.memory_space<vmem_shared>> -> memref<128x128xf32, #tpu.memory_space<vmem_shared>>
      %dma_start3A_83 = arith.constant 0 : i32
      %dma_start3A_84 = tpu.memref_slice %arg8[%add3A_21, %dma_start3A_83] : memref<10240x128xf32, #tpu.memory_space<vmem_shared>> -> memref<128x128xf32, #tpu.memory_space<vmem_shared>>
      tpu.enqueue_dma source(%arg6 : memref<128x128xf32, #tpu.memory_space<vmem>>) target(%dma_start3A_84 : memref<128x128xf32, #tpu.memory_space<vmem_shared>>) target_semaphore(%run_scoped3A : memref<!tpu.dma_semaphore, #tpu.memory_space<semaphore_mem>>)
      %dma_wait3A = arith.constant 0 : i32
      %dma_wait3A_85 = tpu.memref_slice %arg8[%add3A_21, %dma_wait3A] : memref<10240x128xf32, #tpu.memory_space<vmem_shared>> -> memref<128x128xf32, #tpu.memory_space<vmem_shared>>
      %dma_wait3A_86 = arith.constant 0 : i32
      %dma_wait3A_87 = tpu.memref_slice %arg8[%add3A_21, %dma_wait3A_86] : memref<10240x128xf32, #tpu.memory_space<vmem_shared>> -> memref<128x128xf32, #tpu.memory_space<vmem_shared>>
      tpu.wait_dma2 semaphore(%run_scoped3A : memref<!tpu.dma_semaphore, #tpu.memory_space<semaphore_mem>>) src(%arg6 : memref<128x128xf32, #tpu.memory_space<vmem>>) dst(%dma_wait3A_87 : memref<128x128xf32, #tpu.memory_space<vmem_shared>>)
      tpu.yield
    }) : () -> ()
    %mul3A_22 = arith.constant 640 : i32
    %mul3A_23 = arith.muli %arg1, %mul3A_22 : i32
    %add3A_24 = arith.constant 384 : i32
    %add3A_25 = arith.addi %mul3A_23, %add3A_24 : i32
    "tpu.region"() ({
      %run_scoped3A = tpu.sem_alloc : memref<!tpu.dma_semaphore, #tpu.memory_space<semaphore_mem>>
      %dma_start3A_81 = arith.constant 0 : i32
      %dma_start3A_82 = tpu.memref_slice %arg8[%add3A_25, %dma_start3A_81] : memref<10240x128xf32, #tpu.memory_space<vmem_shared>> -> memref<128x128xf32, #tpu.memory_space<vmem_shared>>
      %dma_start3A_83 = arith.constant 0 : i32
      %dma_start3A_84 = tpu.memref_slice %arg8[%add3A_25, %dma_start3A_83] : memref<10240x128xf32, #tpu.memory_space<vmem_shared>> -> memref<128x128xf32, #tpu.memory_space<vmem_shared>>
      tpu.enqueue_dma source(%arg6 : memref<128x128xf32, #tpu.memory_space<vmem>>) target(%dma_start3A_84 : memref<128x128xf32, #tpu.memory_space<vmem_shared>>) target_semaphore(%run_scoped3A : memref<!tpu.dma_semaphore, #tpu.memory_space<semaphore_mem>>)
      %dma_wait3A = arith.constant 0 : i32
      %dma_wait3A_85 = tpu.memref_slice %arg8[%add3A_25, %dma_wait3A] : memref<10240x128xf32, #tpu.memory_space<vmem_shared>> -> memref<128x128xf32, #tpu.memory_space<vmem_shared>>
      %dma_wait3A_86 = arith.constant 0 : i32
      %dma_wait3A_87 = tpu.memref_slice %arg8[%add3A_25, %dma_wait3A_86] : memref<10240x128xf32, #tpu.memory_space<vmem_shared>> -> memref<128x128xf32, #tpu.memory_space<vmem_shared>>
      tpu.wait_dma2 semaphore(%run_scoped3A : memref<!tpu.dma_semaphore, #tpu.memory_space<semaphore_mem>>) src(%arg6 : memref<128x128xf32, #tpu.memory_space<vmem>>) dst(%dma_wait3A_87 : memref<128x128xf32, #tpu.memory_space<vmem_shared>>)
      tpu.yield
    }) : () -> ()
    %mul3A_26 = arith.constant 640 : i32
    %mul3A_27 = arith.muli %arg1, %mul3A_26 : i32
    %add3A_28 = arith.constant 512 : i32
    %add3A_29 = arith.addi %mul3A_27, %add3A_28 : i32
    "tpu.region"() ({
      %run_scoped3A = tpu.sem_alloc : memref<!tpu.dma_semaphore, #tpu.memory_space<semaphore_mem>>
      %dma_start3A_81 = arith.constant 0 : i32
      %dma_start3A_82 = tpu.memref_slice %arg8[%add3A_29, %dma_start3A_81] : memref<10240x128xf32, #tpu.memory_space<vmem_shared>> -> memref<128x128xf32, #tpu.memory_space<vmem_shared>>
      %dma_start3A_83 = arith.constant 0 : i32
      %dma_start3A_84 = tpu.memref_slice %arg8[%add3A_29, %dma_start3A_83] : memref<10240x128xf32, #tpu.memory_space<vmem_shared>> -> memref<128x128xf32, #tpu.memory_space<vmem_shared>>
      tpu.enqueue_dma source(%arg6 : memref<128x128xf32, #tpu.memory_space<vmem>>) target(%dma_start3A_84 : memref<128x128xf32, #tpu.memory_space<vmem_shared>>) target_semaphore(%run_scoped3A : memref<!tpu.dma_semaphore, #tpu.memory_space<semaphore_mem>>)
      %dma_wait3A = arith.constant 0 : i32
      %dma_wait3A_85 = tpu.memref_slice %arg8[%add3A_29, %dma_wait3A] : memref<10240x128xf32, #tpu.memory_space<vmem_shared>> -> memref<128x128xf32, #tpu.memory_space<vmem_shared>>
      %dma_wait3A_86 = arith.constant 0 : i32
      %dma_wait3A_87 = tpu.memref_slice %arg8[%add3A_29, %dma_wait3A_86] : memref<10240x128xf32, #tpu.memory_space<vmem_shared>> -> memref<128x128xf32, #tpu.memory_space<vmem_shared>>
      tpu.wait_dma2 semaphore(%run_scoped3A : memref<!tpu.dma_semaphore, #tpu.memory_space<semaphore_mem>>) src(%arg6 : memref<128x128xf32, #tpu.memory_space<vmem>>) dst(%dma_wait3A_87 : memref<128x128xf32, #tpu.memory_space<vmem_shared>>)
      tpu.yield
    }) : () -> ()
    %barrier3A = arith.constant 0 : index
    tpu.barrier barrier_id(%barrier3A)
    %dma_start3A = arith.constant 0 : i32
    %dma_start3A_30 = tpu.memref_slice %arg2[%mul3A_2, %dma_start3A] : memref<327680x128xf32, #tpu.memory_space<hbm>> -> memref<128x128xf32, #tpu.memory_space<hbm>>
    %dma_start3A_31 = arith.constant 0 : i32
    %dma_start3A_32 = tpu.memref_slice %arg2[%mul3A_2, %dma_start3A_31] : memref<327680x128xf32, #tpu.memory_space<hbm>> -> memref<128x128xf32, #tpu.memory_space<hbm>>
    tpu.enqueue_dma source(%dma_start3A_32 : memref<128x128xf32, #tpu.memory_space<hbm>>) target(%arg6 : memref<128x128xf32, #tpu.memory_space<vmem>>) target_semaphore(%arg9 : memref<!tpu.dma_semaphore, #tpu.memory_space<semaphore_mem>>)
    %scan3A_33 = arith.constant 0 : i32
    %scan3A_34 = arith.constant 0 : i32
    %scan3A_35 = arith.constant 40 : i32
    %scan3A_36 = arith.addi %scan3A_34, %scan3A_35 : i32
    %scan3A_37 = arith.constant 1 : i32
    %scan3A_38 = scf.for %scan3A_81 = %scan3A_34 to %scan3A_36 step %scan3A_37 iter_args(%scan3A_82 = %scan3A_33) -> (i32)  : i32 {
      %mul3A_83 = arith.constant 2 : i32
      %mul3A_84 = arith.muli %scan3A_81, %mul3A_83 : i32
      %add3A_85 = arith.constant 1 : i32
      %add3A_86 = arith.addi %mul3A_84, %add3A_85 : i32
      %mul3A_87 = arith.constant 128 : i32
      %mul3A_88 = arith.muli %add3A_86, %mul3A_87 : i32
      %add3A_89 = arith.addi %mul3A_2, %mul3A_88 : i32
      %dma_start3A_90 = arith.constant 0 : i32
      %dma_start3A_91 = tpu.memref_slice %arg2[%add3A_89, %dma_start3A_90] : memref<327680x128xf32, #tpu.memory_space<hbm>> -> memref<128x128xf32, #tpu.memory_space<hbm>>
      %dma_start3A_92 = arith.constant 0 : i32
      %dma_start3A_93 = tpu.memref_slice %arg2[%add3A_89, %dma_start3A_92] : memref<327680x128xf32, #tpu.memory_space<hbm>> -> memref<128x128xf32, #tpu.memory_space<hbm>>
      tpu.enqueue_dma source(%dma_start3A_93 : memref<128x128xf32, #tpu.memory_space<hbm>>) target(%arg7 : memref<128x128xf32, #tpu.memory_space<vmem>>) target_semaphore(%arg10 : memref<!tpu.dma_semaphore, #tpu.memory_space<semaphore_mem>>)
      %mul3A_94 = arith.constant 128 : i32
      %mul3A_95 = arith.muli %mul3A_84, %mul3A_94 : i32
      %add3A_96 = arith.addi %mul3A_2, %mul3A_95 : i32
      %dma_wait3A = arith.constant 0 : i32
      %dma_wait3A_97 = tpu.memref_slice %arg2[%add3A_96, %dma_wait3A] : memref<327680x128xf32, #tpu.memory_space<hbm>> -> memref<128x128xf32, #tpu.memory_space<hbm>>
      %dma_wait3A_98 = arith.constant 0 : i32
      %dma_wait3A_99 = tpu.memref_slice %arg2[%add3A_96, %dma_wait3A_98] : memref<327680x128xf32, #tpu.memory_space<hbm>> -> memref<128x128xf32, #tpu.memory_space<hbm>>
      tpu.wait_dma2 semaphore(%arg9 : memref<!tpu.dma_semaphore, #tpu.memory_space<semaphore_mem>>) src(%dma_wait3A_99 : memref<128x128xf32, #tpu.memory_space<hbm>>) dst(%arg6 : memref<128x128xf32, #tpu.memory_space<vmem>>)
      "tpu.region"() ({
        %run_scoped3A = tpu.sem_alloc : memref<!tpu.dma_semaphore, #tpu.memory_space<semaphore_mem>>
        %dma_start3A_116 = arith.constant 0 : i32
        %dma_start3A_117 = tpu.memref_slice %arg5[%mul3A_84, %dma_start3A_116] : memref<80x128xi32, #tpu.memory_space<vmem>> -> memref<1x128xi32, #tpu.memory_space<vmem>>
        %dma_start3A_118 = tpu.memref_squeeze %dma_start3A_117 : memref<1x128xi32, #tpu.memory_space<vmem>> -> memref<128xi32, #tpu.memory_space<vmem>>
        %dma_start3A_119 = arith.constant 0 : i32
        %dma_start3A_120 = arith.constant 0 : i32
        %dma_start3A_121 = tpu.memref_slice %arg8[%dma_start3A_119, %dma_start3A_120] : memref<10240x128xf32, #tpu.memory_space<vmem_shared>> -> memref<10240x128xf32, #tpu.memory_space<vmem_shared>>
        tpu.enqueue_indirect_dma source(%arg6 : memref<128x128xf32, #tpu.memory_space<vmem>>) target(%dma_start3A_121 : memref<10240x128xf32, #tpu.memory_space<vmem_shared>>) offsets(%dma_start3A_118 : memref<128xi32, #tpu.memory_space<vmem>>) semaphore(%run_scoped3A : memref<!tpu.dma_semaphore, #tpu.memory_space<semaphore_mem>>) {add = true}
        %dma_wait3A_122 = arith.constant 0 : i32
        %dma_wait3A_123 = tpu.memref_slice %arg5[%mul3A_84, %dma_wait3A_122] : memref<80x128xi32, #tpu.memory_space<vmem>> -> memref<1x128xi32, #tpu.memory_space<vmem>>
        %dma_wait3A_124 = tpu.memref_squeeze %dma_wait3A_123 : memref<1x128xi32, #tpu.memory_space<vmem>> -> memref<128xi32, #tpu.memory_space<vmem>>
        %dma_wait3A_125 = arith.constant 0 : i32
        %dma_wait3A_126 = arith.constant 0 : i32
        %dma_wait3A_127 = tpu.memref_slice %arg8[%dma_wait3A_125, %dma_wait3A_126] : memref<10240x128xf32, #tpu.memory_space<vmem_shared>> -> memref<10240x128xf32, #tpu.memory_space<vmem_shared>>
        tpu.wait_indirect_dma semaphore(%run_scoped3A : memref<!tpu.dma_semaphore, #tpu.memory_space<semaphore_mem>>) src(%arg6 : memref<128x128xf32, #tpu.memory_space<vmem>>) dst(%dma_wait3A_127 : memref<10240x128xf32, #tpu.memory_space<vmem_shared>>)
        tpu.yield
      }) : () -> ()
      %add3A_100 = arith.constant 2 : i32
      %add3A_101 = arith.addi %mul3A_84, %add3A_100 : i32
      %lt3A = arith.constant 80 : i32
      %lt3A_102 = arith.cmpi slt, %add3A_101, %lt3A : i32
      %convert_element_type3A = arith.extui %lt3A_102 : i1 to i32
      %cond3A = arith.constant 0 : i32
      %cond3A_103 = arith.cmpi ne, %convert_element_type3A, %cond3A : i32
      scf.if %cond3A_103 {
        %add3A_116 = arith.constant 2 : i32
        %add3A_117 = arith.addi %mul3A_84, %add3A_116 : i32
        %mul3A_118 = arith.constant 128 : i32
        %mul3A_119 = arith.muli %add3A_117, %mul3A_118 : i32
        %add3A_120 = arith.addi %mul3A_2, %mul3A_119 : i32
        %dma_start3A_121 = arith.constant 0 : i32
        %dma_start3A_122 = tpu.memref_slice %arg2[%add3A_120, %dma_start3A_121] : memref<327680x128xf32, #tpu.memory_space<hbm>> -> memref<128x128xf32, #tpu.memory_space<hbm>>
        %dma_start3A_123 = arith.constant 0 : i32
        %dma_start3A_124 = tpu.memref_slice %arg2[%add3A_120, %dma_start3A_123] : memref<327680x128xf32, #tpu.memory_space<hbm>> -> memref<128x128xf32, #tpu.memory_space<hbm>>
        tpu.enqueue_dma source(%dma_start3A_124 : memref<128x128xf32, #tpu.memory_space<hbm>>) target(%arg6 : memref<128x128xf32, #tpu.memory_space<vmem>>) target_semaphore(%arg9 : memref<!tpu.dma_semaphore, #tpu.memory_space<semaphore_mem>>)
      } else {
      }
      %add3A_104 = arith.constant 1 : i32
      %add3A_105 = arith.addi %mul3A_84, %add3A_104 : i32
      %mul3A_106 = arith.constant 128 : i32
      %mul3A_107 = arith.muli %add3A_105, %mul3A_106 : i32
      %add3A_108 = arith.addi %mul3A_2, %mul3A_107 : i32
      %dma_wait3A_109 = arith.constant 0 : i32
      %dma_wait3A_110 = tpu.memref_slice %arg2[%add3A_108, %dma_wait3A_109] : memref<327680x128xf32, #tpu.memory_space<hbm>> -> memref<128x128xf32, #tpu.memory_space<hbm>>
      %dma_wait3A_111 = arith.constant 0 : i32
      %dma_wait3A_112 = tpu.memref_slice %arg2[%add3A_108, %dma_wait3A_111] : memref<327680x128xf32, #tpu.memory_space<hbm>> -> memref<128x128xf32, #tpu.memory_space<hbm>>
      tpu.wait_dma2 semaphore(%arg10 : memref<!tpu.dma_semaphore, #tpu.memory_space<semaphore_mem>>) src(%dma_wait3A_112 : memref<128x128xf32, #tpu.memory_space<hbm>>) dst(%arg7 : memref<128x128xf32, #tpu.memory_space<vmem>>)
      %add3A_113 = arith.constant 1 : i32
      %add3A_114 = arith.addi %mul3A_84, %add3A_113 : i32
      "tpu.region"() ({
        %run_scoped3A = tpu.sem_alloc : memref<!tpu.dma_semaphore, #tpu.memory_space<semaphore_mem>>
        %dma_start3A_116 = arith.constant 0 : i32
        %dma_start3A_117 = tpu.memref_slice %arg5[%add3A_114, %dma_start3A_116] : memref<80x128xi32, #tpu.memory_space<vmem>> -> memref<1x128xi32, #tpu.memory_space<vmem>>
        %dma_start3A_118 = tpu.memref_squeeze %dma_start3A_117 : memref<1x128xi32, #tpu.memory_space<vmem>> -> memref<128xi32, #tpu.memory_space<vmem>>
        %dma_start3A_119 = arith.constant 0 : i32
        %dma_start3A_120 = arith.constant 0 : i32
        %dma_start3A_121 = tpu.memref_slice %arg8[%dma_start3A_119, %dma_start3A_120] : memref<10240x128xf32, #tpu.memory_space<vmem_shared>> -> memref<10240x128xf32, #tpu.memory_space<vmem_shared>>
        tpu.enqueue_indirect_dma source(%arg7 : memref<128x128xf32, #tpu.memory_space<vmem>>) target(%dma_start3A_121 : memref<10240x128xf32, #tpu.memory_space<vmem_shared>>) offsets(%dma_start3A_118 : memref<128xi32, #tpu.memory_space<vmem>>) semaphore(%run_scoped3A : memref<!tpu.dma_semaphore, #tpu.memory_space<semaphore_mem>>) {add = true}
        %dma_wait3A_122 = arith.constant 0 : i32
        %dma_wait3A_123 = tpu.memref_slice %arg5[%add3A_114, %dma_wait3A_122] : memref<80x128xi32, #tpu.memory_space<vmem>> -> memref<1x128xi32, #tpu.memory_space<vmem>>
        %dma_wait3A_124 = tpu.memref_squeeze %dma_wait3A_123 : memref<1x128xi32, #tpu.memory_space<vmem>> -> memref<128xi32, #tpu.memory_space<vmem>>
        %dma_wait3A_125 = arith.constant 0 : i32
        %dma_wait3A_126 = arith.constant 0 : i32
        %dma_wait3A_127 = tpu.memref_slice %arg8[%dma_wait3A_125, %dma_wait3A_126] : memref<10240x128xf32, #tpu.memory_space<vmem_shared>> -> memref<10240x128xf32, #tpu.memory_space<vmem_shared>>
        tpu.wait_indirect_dma semaphore(%run_scoped3A : memref<!tpu.dma_semaphore, #tpu.memory_space<semaphore_mem>>) src(%arg7 : memref<128x128xf32, #tpu.memory_space<vmem>>) dst(%dma_wait3A_127 : memref<10240x128xf32, #tpu.memory_space<vmem_shared>>)
        tpu.yield
      }) : () -> ()
      %scan3A_115 = arith.constant 0 : i32
      scf.yield %scan3A_115 : i32
    }
    %scan3A_39 = arith.constant 40 : i32
    %barrier3A_40 = arith.constant 0 : index
    tpu.barrier barrier_id(%barrier3A_40)
    %mul3A_41 = arith.constant 640 : i32
    %mul3A_42 = arith.muli %arg1, %mul3A_41 : i32
    %add3A_43 = arith.constant 0 : i32
    %add3A_44 = arith.addi %mul3A_42, %add3A_43 : i32
    "tpu.region"() ({
      %run_scoped3A = tpu.sem_alloc : memref<!tpu.dma_semaphore, #tpu.memory_space<semaphore_mem>>
      %dma_start3A_81 = arith.constant 0 : i32
      %dma_start3A_82 = tpu.memref_slice %arg8[%add3A_44, %dma_start3A_81] : memref<10240x128xf32, #tpu.memory_space<vmem_shared>> -> memref<128x128xf32, #tpu.memory_space<vmem_shared>>
      %dma_start3A_83 = arith.constant 0 : i32
      %dma_start3A_84 = tpu.memref_slice %arg8[%add3A_44, %dma_start3A_83] : memref<10240x128xf32, #tpu.memory_space<vmem_shared>> -> memref<128x128xf32, #tpu.memory_space<vmem_shared>>
      tpu.enqueue_dma source(%dma_start3A_84 : memref<128x128xf32, #tpu.memory_space<vmem_shared>>) target(%arg6 : memref<128x128xf32, #tpu.memory_space<vmem>>) target_semaphore(%run_scoped3A : memref<!tpu.dma_semaphore, #tpu.memory_space<semaphore_mem>>)
      %dma_wait3A = arith.constant 0 : i32
      %dma_wait3A_85 = tpu.memref_slice %arg8[%add3A_44, %dma_wait3A] : memref<10240x128xf32, #tpu.memory_space<vmem_shared>> -> memref<128x128xf32, #tpu.memory_space<vmem_shared>>
      %dma_wait3A_86 = arith.constant 0 : i32
      %dma_wait3A_87 = tpu.memref_slice %arg8[%add3A_44, %dma_wait3A_86] : memref<10240x128xf32, #tpu.memory_space<vmem_shared>> -> memref<128x128xf32, #tpu.memory_space<vmem_shared>>
      tpu.wait_dma2 semaphore(%run_scoped3A : memref<!tpu.dma_semaphore, #tpu.memory_space<semaphore_mem>>) src(%dma_wait3A_87 : memref<128x128xf32, #tpu.memory_space<vmem_shared>>) dst(%arg6 : memref<128x128xf32, #tpu.memory_space<vmem>>)
      tpu.yield
    }) : () -> ()
    %mul3A_45 = arith.constant 640 : i32
    %mul3A_46 = arith.muli %arg1, %mul3A_45 : i32
    %add3A_47 = arith.constant 0 : i32
    %add3A_48 = arith.addi %mul3A_46, %add3A_47 : i32
    "tpu.region"() ({
      %run_scoped3A = tpu.sem_alloc : memref<!tpu.dma_semaphore, #tpu.memory_space<semaphore_mem>>
      %dma_start3A_81 = arith.constant 0 : i32
      %dma_start3A_82 = tpu.memref_slice %arg4[%arg0, %add3A_48, %dma_start3A_81] : memref<2x10240x128xf32, #tpu.memory_space<hbm>> -> memref<1x128x128xf32, #tpu.memory_space<hbm>>
      %dma_start3A_83 = tpu.memref_squeeze %dma_start3A_82 : memref<1x128x128xf32, #tpu.memory_space<hbm>> -> memref<128x128xf32, #tpu.memory_space<hbm>>
      %dma_start3A_84 = arith.constant 0 : i32
      %dma_start3A_85 = tpu.memref_slice %arg4[%arg0, %add3A_48, %dma_start3A_84] : memref<2x10240x128xf32, #tpu.memory_space<hbm>> -> memref<1x128x128xf32, #tpu.memory_space<hbm>>
      %dma_start3A_86 = tpu.memref_squeeze %dma_start3A_85 : memref<1x128x128xf32, #tpu.memory_space<hbm>> -> memref<128x128xf32, #tpu.memory_space<hbm>>
      tpu.enqueue_dma source(%arg6 : memref<128x128xf32, #tpu.memory_space<vmem>>) target(%dma_start3A_86 : memref<128x128xf32, #tpu.memory_space<hbm>>) target_semaphore(%run_scoped3A : memref<!tpu.dma_semaphore, #tpu.memory_space<semaphore_mem>>)
      %dma_wait3A = arith.constant 0 : i32
      %dma_wait3A_87 = tpu.memref_slice %arg4[%arg0, %add3A_48, %dma_wait3A] : memref<2x10240x128xf32, #tpu.memory_space<hbm>> -> memref<1x128x128xf32, #tpu.memory_space<hbm>>
      %dma_wait3A_88 = tpu.memref_squeeze %dma_wait3A_87 : memref<1x128x128xf32, #tpu.memory_space<hbm>> -> memref<128x128xf32, #tpu.memory_space<hbm>>
      %dma_wait3A_89 = arith.constant 0 : i32
      %dma_wait3A_90 = tpu.memref_slice %arg4[%arg0, %add3A_48, %dma_wait3A_89] : memref<2x10240x128xf32, #tpu.memory_space<hbm>> -> memref<1x128x128xf32, #tpu.memory_space<hbm>>
      %dma_wait3A_91 = tpu.memref_squeeze %dma_wait3A_90 : memref<1x128x128xf32, #tpu.memory_space<hbm>> -> memref<128x128xf32, #tpu.memory_space<hbm>>
      tpu.wait_dma2 semaphore(%run_scoped3A : memref<!tpu.dma_semaphore, #tpu.memory_space<semaphore_mem>>) src(%arg6 : memref<128x128xf32, #tpu.memory_space<vmem>>) dst(%dma_wait3A_91 : memref<128x128xf32, #tpu.memory_space<hbm>>)
      tpu.yield
    }) : () -> ()
    %mul3A_49 = arith.constant 640 : i32
    %mul3A_50 = arith.muli %arg1, %mul3A_49 : i32
    %add3A_51 = arith.constant 128 : i32
    %add3A_52 = arith.addi %mul3A_50, %add3A_51 : i32
    "tpu.region"() ({
      %run_scoped3A = tpu.sem_alloc : memref<!tpu.dma_semaphore, #tpu.memory_space<semaphore_mem>>
      %dma_start3A_81 = arith.constant 0 : i32
      %dma_start3A_82 = tpu.memref_slice %arg8[%add3A_52, %dma_start3A_81] : memref<10240x128xf32, #tpu.memory_space<vmem_shared>> -> memref<128x128xf32, #tpu.memory_space<vmem_shared>>
      %dma_start3A_83 = arith.constant 0 : i32
      %dma_start3A_84 = tpu.memref_slice %arg8[%add3A_52, %dma_start3A_83] : memref<10240x128xf32, #tpu.memory_space<vmem_shared>> -> memref<128x128xf32, #tpu.memory_space<vmem_shared>>
      tpu.enqueue_dma source(%dma_start3A_84 : memref<128x128xf32, #tpu.memory_space<vmem_shared>>) target(%arg6 : memref<128x128xf32, #tpu.memory_space<vmem>>) target_semaphore(%run_scoped3A : memref<!tpu.dma_semaphore, #tpu.memory_space<semaphore_mem>>)
      %dma_wait3A = arith.constant 0 : i32
      %dma_wait3A_85 = tpu.memref_slice %arg8[%add3A_52, %dma_wait3A] : memref<10240x128xf32, #tpu.memory_space<vmem_shared>> -> memref<128x128xf32, #tpu.memory_space<vmem_shared>>
      %dma_wait3A_86 = arith.constant 0 : i32
      %dma_wait3A_87 = tpu.memref_slice %arg8[%add3A_52, %dma_wait3A_86] : memref<10240x128xf32, #tpu.memory_space<vmem_shared>> -> memref<128x128xf32, #tpu.memory_space<vmem_shared>>
      tpu.wait_dma2 semaphore(%run_scoped3A : memref<!tpu.dma_semaphore, #tpu.memory_space<semaphore_mem>>) src(%dma_wait3A_87 : memref<128x128xf32, #tpu.memory_space<vmem_shared>>) dst(%arg6 : memref<128x128xf32, #tpu.memory_space<vmem>>)
      tpu.yield
    }) : () -> ()
    %mul3A_53 = arith.constant 640 : i32
    %mul3A_54 = arith.muli %arg1, %mul3A_53 : i32
    %add3A_55 = arith.constant 128 : i32
    %add3A_56 = arith.addi %mul3A_54, %add3A_55 : i32
    "tpu.region"() ({
      %run_scoped3A = tpu.sem_alloc : memref<!tpu.dma_semaphore, #tpu.memory_space<semaphore_mem>>
      %dma_start3A_81 = arith.constant 0 : i32
      %dma_start3A_82 = tpu.memref_slice %arg4[%arg0, %add3A_56, %dma_start3A_81] : memref<2x10240x128xf32, #tpu.memory_space<hbm>> -> memref<1x128x128xf32, #tpu.memory_space<hbm>>
      %dma_start3A_83 = tpu.memref_squeeze %dma_start3A_82 : memref<1x128x128xf32, #tpu.memory_space<hbm>> -> memref<128x128xf32, #tpu.memory_space<hbm>>
      %dma_start3A_84 = arith.constant 0 : i32
      %dma_start3A_85 = tpu.memref_slice %arg4[%arg0, %add3A_56, %dma_start3A_84] : memref<2x10240x128xf32, #tpu.memory_space<hbm>> -> memref<1x128x128xf32, #tpu.memory_space<hbm>>
      %dma_start3A_86 = tpu.memref_squeeze %dma_start3A_85 : memref<1x128x128xf32, #tpu.memory_space<hbm>> -> memref<128x128xf32, #tpu.memory_space<hbm>>
      tpu.enqueue_dma source(%arg6 : memref<128x128xf32, #tpu.memory_space<vmem>>) target(%dma_start3A_86 : memref<128x128xf32, #tpu.memory_space<hbm>>) target_semaphore(%run_scoped3A : memref<!tpu.dma_semaphore, #tpu.memory_space<semaphore_mem>>)
      %dma_wait3A = arith.constant 0 : i32
      %dma_wait3A_87 = tpu.memref_slice %arg4[%arg0, %add3A_56, %dma_wait3A] : memref<2x10240x128xf32, #tpu.memory_space<hbm>> -> memref<1x128x128xf32, #tpu.memory_space<hbm>>
      %dma_wait3A_88 = tpu.memref_squeeze %dma_wait3A_87 : memref<1x128x128xf32, #tpu.memory_space<hbm>> -> memref<128x128xf32, #tpu.memory_space<hbm>>
      %dma_wait3A_89 = arith.constant 0 : i32
      %dma_wait3A_90 = tpu.memref_slice %arg4[%arg0, %add3A_56, %dma_wait3A_89] : memref<2x10240x128xf32, #tpu.memory_space<hbm>> -> memref<1x128x128xf32, #tpu.memory_space<hbm>>
      %dma_wait3A_91 = tpu.memref_squeeze %dma_wait3A_90 : memref<1x128x128xf32, #tpu.memory_space<hbm>> -> memref<128x128xf32, #tpu.memory_space<hbm>>
      tpu.wait_dma2 semaphore(%run_scoped3A : memref<!tpu.dma_semaphore, #tpu.memory_space<semaphore_mem>>) src(%arg6 : memref<128x128xf32, #tpu.memory_space<vmem>>) dst(%dma_wait3A_91 : memref<128x128xf32, #tpu.memory_space<hbm>>)
      tpu.yield
    }) : () -> ()
    %mul3A_57 = arith.constant 640 : i32
    %mul3A_58 = arith.muli %arg1, %mul3A_57 : i32
    %add3A_59 = arith.constant 256 : i32
    %add3A_60 = arith.addi %mul3A_58, %add3A_59 : i32
    "tpu.region"() ({
      %run_scoped3A = tpu.sem_alloc : memref<!tpu.dma_semaphore, #tpu.memory_space<semaphore_mem>>
      %dma_start3A_81 = arith.constant 0 : i32
      %dma_start3A_82 = tpu.memref_slice %arg8[%add3A_60, %dma_start3A_81] : memref<10240x128xf32, #tpu.memory_space<vmem_shared>> -> memref<128x128xf32, #tpu.memory_space<vmem_shared>>
      %dma_start3A_83 = arith.constant 0 : i32
      %dma_start3A_84 = tpu.memref_slice %arg8[%add3A_60, %dma_start3A_83] : memref<10240x128xf32, #tpu.memory_space<vmem_shared>> -> memref<128x128xf32, #tpu.memory_space<vmem_shared>>
      tpu.enqueue_dma source(%dma_start3A_84 : memref<128x128xf32, #tpu.memory_space<vmem_shared>>) target(%arg6 : memref<128x128xf32, #tpu.memory_space<vmem>>) target_semaphore(%run_scoped3A : memref<!tpu.dma_semaphore, #tpu.memory_space<semaphore_mem>>)
      %dma_wait3A = arith.constant 0 : i32
      %dma_wait3A_85 = tpu.memref_slice %arg8[%add3A_60, %dma_wait3A] : memref<10240x128xf32, #tpu.memory_space<vmem_shared>> -> memref<128x128xf32, #tpu.memory_space<vmem_shared>>
      %dma_wait3A_86 = arith.constant 0 : i32
      %dma_wait3A_87 = tpu.memref_slice %arg8[%add3A_60, %dma_wait3A_86] : memref<10240x128xf32, #tpu.memory_space<vmem_shared>> -> memref<128x128xf32, #tpu.memory_space<vmem_shared>>
      tpu.wait_dma2 semaphore(%run_scoped3A : memref<!tpu.dma_semaphore, #tpu.memory_space<semaphore_mem>>) src(%dma_wait3A_87 : memref<128x128xf32, #tpu.memory_space<vmem_shared>>) dst(%arg6 : memref<128x128xf32, #tpu.memory_space<vmem>>)
      tpu.yield
    }) : () -> ()
    %mul3A_61 = arith.constant 640 : i32
    %mul3A_62 = arith.muli %arg1, %mul3A_61 : i32
    %add3A_63 = arith.constant 256 : i32
    %add3A_64 = arith.addi %mul3A_62, %add3A_63 : i32
    "tpu.region"() ({
      %run_scoped3A = tpu.sem_alloc : memref<!tpu.dma_semaphore, #tpu.memory_space<semaphore_mem>>
      %dma_start3A_81 = arith.constant 0 : i32
      %dma_start3A_82 = tpu.memref_slice %arg4[%arg0, %add3A_64, %dma_start3A_81] : memref<2x10240x128xf32, #tpu.memory_space<hbm>> -> memref<1x128x128xf32, #tpu.memory_space<hbm>>
      %dma_start3A_83 = tpu.memref_squeeze %dma_start3A_82 : memref<1x128x128xf32, #tpu.memory_space<hbm>> -> memref<128x128xf32, #tpu.memory_space<hbm>>
      %dma_start3A_84 = arith.constant 0 : i32
      %dma_start3A_85 = tpu.memref_slice %arg4[%arg0, %add3A_64, %dma_start3A_84] : memref<2x10240x128xf32, #tpu.memory_space<hbm>> -> memref<1x128x128xf32, #tpu.memory_space<hbm>>
      %dma_start3A_86 = tpu.memref_squeeze %dma_start3A_85 : memref<1x128x128xf32, #tpu.memory_space<hbm>> -> memref<128x128xf32, #tpu.memory_space<hbm>>
      tpu.enqueue_dma source(%arg6 : memref<128x128xf32, #tpu.memory_space<vmem>>) target(%dma_start3A_86 : memref<128x128xf32, #tpu.memory_space<hbm>>) target_semaphore(%run_scoped3A : memref<!tpu.dma_semaphore, #tpu.memory_space<semaphore_mem>>)
      %dma_wait3A = arith.constant 0 : i32
      %dma_wait3A_87 = tpu.memref_slice %arg4[%arg0, %add3A_64, %dma_wait3A] : memref<2x10240x128xf32, #tpu.memory_space<hbm>> -> memref<1x128x128xf32, #tpu.memory_space<hbm>>
      %dma_wait3A_88 = tpu.memref_squeeze %dma_wait3A_87 : memref<1x128x128xf32, #tpu.memory_space<hbm>> -> memref<128x128xf32, #tpu.memory_space<hbm>>
      %dma_wait3A_89 = arith.constant 0 : i32
      %dma_wait3A_90 = tpu.memref_slice %arg4[%arg0, %add3A_64, %dma_wait3A_89] : memref<2x10240x128xf32, #tpu.memory_space<hbm>> -> memref<1x128x128xf32, #tpu.memory_space<hbm>>
      %dma_wait3A_91 = tpu.memref_squeeze %dma_wait3A_90 : memref<1x128x128xf32, #tpu.memory_space<hbm>> -> memref<128x128xf32, #tpu.memory_space<hbm>>
      tpu.wait_dma2 semaphore(%run_scoped3A : memref<!tpu.dma_semaphore, #tpu.memory_space<semaphore_mem>>) src(%arg6 : memref<128x128xf32, #tpu.memory_space<vmem>>) dst(%dma_wait3A_91 : memref<128x128xf32, #tpu.memory_space<hbm>>)
      tpu.yield
    }) : () -> ()
    %mul3A_65 = arith.constant 640 : i32
    %mul3A_66 = arith.muli %arg1, %mul3A_65 : i32
    %add3A_67 = arith.constant 384 : i32
    %add3A_68 = arith.addi %mul3A_66, %add3A_67 : i32
    "tpu.region"() ({
      %run_scoped3A = tpu.sem_alloc : memref<!tpu.dma_semaphore, #tpu.memory_space<semaphore_mem>>
      %dma_start3A_81 = arith.constant 0 : i32
      %dma_start3A_82 = tpu.memref_slice %arg8[%add3A_68, %dma_start3A_81] : memref<10240x128xf32, #tpu.memory_space<vmem_shared>> -> memref<128x128xf32, #tpu.memory_space<vmem_shared>>
      %dma_start3A_83 = arith.constant 0 : i32
      %dma_start3A_84 = tpu.memref_slice %arg8[%add3A_68, %dma_start3A_83] : memref<10240x128xf32, #tpu.memory_space<vmem_shared>> -> memref<128x128xf32, #tpu.memory_space<vmem_shared>>
      tpu.enqueue_dma source(%dma_start3A_84 : memref<128x128xf32, #tpu.memory_space<vmem_shared>>) target(%arg6 : memref<128x128xf32, #tpu.memory_space<vmem>>) target_semaphore(%run_scoped3A : memref<!tpu.dma_semaphore, #tpu.memory_space<semaphore_mem>>)
      %dma_wait3A = arith.constant 0 : i32
      %dma_wait3A_85 = tpu.memref_slice %arg8[%add3A_68, %dma_wait3A] : memref<10240x128xf32, #tpu.memory_space<vmem_shared>> -> memref<128x128xf32, #tpu.memory_space<vmem_shared>>
      %dma_wait3A_86 = arith.constant 0 : i32
      %dma_wait3A_87 = tpu.memref_slice %arg8[%add3A_68, %dma_wait3A_86] : memref<10240x128xf32, #tpu.memory_space<vmem_shared>> -> memref<128x128xf32, #tpu.memory_space<vmem_shared>>
      tpu.wait_dma2 semaphore(%run_scoped3A : memref<!tpu.dma_semaphore, #tpu.memory_space<semaphore_mem>>) src(%dma_wait3A_87 : memref<128x128xf32, #tpu.memory_space<vmem_shared>>) dst(%arg6 : memref<128x128xf32, #tpu.memory_space<vmem>>)
      tpu.yield
    }) : () -> ()
    %mul3A_69 = arith.constant 640 : i32
    %mul3A_70 = arith.muli %arg1, %mul3A_69 : i32
    %add3A_71 = arith.constant 384 : i32
    %add3A_72 = arith.addi %mul3A_70, %add3A_71 : i32
    "tpu.region"() ({
      %run_scoped3A = tpu.sem_alloc : memref<!tpu.dma_semaphore, #tpu.memory_space<semaphore_mem>>
      %dma_start3A_81 = arith.constant 0 : i32
      %dma_start3A_82 = tpu.memref_slice %arg4[%arg0, %add3A_72, %dma_start3A_81] : memref<2x10240x128xf32, #tpu.memory_space<hbm>> -> memref<1x128x128xf32, #tpu.memory_space<hbm>>
      %dma_start3A_83 = tpu.memref_squeeze %dma_start3A_82 : memref<1x128x128xf32, #tpu.memory_space<hbm>> -> memref<128x128xf32, #tpu.memory_space<hbm>>
      %dma_start3A_84 = arith.constant 0 : i32
      %dma_start3A_85 = tpu.memref_slice %arg4[%arg0, %add3A_72, %dma_start3A_84] : memref<2x10240x128xf32, #tpu.memory_space<hbm>> -> memref<1x128x128xf32, #tpu.memory_space<hbm>>
      %dma_start3A_86 = tpu.memref_squeeze %dma_start3A_85 : memref<1x128x128xf32, #tpu.memory_space<hbm>> -> memref<128x128xf32, #tpu.memory_space<hbm>>
      tpu.enqueue_dma source(%arg6 : memref<128x128xf32, #tpu.memory_space<vmem>>) target(%dma_start3A_86 : memref<128x128xf32, #tpu.memory_space<hbm>>) target_semaphore(%run_scoped3A : memref<!tpu.dma_semaphore, #tpu.memory_space<semaphore_mem>>)
      %dma_wait3A = arith.constant 0 : i32
      %dma_wait3A_87 = tpu.memref_slice %arg4[%arg0, %add3A_72, %dma_wait3A] : memref<2x10240x128xf32, #tpu.memory_space<hbm>> -> memref<1x128x128xf32, #tpu.memory_space<hbm>>
      %dma_wait3A_88 = tpu.memref_squeeze %dma_wait3A_87 : memref<1x128x128xf32, #tpu.memory_space<hbm>> -> memref<128x128xf32, #tpu.memory_space<hbm>>
      %dma_wait3A_89 = arith.constant 0 : i32
      %dma_wait3A_90 = tpu.memref_slice %arg4[%arg0, %add3A_72, %dma_wait3A_89] : memref<2x10240x128xf32, #tpu.memory_space<hbm>> -> memref<1x128x128xf32, #tpu.memory_space<hbm>>
      %dma_wait3A_91 = tpu.memref_squeeze %dma_wait3A_90 : memref<1x128x128xf32, #tpu.memory_space<hbm>> -> memref<128x128xf32, #tpu.memory_space<hbm>>
      tpu.wait_dma2 semaphore(%run_scoped3A : memref<!tpu.dma_semaphore, #tpu.memory_space<semaphore_mem>>) src(%arg6 : memref<128x128xf32, #tpu.memory_space<vmem>>) dst(%dma_wait3A_91 : memref<128x128xf32, #tpu.memory_space<hbm>>)
      tpu.yield
    }) : () -> ()
    %mul3A_73 = arith.constant 640 : i32
    %mul3A_74 = arith.muli %arg1, %mul3A_73 : i32
    %add3A_75 = arith.constant 512 : i32
    %add3A_76 = arith.addi %mul3A_74, %add3A_75 : i32
    "tpu.region"() ({
      %run_scoped3A = tpu.sem_alloc : memref<!tpu.dma_semaphore, #tpu.memory_space<semaphore_mem>>
      %dma_start3A_81 = arith.constant 0 : i32
      %dma_start3A_82 = tpu.memref_slice %arg8[%add3A_76, %dma_start3A_81] : memref<10240x128xf32, #tpu.memory_space<vmem_shared>> -> memref<128x128xf32, #tpu.memory_space<vmem_shared>>
      %dma_start3A_83 = arith.constant 0 : i32
      %dma_start3A_84 = tpu.memref_slice %arg8[%add3A_76, %dma_start3A_83] : memref<10240x128xf32, #tpu.memory_space<vmem_shared>> -> memref<128x128xf32, #tpu.memory_space<vmem_shared>>
      tpu.enqueue_dma source(%dma_start3A_84 : memref<128x128xf32, #tpu.memory_space<vmem_shared>>) target(%arg6 : memref<128x128xf32, #tpu.memory_space<vmem>>) target_semaphore(%run_scoped3A : memref<!tpu.dma_semaphore, #tpu.memory_space<semaphore_mem>>)
      %dma_wait3A = arith.constant 0 : i32
      %dma_wait3A_85 = tpu.memref_slice %arg8[%add3A_76, %dma_wait3A] : memref<10240x128xf32, #tpu.memory_space<vmem_shared>> -> memref<128x128xf32, #tpu.memory_space<vmem_shared>>
      %dma_wait3A_86 = arith.constant 0 : i32
      %dma_wait3A_87 = tpu.memref_slice %arg8[%add3A_76, %dma_wait3A_86] : memref<10240x128xf32, #tpu.memory_space<vmem_shared>> -> memref<128x128xf32, #tpu.memory_space<vmem_shared>>
      tpu.wait_dma2 semaphore(%run_scoped3A : memref<!tpu.dma_semaphore, #tpu.memory_space<semaphore_mem>>) src(%dma_wait3A_87 : memref<128x128xf32, #tpu.memory_space<vmem_shared>>) dst(%arg6 : memref<128x128xf32, #tpu.memory_space<vmem>>)
      tpu.yield
    }) : () -> ()
    %mul3A_77 = arith.constant 640 : i32
    %mul3A_78 = arith.muli %arg1, %mul3A_77 : i32
    %add3A_79 = arith.constant 512 : i32
    %add3A_80 = arith.addi %mul3A_78, %add3A_79 : i32
    "tpu.region"() ({
      %run_scoped3A = tpu.sem_alloc : memref<!tpu.dma_semaphore, #tpu.memory_space<semaphore_mem>>
      %dma_start3A_81 = arith.constant 0 : i32
      %dma_start3A_82 = tpu.memref_slice %arg4[%arg0, %add3A_80, %dma_start3A_81] : memref<2x10240x128xf32, #tpu.memory_space<hbm>> -> memref<1x128x128xf32, #tpu.memory_space<hbm>>
      %dma_start3A_83 = tpu.memref_squeeze %dma_start3A_82 : memref<1x128x128xf32, #tpu.memory_space<hbm>> -> memref<128x128xf32, #tpu.memory_space<hbm>>
      %dma_start3A_84 = arith.constant 0 : i32
      %dma_start3A_85 = tpu.memref_slice %arg4[%arg0, %add3A_80, %dma_start3A_84] : memref<2x10240x128xf32, #tpu.memory_space<hbm>> -> memref<1x128x128xf32, #tpu.memory_space<hbm>>
      %dma_start3A_86 = tpu.memref_squeeze %dma_start3A_85 : memref<1x128x128xf32, #tpu.memory_space<hbm>> -> memref<128x128xf32, #tpu.memory_space<hbm>>
      tpu.enqueue_dma source(%arg6 : memref<128x128xf32, #tpu.memory_space<vmem>>) target(%dma_start3A_86 : memref<128x128xf32, #tpu.memory_space<hbm>>) target_semaphore(%run_scoped3A : memref<!tpu.dma_semaphore, #tpu.memory_space<semaphore_mem>>)
      %dma_wait3A = arith.constant 0 : i32
      %dma_wait3A_87 = tpu.memref_slice %arg4[%arg0, %add3A_80, %dma_wait3A] : memref<2x10240x128xf32, #tpu.memory_space<hbm>> -> memref<1x128x128xf32, #tpu.memory_space<hbm>>
      %dma_wait3A_88 = tpu.memref_squeeze %dma_wait3A_87 : memref<1x128x128xf32, #tpu.memory_space<hbm>> -> memref<128x128xf32, #tpu.memory_space<hbm>>
      %dma_wait3A_89 = arith.constant 0 : i32
      %dma_wait3A_90 = tpu.memref_slice %arg4[%arg0, %add3A_80, %dma_wait3A_89] : memref<2x10240x128xf32, #tpu.memory_space<hbm>> -> memref<1x128x128xf32, #tpu.memory_space<hbm>>
      %dma_wait3A_91 = tpu.memref_squeeze %dma_wait3A_90 : memref<1x128x128xf32, #tpu.memory_space<hbm>> -> memref<128x128xf32, #tpu.memory_space<hbm>>
      tpu.wait_dma2 semaphore(%run_scoped3A : memref<!tpu.dma_semaphore, #tpu.memory_space<semaphore_mem>>) src(%arg6 : memref<128x128xf32, #tpu.memory_space<vmem>>) dst(%dma_wait3A_91 : memref<128x128xf32, #tpu.memory_space<hbm>>)
      tpu.yield
    }) : () -> ()
    return
  }
}

#map = affine_map<(d0, d1) -> (0)>
#map1 = affine_map<(d0, d1) -> (0, 0)>
module attributes {stable_mosaic.version = 14 : i64} {
  func.func @ks(%arg0: i32, %arg1: i32, %arg2: memref<327680xi32, #tpu.memory_space<hbm>>, %arg3: memref<327680xf32, #tpu.memory_space<hbm>>, %arg4: memref<2x10240xf32, #tpu.memory_space<hbm>>, %arg5: memref<10240xi32, #tpu.memory_space<vmem>>, %arg6: memref<10240xf32, #tpu.memory_space<vmem>>, %arg7: memref<10240xf32, #tpu.memory_space<vmem>>, %arg8: memref<16x640xf32, #tpu.memory_space<vmem>>, %arg9: memref<640xf32, #tpu.memory_space<vmem>>, %arg10: memref<16x10240xf32, #tpu.memory_space<vmem_shared>>) attributes {dimension_semantics = [#tpu.dimension_semantics<core_parallel>, #tpu.dimension_semantics<subcore_parallel>], iteration_bounds = array<i64: 2, 16>, scalar_prefetch = 0 : i64, scratch_operands = 6 : i64, tpu.core_type = #tpu.core_type<sc_vector_subcore>, window_params = [{transform_indices = #map}, {transform_indices = #map}, {transform_indices = #map1}]} {
    %mul3A = arith.constant 2 : i32
    %mul3A_0 = arith.muli %arg1, %mul3A : i32
    %add3A = arith.addi %mul3A_0, %arg0 : i32
    %mul3A_1 = arith.constant 10240 : i32
    %mul3A_2 = arith.muli %add3A, %mul3A_1 : i32
    "tpu.region"() ({
      %run_scoped3A_89 = tpu.sem_alloc : memref<!tpu.dma_semaphore, #tpu.memory_space<semaphore_mem>>
      %dma_start3A = tpu.memref_slice %arg2[%mul3A_2] : memref<327680xi32, #tpu.memory_space<hbm>> -> memref<10240xi32, #tpu.memory_space<hbm>>
      %dma_start3A_90 = tpu.memref_slice %arg2[%mul3A_2] : memref<327680xi32, #tpu.memory_space<hbm>> -> memref<10240xi32, #tpu.memory_space<hbm>>
      tpu.enqueue_dma source(%dma_start3A_90 : memref<10240xi32, #tpu.memory_space<hbm>>) target(%arg5 : memref<10240xi32, #tpu.memory_space<vmem>>) target_semaphore(%run_scoped3A_89 : memref<!tpu.dma_semaphore, #tpu.memory_space<semaphore_mem>>)
      %dma_wait3A = tpu.memref_slice %arg2[%mul3A_2] : memref<327680xi32, #tpu.memory_space<hbm>> -> memref<10240xi32, #tpu.memory_space<hbm>>
      %dma_wait3A_91 = tpu.memref_slice %arg2[%mul3A_2] : memref<327680xi32, #tpu.memory_space<hbm>> -> memref<10240xi32, #tpu.memory_space<hbm>>
      tpu.wait_dma2 semaphore(%run_scoped3A_89 : memref<!tpu.dma_semaphore, #tpu.memory_space<semaphore_mem>>) src(%dma_wait3A_91 : memref<10240xi32, #tpu.memory_space<hbm>>) dst(%arg5 : memref<10240xi32, #tpu.memory_space<vmem>>)
      tpu.yield
    }) : () -> ()
    "tpu.region"() ({
      %run_scoped3A_89 = tpu.sem_alloc : memref<!tpu.dma_semaphore, #tpu.memory_space<semaphore_mem>>
      %dma_start3A = tpu.memref_slice %arg3[%mul3A_2] : memref<327680xf32, #tpu.memory_space<hbm>> -> memref<10240xf32, #tpu.memory_space<hbm>>
      %dma_start3A_90 = tpu.memref_slice %arg3[%mul3A_2] : memref<327680xf32, #tpu.memory_space<hbm>> -> memref<10240xf32, #tpu.memory_space<hbm>>
      tpu.enqueue_dma source(%dma_start3A_90 : memref<10240xf32, #tpu.memory_space<hbm>>) target(%arg6 : memref<10240xf32, #tpu.memory_space<vmem>>) target_semaphore(%run_scoped3A_89 : memref<!tpu.dma_semaphore, #tpu.memory_space<semaphore_mem>>)
      %dma_wait3A = tpu.memref_slice %arg3[%mul3A_2] : memref<327680xf32, #tpu.memory_space<hbm>> -> memref<10240xf32, #tpu.memory_space<hbm>>
      %dma_wait3A_91 = tpu.memref_slice %arg3[%mul3A_2] : memref<327680xf32, #tpu.memory_space<hbm>> -> memref<10240xf32, #tpu.memory_space<hbm>>
      tpu.wait_dma2 semaphore(%run_scoped3A_89 : memref<!tpu.dma_semaphore, #tpu.memory_space<semaphore_mem>>) src(%dma_wait3A_91 : memref<10240xf32, #tpu.memory_space<hbm>>) dst(%arg6 : memref<10240xf32, #tpu.memory_space<vmem>>)
      tpu.yield
    }) : () -> ()
    %broadcast_in_dim3A = arith.constant 0.000000e+00 : f32
    %broadcast_in_dim3A_3 = vector.broadcast %broadcast_in_dim3A : f32 to vector<16xf32>
    %scan3A = arith.constant 0 : i32
    %scan3A_4 = arith.constant 0 : i32
    %scan3A_5 = arith.constant 640 : i32
    %scan3A_6 = arith.addi %scan3A_4, %scan3A_5 : i32
    %scan3A_7 = arith.constant 1 : i32
    %scan3A_8 = scf.for %scan3A_89 = %scan3A_4 to %scan3A_6 step %scan3A_7 iter_args(%scan3A_90 = %scan3A) -> (i32)  : i32 {
      %mul3A_91 = arith.constant 16 : i32
      %mul3A_92 = arith.muli %scan3A_89, %mul3A_91 : i32
      %swap3A = arith.index_cast %mul3A_92 : i32 to index
      %swap3A_93 = tpu.vector_load %arg7[%swap3A] {strides = array<i32>} : memref<10240xf32, #tpu.memory_space<vmem>>, vector<16xf32>,
      tpu.vector_store %arg7[%swap3A], %broadcast_in_dim3A_3 {strides = array<i32>} : memref<10240xf32, #tpu.memory_space<vmem>>, vector<16xf32>,
      %scan3A_94 = arith.constant 0 : i32
      scf.yield %scan3A_94 : i32
    }
    %scan3A_9 = arith.constant 640 : i32
    %scan3A_10 = arith.constant 0 : i32
    %scan3A_11 = arith.constant 0 : i32
    %scan3A_12 = arith.constant 640 : i32
    %scan3A_13 = arith.addi %scan3A_11, %scan3A_12 : i32
    %scan3A_14 = arith.constant 1 : i32
    %scan3A_15 = scf.for %scan3A_89 = %scan3A_11 to %scan3A_13 step %scan3A_14 iter_args(%scan3A_90 = %scan3A_10) -> (i32)  : i32 {
      %mul3A_91 = arith.constant 16 : i32
      %mul3A_92 = arith.muli %scan3A_89, %mul3A_91 : i32
      %get3A = arith.index_cast %mul3A_92 : i32 to index
      %get3A_93 = tpu.vector_load %arg5[%get3A] {strides = array<i32>} : memref<10240xi32, #tpu.memory_space<vmem>>, vector<16xi32>,
      %get3A_94 = arith.index_cast %mul3A_92 : i32 to index
      %get3A_95 = tpu.vector_load %arg6[%get3A_94] {strides = array<i32>} : memref<10240xf32, #tpu.memory_space<vmem>>, vector<16xf32>,
      tpu.vector_store_idx %arg7[%get3A_93], %get3A_95 {add = true} : memref<10240xf32, #tpu.memory_space<vmem>>[vector<16xi32>], vector<16xf32>,
      %scan3A_96 = arith.constant 0 : i32
      scf.yield %scan3A_96 : i32
    }
    %scan3A_16 = arith.constant 640 : i32
    "tpu.region"() ({
      %run_scoped3A_89 = tpu.sem_alloc : memref<!tpu.dma_semaphore, #tpu.memory_space<semaphore_mem>>
      %dma_start3A = arith.constant 0 : i32
      %dma_start3A_90 = tpu.memref_slice %arg10[%arg1, %dma_start3A] : memref<16x10240xf32, #tpu.memory_space<vmem_shared>> -> memref<1x10240xf32, #tpu.memory_space<vmem_shared>>
      %dma_start3A_91 = tpu.memref_squeeze %dma_start3A_90 : memref<1x10240xf32, #tpu.memory_space<vmem_shared>> -> memref<10240xf32, #tpu.memory_space<vmem_shared>>
      %dma_start3A_92 = arith.constant 0 : i32
      %dma_start3A_93 = tpu.memref_slice %arg10[%arg1, %dma_start3A_92] : memref<16x10240xf32, #tpu.memory_space<vmem_shared>> -> memref<1x10240xf32, #tpu.memory_space<vmem_shared>>
      %dma_start3A_94 = tpu.memref_squeeze %dma_start3A_93 : memref<1x10240xf32, #tpu.memory_space<vmem_shared>> -> memref<10240xf32, #tpu.memory_space<vmem_shared>>
      tpu.enqueue_dma source(%arg7 : memref<10240xf32, #tpu.memory_space<vmem>>) target(%dma_start3A_94 : memref<10240xf32, #tpu.memory_space<vmem_shared>>) target_semaphore(%run_scoped3A_89 : memref<!tpu.dma_semaphore, #tpu.memory_space<semaphore_mem>>)
      %dma_wait3A = arith.constant 0 : i32
      %dma_wait3A_95 = tpu.memref_slice %arg10[%arg1, %dma_wait3A] : memref<16x10240xf32, #tpu.memory_space<vmem_shared>> -> memref<1x10240xf32, #tpu.memory_space<vmem_shared>>
      %dma_wait3A_96 = tpu.memref_squeeze %dma_wait3A_95 : memref<1x10240xf32, #tpu.memory_space<vmem_shared>> -> memref<10240xf32, #tpu.memory_space<vmem_shared>>
      %dma_wait3A_97 = arith.constant 0 : i32
      %dma_wait3A_98 = tpu.memref_slice %arg10[%arg1, %dma_wait3A_97] : memref<16x10240xf32, #tpu.memory_space<vmem_shared>> -> memref<1x10240xf32, #tpu.memory_space<vmem_shared>>
      %dma_wait3A_99 = tpu.memref_squeeze %dma_wait3A_98 : memref<1x10240xf32, #tpu.memory_space<vmem_shared>> -> memref<10240xf32, #tpu.memory_space<vmem_shared>>
      tpu.wait_dma2 semaphore(%run_scoped3A_89 : memref<!tpu.dma_semaphore, #tpu.memory_space<semaphore_mem>>) src(%arg7 : memref<10240xf32, #tpu.memory_space<vmem>>) dst(%dma_wait3A_99 : memref<10240xf32, #tpu.memory_space<vmem_shared>>)
      tpu.yield
    }) : () -> ()
    %barrier3A = arith.constant 0 : index
    tpu.barrier barrier_id(%barrier3A)
    %mul3A_17 = arith.constant 640 : i32
    %mul3A_18 = arith.muli %arg1, %mul3A_17 : i32
    %run_scoped3A = arith.constant 0 : i32
    %run_scoped3A_19 = arith.constant 0 : i32
    "tpu.region"() ({
      %run_scoped3A_89 = tpu.sem_alloc : memref<!tpu.dma_semaphore, #tpu.memory_space<semaphore_mem>>
      %dma_start3A = arith.constant 0 : i32
      %dma_start3A_90 = tpu.memref_slice %arg8[%run_scoped3A_19, %dma_start3A] : memref<16x640xf32, #tpu.memory_space<vmem>> -> memref<1x640xf32, #tpu.memory_space<vmem>>
      %dma_start3A_91 = tpu.memref_squeeze %dma_start3A_90 : memref<1x640xf32, #tpu.memory_space<vmem>> -> memref<640xf32, #tpu.memory_space<vmem>>
      %dma_start3A_92 = tpu.memref_slice %arg10[%run_scoped3A, %mul3A_18] : memref<16x10240xf32, #tpu.memory_space<vmem_shared>> -> memref<1x640xf32, #tpu.memory_space<vmem_shared>>
      %dma_start3A_93 = tpu.memref_squeeze %dma_start3A_92 : memref<1x640xf32, #tpu.memory_space<vmem_shared>> -> memref<640xf32, #tpu.memory_space<vmem_shared>>
      %dma_start3A_94 = arith.constant 0 : i32
      %dma_start3A_95 = tpu.memref_slice %arg8[%run_scoped3A_19, %dma_start3A_94] : memref<16x640xf32, #tpu.memory_space<vmem>> -> memref<1x640xf32, #tpu.memory_space<vmem>>
      %dma_start3A_96 = tpu.memref_squeeze %dma_start3A_95 : memref<1x640xf32, #tpu.memory_space<vmem>> -> memref<640xf32, #tpu.memory_space<vmem>>
      %dma_start3A_97 = tpu.memref_slice %arg10[%run_scoped3A, %mul3A_18] : memref<16x10240xf32, #tpu.memory_space<vmem_shared>> -> memref<1x640xf32, #tpu.memory_space<vmem_shared>>
      %dma_start3A_98 = tpu.memref_squeeze %dma_start3A_97 : memref<1x640xf32, #tpu.memory_space<vmem_shared>> -> memref<640xf32, #tpu.memory_space<vmem_shared>>
      tpu.enqueue_dma source(%dma_start3A_98 : memref<640xf32, #tpu.memory_space<vmem_shared>>) target(%dma_start3A_96 : memref<640xf32, #tpu.memory_space<vmem>>) target_semaphore(%run_scoped3A_89 : memref<!tpu.dma_semaphore, #tpu.memory_space<semaphore_mem>>)
      %dma_wait3A = arith.constant 0 : i32
      %dma_wait3A_99 = tpu.memref_slice %arg8[%run_scoped3A_19, %dma_wait3A] : memref<16x640xf32, #tpu.memory_space<vmem>> -> memref<1x640xf32, #tpu.memory_space<vmem>>
      %dma_wait3A_100 = tpu.memref_squeeze %dma_wait3A_99 : memref<1x640xf32, #tpu.memory_space<vmem>> -> memref<640xf32, #tpu.memory_space<vmem>>
      %dma_wait3A_101 = tpu.memref_slice %arg10[%run_scoped3A, %mul3A_18] : memref<16x10240xf32, #tpu.memory_space<vmem_shared>> -> memref<1x640xf32, #tpu.memory_space<vmem_shared>>
      %dma_wait3A_102 = tpu.memref_squeeze %dma_wait3A_101 : memref<1x640xf32, #tpu.memory_space<vmem_shared>> -> memref<640xf32, #tpu.memory_space<vmem_shared>>
      %dma_wait3A_103 = arith.constant 0 : i32
      %dma_wait3A_104 = tpu.memref_slice %arg8[%run_scoped3A_19, %dma_wait3A_103] : memref<16x640xf32, #tpu.memory_space<vmem>> -> memref<1x640xf32, #tpu.memory_space<vmem>>
      %dma_wait3A_105 = tpu.memref_squeeze %dma_wait3A_104 : memref<1x640xf32, #tpu.memory_space<vmem>> -> memref<640xf32, #tpu.memory_space<vmem>>
      %dma_wait3A_106 = tpu.memref_slice %arg10[%run_scoped3A, %mul3A_18] : memref<16x10240xf32, #tpu.memory_space<vmem_shared>> -> memref<1x640xf32, #tpu.memory_space<vmem_shared>>
      %dma_wait3A_107 = tpu.memref_squeeze %dma_wait3A_106 : memref<1x640xf32, #tpu.memory_space<vmem_shared>> -> memref<640xf32, #tpu.memory_space<vmem_shared>>
      tpu.wait_dma2 semaphore(%run_scoped3A_89 : memref<!tpu.dma_semaphore, #tpu.memory_space<semaphore_mem>>) src(%dma_wait3A_107 : memref<640xf32, #tpu.memory_space<vmem_shared>>) dst(%dma_wait3A_105 : memref<640xf32, #tpu.memory_space<vmem>>)
      tpu.yield
    }) : () -> ()
    %mul3A_20 = arith.constant 640 : i32
    %mul3A_21 = arith.muli %arg1, %mul3A_20 : i32
    %run_scoped3A_22 = arith.constant 1 : i32
    %run_scoped3A_23 = arith.constant 1 : i32
    "tpu.region"() ({
      %run_scoped3A_89 = tpu.sem_alloc : memref<!tpu.dma_semaphore, #tpu.memory_space<semaphore_mem>>
      %dma_start3A = arith.constant 0 : i32
      %dma_start3A_90 = tpu.memref_slice %arg8[%run_scoped3A_23, %dma_start3A] : memref<16x640xf32, #tpu.memory_space<vmem>> -> memref<1x640xf32, #tpu.memory_space<vmem>>
      %dma_start3A_91 = tpu.memref_squeeze %dma_start3A_90 : memref<1x640xf32, #tpu.memory_space<vmem>> -> memref<640xf32, #tpu.memory_space<vmem>>
      %dma_start3A_92 = tpu.memref_slice %arg10[%run_scoped3A_22, %mul3A_21] : memref<16x10240xf32, #tpu.memory_space<vmem_shared>> -> memref<1x640xf32, #tpu.memory_space<vmem_shared>>
      %dma_start3A_93 = tpu.memref_squeeze %dma_start3A_92 : memref<1x640xf32, #tpu.memory_space<vmem_shared>> -> memref<640xf32, #tpu.memory_space<vmem_shared>>
      %dma_start3A_94 = arith.constant 0 : i32
      %dma_start3A_95 = tpu.memref_slice %arg8[%run_scoped3A_23, %dma_start3A_94] : memref<16x640xf32, #tpu.memory_space<vmem>> -> memref<1x640xf32, #tpu.memory_space<vmem>>
      %dma_start3A_96 = tpu.memref_squeeze %dma_start3A_95 : memref<1x640xf32, #tpu.memory_space<vmem>> -> memref<640xf32, #tpu.memory_space<vmem>>
      %dma_start3A_97 = tpu.memref_slice %arg10[%run_scoped3A_22, %mul3A_21] : memref<16x10240xf32, #tpu.memory_space<vmem_shared>> -> memref<1x640xf32, #tpu.memory_space<vmem_shared>>
      %dma_start3A_98 = tpu.memref_squeeze %dma_start3A_97 : memref<1x640xf32, #tpu.memory_space<vmem_shared>> -> memref<640xf32, #tpu.memory_space<vmem_shared>>
      tpu.enqueue_dma source(%dma_start3A_98 : memref<640xf32, #tpu.memory_space<vmem_shared>>) target(%dma_start3A_96 : memref<640xf32, #tpu.memory_space<vmem>>) target_semaphore(%run_scoped3A_89 : memref<!tpu.dma_semaphore, #tpu.memory_space<semaphore_mem>>)
      %dma_wait3A = arith.constant 0 : i32
      %dma_wait3A_99 = tpu.memref_slice %arg8[%run_scoped3A_23, %dma_wait3A] : memref<16x640xf32, #tpu.memory_space<vmem>> -> memref<1x640xf32, #tpu.memory_space<vmem>>
      %dma_wait3A_100 = tpu.memref_squeeze %dma_wait3A_99 : memref<1x640xf32, #tpu.memory_space<vmem>> -> memref<640xf32, #tpu.memory_space<vmem>>
      %dma_wait3A_101 = tpu.memref_slice %arg10[%run_scoped3A_22, %mul3A_21] : memref<16x10240xf32, #tpu.memory_space<vmem_shared>> -> memref<1x640xf32, #tpu.memory_space<vmem_shared>>
      %dma_wait3A_102 = tpu.memref_squeeze %dma_wait3A_101 : memref<1x640xf32, #tpu.memory_space<vmem_shared>> -> memref<640xf32, #tpu.memory_space<vmem_shared>>
      %dma_wait3A_103 = arith.constant 0 : i32
      %dma_wait3A_104 = tpu.memref_slice %arg8[%run_scoped3A_23, %dma_wait3A_103] : memref<16x640xf32, #tpu.memory_space<vmem>> -> memref<1x640xf32, #tpu.memory_space<vmem>>
      %dma_wait3A_105 = tpu.memref_squeeze %dma_wait3A_104 : memref<1x640xf32, #tpu.memory_space<vmem>> -> memref<640xf32, #tpu.memory_space<vmem>>
      %dma_wait3A_106 = tpu.memref_slice %arg10[%run_scoped3A_22, %mul3A_21] : memref<16x10240xf32, #tpu.memory_space<vmem_shared>> -> memref<1x640xf32, #tpu.memory_space<vmem_shared>>
      %dma_wait3A_107 = tpu.memref_squeeze %dma_wait3A_106 : memref<1x640xf32, #tpu.memory_space<vmem_shared>> -> memref<640xf32, #tpu.memory_space<vmem_shared>>
      tpu.wait_dma2 semaphore(%run_scoped3A_89 : memref<!tpu.dma_semaphore, #tpu.memory_space<semaphore_mem>>) src(%dma_wait3A_107 : memref<640xf32, #tpu.memory_space<vmem_shared>>) dst(%dma_wait3A_105 : memref<640xf32, #tpu.memory_space<vmem>>)
      tpu.yield
    }) : () -> ()
    %mul3A_24 = arith.constant 640 : i32
    %mul3A_25 = arith.muli %arg1, %mul3A_24 : i32
    %run_scoped3A_26 = arith.constant 2 : i32
    %run_scoped3A_27 = arith.constant 2 : i32
    "tpu.region"() ({
      %run_scoped3A_89 = tpu.sem_alloc : memref<!tpu.dma_semaphore, #tpu.memory_space<semaphore_mem>>
      %dma_start3A = arith.constant 0 : i32
      %dma_start3A_90 = tpu.memref_slice %arg8[%run_scoped3A_27, %dma_start3A] : memref<16x640xf32, #tpu.memory_space<vmem>> -> memref<1x640xf32, #tpu.memory_space<vmem>>
      %dma_start3A_91 = tpu.memref_squeeze %dma_start3A_90 : memref<1x640xf32, #tpu.memory_space<vmem>> -> memref<640xf32, #tpu.memory_space<vmem>>
      %dma_start3A_92 = tpu.memref_slice %arg10[%run_scoped3A_26, %mul3A_25] : memref<16x10240xf32, #tpu.memory_space<vmem_shared>> -> memref<1x640xf32, #tpu.memory_space<vmem_shared>>
      %dma_start3A_93 = tpu.memref_squeeze %dma_start3A_92 : memref<1x640xf32, #tpu.memory_space<vmem_shared>> -> memref<640xf32, #tpu.memory_space<vmem_shared>>
      %dma_start3A_94 = arith.constant 0 : i32
      %dma_start3A_95 = tpu.memref_slice %arg8[%run_scoped3A_27, %dma_start3A_94] : memref<16x640xf32, #tpu.memory_space<vmem>> -> memref<1x640xf32, #tpu.memory_space<vmem>>
      %dma_start3A_96 = tpu.memref_squeeze %dma_start3A_95 : memref<1x640xf32, #tpu.memory_space<vmem>> -> memref<640xf32, #tpu.memory_space<vmem>>
      %dma_start3A_97 = tpu.memref_slice %arg10[%run_scoped3A_26, %mul3A_25] : memref<16x10240xf32, #tpu.memory_space<vmem_shared>> -> memref<1x640xf32, #tpu.memory_space<vmem_shared>>
      %dma_start3A_98 = tpu.memref_squeeze %dma_start3A_97 : memref<1x640xf32, #tpu.memory_space<vmem_shared>> -> memref<640xf32, #tpu.memory_space<vmem_shared>>
      tpu.enqueue_dma source(%dma_start3A_98 : memref<640xf32, #tpu.memory_space<vmem_shared>>) target(%dma_start3A_96 : memref<640xf32, #tpu.memory_space<vmem>>) target_semaphore(%run_scoped3A_89 : memref<!tpu.dma_semaphore, #tpu.memory_space<semaphore_mem>>)
      %dma_wait3A = arith.constant 0 : i32
      %dma_wait3A_99 = tpu.memref_slice %arg8[%run_scoped3A_27, %dma_wait3A] : memref<16x640xf32, #tpu.memory_space<vmem>> -> memref<1x640xf32, #tpu.memory_space<vmem>>
      %dma_wait3A_100 = tpu.memref_squeeze %dma_wait3A_99 : memref<1x640xf32, #tpu.memory_space<vmem>> -> memref<640xf32, #tpu.memory_space<vmem>>
      %dma_wait3A_101 = tpu.memref_slice %arg10[%run_scoped3A_26, %mul3A_25] : memref<16x10240xf32, #tpu.memory_space<vmem_shared>> -> memref<1x640xf32, #tpu.memory_space<vmem_shared>>
      %dma_wait3A_102 = tpu.memref_squeeze %dma_wait3A_101 : memref<1x640xf32, #tpu.memory_space<vmem_shared>> -> memref<640xf32, #tpu.memory_space<vmem_shared>>
      %dma_wait3A_103 = arith.constant 0 : i32
      %dma_wait3A_104 = tpu.memref_slice %arg8[%run_scoped3A_27, %dma_wait3A_103] : memref<16x640xf32, #tpu.memory_space<vmem>> -> memref<1x640xf32, #tpu.memory_space<vmem>>
      %dma_wait3A_105 = tpu.memref_squeeze %dma_wait3A_104 : memref<1x640xf32, #tpu.memory_space<vmem>> -> memref<640xf32, #tpu.memory_space<vmem>>
      %dma_wait3A_106 = tpu.memref_slice %arg10[%run_scoped3A_26, %mul3A_25] : memref<16x10240xf32, #tpu.memory_space<vmem_shared>> -> memref<1x640xf32, #tpu.memory_space<vmem_shared>>
      %dma_wait3A_107 = tpu.memref_squeeze %dma_wait3A_106 : memref<1x640xf32, #tpu.memory_space<vmem_shared>> -> memref<640xf32, #tpu.memory_space<vmem_shared>>
      tpu.wait_dma2 semaphore(%run_scoped3A_89 : memref<!tpu.dma_semaphore, #tpu.memory_space<semaphore_mem>>) src(%dma_wait3A_107 : memref<640xf32, #tpu.memory_space<vmem_shared>>) dst(%dma_wait3A_105 : memref<640xf32, #tpu.memory_space<vmem>>)
      tpu.yield
    }) : () -> ()
    %mul3A_28 = arith.constant 640 : i32
    %mul3A_29 = arith.muli %arg1, %mul3A_28 : i32
    %run_scoped3A_30 = arith.constant 3 : i32
    %run_scoped3A_31 = arith.constant 3 : i32
    "tpu.region"() ({
      %run_scoped3A_89 = tpu.sem_alloc : memref<!tpu.dma_semaphore, #tpu.memory_space<semaphore_mem>>
      %dma_start3A = arith.constant 0 : i32
      %dma_start3A_90 = tpu.memref_slice %arg8[%run_scoped3A_31, %dma_start3A] : memref<16x640xf32, #tpu.memory_space<vmem>> -> memref<1x640xf32, #tpu.memory_space<vmem>>
      %dma_start3A_91 = tpu.memref_squeeze %dma_start3A_90 : memref<1x640xf32, #tpu.memory_space<vmem>> -> memref<640xf32, #tpu.memory_space<vmem>>
      %dma_start3A_92 = tpu.memref_slice %arg10[%run_scoped3A_30, %mul3A_29] : memref<16x10240xf32, #tpu.memory_space<vmem_shared>> -> memref<1x640xf32, #tpu.memory_space<vmem_shared>>
      %dma_start3A_93 = tpu.memref_squeeze %dma_start3A_92 : memref<1x640xf32, #tpu.memory_space<vmem_shared>> -> memref<640xf32, #tpu.memory_space<vmem_shared>>
      %dma_start3A_94 = arith.constant 0 : i32
      %dma_start3A_95 = tpu.memref_slice %arg8[%run_scoped3A_31, %dma_start3A_94] : memref<16x640xf32, #tpu.memory_space<vmem>> -> memref<1x640xf32, #tpu.memory_space<vmem>>
      %dma_start3A_96 = tpu.memref_squeeze %dma_start3A_95 : memref<1x640xf32, #tpu.memory_space<vmem>> -> memref<640xf32, #tpu.memory_space<vmem>>
      %dma_start3A_97 = tpu.memref_slice %arg10[%run_scoped3A_30, %mul3A_29] : memref<16x10240xf32, #tpu.memory_space<vmem_shared>> -> memref<1x640xf32, #tpu.memory_space<vmem_shared>>
      %dma_start3A_98 = tpu.memref_squeeze %dma_start3A_97 : memref<1x640xf32, #tpu.memory_space<vmem_shared>> -> memref<640xf32, #tpu.memory_space<vmem_shared>>
      tpu.enqueue_dma source(%dma_start3A_98 : memref<640xf32, #tpu.memory_space<vmem_shared>>) target(%dma_start3A_96 : memref<640xf32, #tpu.memory_space<vmem>>) target_semaphore(%run_scoped3A_89 : memref<!tpu.dma_semaphore, #tpu.memory_space<semaphore_mem>>)
      %dma_wait3A = arith.constant 0 : i32
      %dma_wait3A_99 = tpu.memref_slice %arg8[%run_scoped3A_31, %dma_wait3A] : memref<16x640xf32, #tpu.memory_space<vmem>> -> memref<1x640xf32, #tpu.memory_space<vmem>>
      %dma_wait3A_100 = tpu.memref_squeeze %dma_wait3A_99 : memref<1x640xf32, #tpu.memory_space<vmem>> -> memref<640xf32, #tpu.memory_space<vmem>>
      %dma_wait3A_101 = tpu.memref_slice %arg10[%run_scoped3A_30, %mul3A_29] : memref<16x10240xf32, #tpu.memory_space<vmem_shared>> -> memref<1x640xf32, #tpu.memory_space<vmem_shared>>
      %dma_wait3A_102 = tpu.memref_squeeze %dma_wait3A_101 : memref<1x640xf32, #tpu.memory_space<vmem_shared>> -> memref<640xf32, #tpu.memory_space<vmem_shared>>
      %dma_wait3A_103 = arith.constant 0 : i32
      %dma_wait3A_104 = tpu.memref_slice %arg8[%run_scoped3A_31, %dma_wait3A_103] : memref<16x640xf32, #tpu.memory_space<vmem>> -> memref<1x640xf32, #tpu.memory_space<vmem>>
      %dma_wait3A_105 = tpu.memref_squeeze %dma_wait3A_104 : memref<1x640xf32, #tpu.memory_space<vmem>> -> memref<640xf32, #tpu.memory_space<vmem>>
      %dma_wait3A_106 = tpu.memref_slice %arg10[%run_scoped3A_30, %mul3A_29] : memref<16x10240xf32, #tpu.memory_space<vmem_shared>> -> memref<1x640xf32, #tpu.memory_space<vmem_shared>>
      %dma_wait3A_107 = tpu.memref_squeeze %dma_wait3A_106 : memref<1x640xf32, #tpu.memory_space<vmem_shared>> -> memref<640xf32, #tpu.memory_space<vmem_shared>>
      tpu.wait_dma2 semaphore(%run_scoped3A_89 : memref<!tpu.dma_semaphore, #tpu.memory_space<semaphore_mem>>) src(%dma_wait3A_107 : memref<640xf32, #tpu.memory_space<vmem_shared>>) dst(%dma_wait3A_105 : memref<640xf32, #tpu.memory_space<vmem>>)
      tpu.yield
    }) : () -> ()
    %mul3A_32 = arith.constant 640 : i32
    %mul3A_33 = arith.muli %arg1, %mul3A_32 : i32
    %run_scoped3A_34 = arith.constant 4 : i32
    %run_scoped3A_35 = arith.constant 4 : i32
    "tpu.region"() ({
      %run_scoped3A_89 = tpu.sem_alloc : memref<!tpu.dma_semaphore, #tpu.memory_space<semaphore_mem>>
      %dma_start3A = arith.constant 0 : i32
      %dma_start3A_90 = tpu.memref_slice %arg8[%run_scoped3A_35, %dma_start3A] : memref<16x640xf32, #tpu.memory_space<vmem>> -> memref<1x640xf32, #tpu.memory_space<vmem>>
      %dma_start3A_91 = tpu.memref_squeeze %dma_start3A_90 : memref<1x640xf32, #tpu.memory_space<vmem>> -> memref<640xf32, #tpu.memory_space<vmem>>
      %dma_start3A_92 = tpu.memref_slice %arg10[%run_scoped3A_34, %mul3A_33] : memref<16x10240xf32, #tpu.memory_space<vmem_shared>> -> memref<1x640xf32, #tpu.memory_space<vmem_shared>>
      %dma_start3A_93 = tpu.memref_squeeze %dma_start3A_92 : memref<1x640xf32, #tpu.memory_space<vmem_shared>> -> memref<640xf32, #tpu.memory_space<vmem_shared>>
      %dma_start3A_94 = arith.constant 0 : i32
      %dma_start3A_95 = tpu.memref_slice %arg8[%run_scoped3A_35, %dma_start3A_94] : memref<16x640xf32, #tpu.memory_space<vmem>> -> memref<1x640xf32, #tpu.memory_space<vmem>>
      %dma_start3A_96 = tpu.memref_squeeze %dma_start3A_95 : memref<1x640xf32, #tpu.memory_space<vmem>> -> memref<640xf32, #tpu.memory_space<vmem>>
      %dma_start3A_97 = tpu.memref_slice %arg10[%run_scoped3A_34, %mul3A_33] : memref<16x10240xf32, #tpu.memory_space<vmem_shared>> -> memref<1x640xf32, #tpu.memory_space<vmem_shared>>
      %dma_start3A_98 = tpu.memref_squeeze %dma_start3A_97 : memref<1x640xf32, #tpu.memory_space<vmem_shared>> -> memref<640xf32, #tpu.memory_space<vmem_shared>>
      tpu.enqueue_dma source(%dma_start3A_98 : memref<640xf32, #tpu.memory_space<vmem_shared>>) target(%dma_start3A_96 : memref<640xf32, #tpu.memory_space<vmem>>) target_semaphore(%run_scoped3A_89 : memref<!tpu.dma_semaphore, #tpu.memory_space<semaphore_mem>>)
      %dma_wait3A = arith.constant 0 : i32
      %dma_wait3A_99 = tpu.memref_slice %arg8[%run_scoped3A_35, %dma_wait3A] : memref<16x640xf32, #tpu.memory_space<vmem>> -> memref<1x640xf32, #tpu.memory_space<vmem>>
      %dma_wait3A_100 = tpu.memref_squeeze %dma_wait3A_99 : memref<1x640xf32, #tpu.memory_space<vmem>> -> memref<640xf32, #tpu.memory_space<vmem>>
      %dma_wait3A_101 = tpu.memref_slice %arg10[%run_scoped3A_34, %mul3A_33] : memref<16x10240xf32, #tpu.memory_space<vmem_shared>> -> memref<1x640xf32, #tpu.memory_space<vmem_shared>>
      %dma_wait3A_102 = tpu.memref_squeeze %dma_wait3A_101 : memref<1x640xf32, #tpu.memory_space<vmem_shared>> -> memref<640xf32, #tpu.memory_space<vmem_shared>>
      %dma_wait3A_103 = arith.constant 0 : i32
      %dma_wait3A_104 = tpu.memref_slice %arg8[%run_scoped3A_35, %dma_wait3A_103] : memref<16x640xf32, #tpu.memory_space<vmem>> -> memref<1x640xf32, #tpu.memory_space<vmem>>
      %dma_wait3A_105 = tpu.memref_squeeze %dma_wait3A_104 : memref<1x640xf32, #tpu.memory_space<vmem>> -> memref<640xf32, #tpu.memory_space<vmem>>
      %dma_wait3A_106 = tpu.memref_slice %arg10[%run_scoped3A_34, %mul3A_33] : memref<16x10240xf32, #tpu.memory_space<vmem_shared>> -> memref<1x640xf32, #tpu.memory_space<vmem_shared>>
      %dma_wait3A_107 = tpu.memref_squeeze %dma_wait3A_106 : memref<1x640xf32, #tpu.memory_space<vmem_shared>> -> memref<640xf32, #tpu.memory_space<vmem_shared>>
      tpu.wait_dma2 semaphore(%run_scoped3A_89 : memref<!tpu.dma_semaphore, #tpu.memory_space<semaphore_mem>>) src(%dma_wait3A_107 : memref<640xf32, #tpu.memory_space<vmem_shared>>) dst(%dma_wait3A_105 : memref<640xf32, #tpu.memory_space<vmem>>)
      tpu.yield
    }) : () -> ()
    %mul3A_36 = arith.constant 640 : i32
    %mul3A_37 = arith.muli %arg1, %mul3A_36 : i32
    %run_scoped3A_38 = arith.constant 5 : i32
    %run_scoped3A_39 = arith.constant 5 : i32
    "tpu.region"() ({
      %run_scoped3A_89 = tpu.sem_alloc : memref<!tpu.dma_semaphore, #tpu.memory_space<semaphore_mem>>
      %dma_start3A = arith.constant 0 : i32
      %dma_start3A_90 = tpu.memref_slice %arg8[%run_scoped3A_39, %dma_start3A] : memref<16x640xf32, #tpu.memory_space<vmem>> -> memref<1x640xf32, #tpu.memory_space<vmem>>
      %dma_start3A_91 = tpu.memref_squeeze %dma_start3A_90 : memref<1x640xf32, #tpu.memory_space<vmem>> -> memref<640xf32, #tpu.memory_space<vmem>>
      %dma_start3A_92 = tpu.memref_slice %arg10[%run_scoped3A_38, %mul3A_37] : memref<16x10240xf32, #tpu.memory_space<vmem_shared>> -> memref<1x640xf32, #tpu.memory_space<vmem_shared>>
      %dma_start3A_93 = tpu.memref_squeeze %dma_start3A_92 : memref<1x640xf32, #tpu.memory_space<vmem_shared>> -> memref<640xf32, #tpu.memory_space<vmem_shared>>
      %dma_start3A_94 = arith.constant 0 : i32
      %dma_start3A_95 = tpu.memref_slice %arg8[%run_scoped3A_39, %dma_start3A_94] : memref<16x640xf32, #tpu.memory_space<vmem>> -> memref<1x640xf32, #tpu.memory_space<vmem>>
      %dma_start3A_96 = tpu.memref_squeeze %dma_start3A_95 : memref<1x640xf32, #tpu.memory_space<vmem>> -> memref<640xf32, #tpu.memory_space<vmem>>
      %dma_start3A_97 = tpu.memref_slice %arg10[%run_scoped3A_38, %mul3A_37] : memref<16x10240xf32, #tpu.memory_space<vmem_shared>> -> memref<1x640xf32, #tpu.memory_space<vmem_shared>>
      %dma_start3A_98 = tpu.memref_squeeze %dma_start3A_97 : memref<1x640xf32, #tpu.memory_space<vmem_shared>> -> memref<640xf32, #tpu.memory_space<vmem_shared>>
      tpu.enqueue_dma source(%dma_start3A_98 : memref<640xf32, #tpu.memory_space<vmem_shared>>) target(%dma_start3A_96 : memref<640xf32, #tpu.memory_space<vmem>>) target_semaphore(%run_scoped3A_89 : memref<!tpu.dma_semaphore, #tpu.memory_space<semaphore_mem>>)
      %dma_wait3A = arith.constant 0 : i32
      %dma_wait3A_99 = tpu.memref_slice %arg8[%run_scoped3A_39, %dma_wait3A] : memref<16x640xf32, #tpu.memory_space<vmem>> -> memref<1x640xf32, #tpu.memory_space<vmem>>
      %dma_wait3A_100 = tpu.memref_squeeze %dma_wait3A_99 : memref<1x640xf32, #tpu.memory_space<vmem>> -> memref<640xf32, #tpu.memory_space<vmem>>
      %dma_wait3A_101 = tpu.memref_slice %arg10[%run_scoped3A_38, %mul3A_37] : memref<16x10240xf32, #tpu.memory_space<vmem_shared>> -> memref<1x640xf32, #tpu.memory_space<vmem_shared>>
      %dma_wait3A_102 = tpu.memref_squeeze %dma_wait3A_101 : memref<1x640xf32, #tpu.memory_space<vmem_shared>> -> memref<640xf32, #tpu.memory_space<vmem_shared>>
      %dma_wait3A_103 = arith.constant 0 : i32
      %dma_wait3A_104 = tpu.memref_slice %arg8[%run_scoped3A_39, %dma_wait3A_103] : memref<16x640xf32, #tpu.memory_space<vmem>> -> memref<1x640xf32, #tpu.memory_space<vmem>>
      %dma_wait3A_105 = tpu.memref_squeeze %dma_wait3A_104 : memref<1x640xf32, #tpu.memory_space<vmem>> -> memref<640xf32, #tpu.memory_space<vmem>>
      %dma_wait3A_106 = tpu.memref_slice %arg10[%run_scoped3A_38, %mul3A_37] : memref<16x10240xf32, #tpu.memory_space<vmem_shared>> -> memref<1x640xf32, #tpu.memory_space<vmem_shared>>
      %dma_wait3A_107 = tpu.memref_squeeze %dma_wait3A_106 : memref<1x640xf32, #tpu.memory_space<vmem_shared>> -> memref<640xf32, #tpu.memory_space<vmem_shared>>
      tpu.wait_dma2 semaphore(%run_scoped3A_89 : memref<!tpu.dma_semaphore, #tpu.memory_space<semaphore_mem>>) src(%dma_wait3A_107 : memref<640xf32, #tpu.memory_space<vmem_shared>>) dst(%dma_wait3A_105 : memref<640xf32, #tpu.memory_space<vmem>>)
      tpu.yield
    }) : () -> ()
    %mul3A_40 = arith.constant 640 : i32
    %mul3A_41 = arith.muli %arg1, %mul3A_40 : i32
    %run_scoped3A_42 = arith.constant 6 : i32
    %run_scoped3A_43 = arith.constant 6 : i32
    "tpu.region"() ({
      %run_scoped3A_89 = tpu.sem_alloc : memref<!tpu.dma_semaphore, #tpu.memory_space<semaphore_mem>>
      %dma_start3A = arith.constant 0 : i32
      %dma_start3A_90 = tpu.memref_slice %arg8[%run_scoped3A_43, %dma_start3A] : memref<16x640xf32, #tpu.memory_space<vmem>> -> memref<1x640xf32, #tpu.memory_space<vmem>>
      %dma_start3A_91 = tpu.memref_squeeze %dma_start3A_90 : memref<1x640xf32, #tpu.memory_space<vmem>> -> memref<640xf32, #tpu.memory_space<vmem>>
      %dma_start3A_92 = tpu.memref_slice %arg10[%run_scoped3A_42, %mul3A_41] : memref<16x10240xf32, #tpu.memory_space<vmem_shared>> -> memref<1x640xf32, #tpu.memory_space<vmem_shared>>
      %dma_start3A_93 = tpu.memref_squeeze %dma_start3A_92 : memref<1x640xf32, #tpu.memory_space<vmem_shared>> -> memref<640xf32, #tpu.memory_space<vmem_shared>>
      %dma_start3A_94 = arith.constant 0 : i32
      %dma_start3A_95 = tpu.memref_slice %arg8[%run_scoped3A_43, %dma_start3A_94] : memref<16x640xf32, #tpu.memory_space<vmem>> -> memref<1x640xf32, #tpu.memory_space<vmem>>
      %dma_start3A_96 = tpu.memref_squeeze %dma_start3A_95 : memref<1x640xf32, #tpu.memory_space<vmem>> -> memref<640xf32, #tpu.memory_space<vmem>>
      %dma_start3A_97 = tpu.memref_slice %arg10[%run_scoped3A_42, %mul3A_41] : memref<16x10240xf32, #tpu.memory_space<vmem_shared>> -> memref<1x640xf32, #tpu.memory_space<vmem_shared>>
      %dma_start3A_98 = tpu.memref_squeeze %dma_start3A_97 : memref<1x640xf32, #tpu.memory_space<vmem_shared>> -> memref<640xf32, #tpu.memory_space<vmem_shared>>
      tpu.enqueue_dma source(%dma_start3A_98 : memref<640xf32, #tpu.memory_space<vmem_shared>>) target(%dma_start3A_96 : memref<640xf32, #tpu.memory_space<vmem>>) target_semaphore(%run_scoped3A_89 : memref<!tpu.dma_semaphore, #tpu.memory_space<semaphore_mem>>)
      %dma_wait3A = arith.constant 0 : i32
      %dma_wait3A_99 = tpu.memref_slice %arg8[%run_scoped3A_43, %dma_wait3A] : memref<16x640xf32, #tpu.memory_space<vmem>> -> memref<1x640xf32, #tpu.memory_space<vmem>>
      %dma_wait3A_100 = tpu.memref_squeeze %dma_wait3A_99 : memref<1x640xf32, #tpu.memory_space<vmem>> -> memref<640xf32, #tpu.memory_space<vmem>>
      %dma_wait3A_101 = tpu.memref_slice %arg10[%run_scoped3A_42, %mul3A_41] : memref<16x10240xf32, #tpu.memory_space<vmem_shared>> -> memref<1x640xf32, #tpu.memory_space<vmem_shared>>
      %dma_wait3A_102 = tpu.memref_squeeze %dma_wait3A_101 : memref<1x640xf32, #tpu.memory_space<vmem_shared>> -> memref<640xf32, #tpu.memory_space<vmem_shared>>
      %dma_wait3A_103 = arith.constant 0 : i32
      %dma_wait3A_104 = tpu.memref_slice %arg8[%run_scoped3A_43, %dma_wait3A_103] : memref<16x640xf32, #tpu.memory_space<vmem>> -> memref<1x640xf32, #tpu.memory_space<vmem>>
      %dma_wait3A_105 = tpu.memref_squeeze %dma_wait3A_104 : memref<1x640xf32, #tpu.memory_space<vmem>> -> memref<640xf32, #tpu.memory_space<vmem>>
      %dma_wait3A_106 = tpu.memref_slice %arg10[%run_scoped3A_42, %mul3A_41] : memref<16x10240xf32, #tpu.memory_space<vmem_shared>> -> memref<1x640xf32, #tpu.memory_space<vmem_shared>>
      %dma_wait3A_107 = tpu.memref_squeeze %dma_wait3A_106 : memref<1x640xf32, #tpu.memory_space<vmem_shared>> -> memref<640xf32, #tpu.memory_space<vmem_shared>>
      tpu.wait_dma2 semaphore(%run_scoped3A_89 : memref<!tpu.dma_semaphore, #tpu.memory_space<semaphore_mem>>) src(%dma_wait3A_107 : memref<640xf32, #tpu.memory_space<vmem_shared>>) dst(%dma_wait3A_105 : memref<640xf32, #tpu.memory_space<vmem>>)
      tpu.yield
    }) : () -> ()
    %mul3A_44 = arith.constant 640 : i32
    %mul3A_45 = arith.muli %arg1, %mul3A_44 : i32
    %run_scoped3A_46 = arith.constant 7 : i32
    %run_scoped3A_47 = arith.constant 7 : i32
    "tpu.region"() ({
      %run_scoped3A_89 = tpu.sem_alloc : memref<!tpu.dma_semaphore, #tpu.memory_space<semaphore_mem>>
      %dma_start3A = arith.constant 0 : i32
      %dma_start3A_90 = tpu.memref_slice %arg8[%run_scoped3A_47, %dma_start3A] : memref<16x640xf32, #tpu.memory_space<vmem>> -> memref<1x640xf32, #tpu.memory_space<vmem>>
      %dma_start3A_91 = tpu.memref_squeeze %dma_start3A_90 : memref<1x640xf32, #tpu.memory_space<vmem>> -> memref<640xf32, #tpu.memory_space<vmem>>
      %dma_start3A_92 = tpu.memref_slice %arg10[%run_scoped3A_46, %mul3A_45] : memref<16x10240xf32, #tpu.memory_space<vmem_shared>> -> memref<1x640xf32, #tpu.memory_space<vmem_shared>>
      %dma_start3A_93 = tpu.memref_squeeze %dma_start3A_92 : memref<1x640xf32, #tpu.memory_space<vmem_shared>> -> memref<640xf32, #tpu.memory_space<vmem_shared>>
      %dma_start3A_94 = arith.constant 0 : i32
      %dma_start3A_95 = tpu.memref_slice %arg8[%run_scoped3A_47, %dma_start3A_94] : memref<16x640xf32, #tpu.memory_space<vmem>> -> memref<1x640xf32, #tpu.memory_space<vmem>>
      %dma_start3A_96 = tpu.memref_squeeze %dma_start3A_95 : memref<1x640xf32, #tpu.memory_space<vmem>> -> memref<640xf32, #tpu.memory_space<vmem>>
      %dma_start3A_97 = tpu.memref_slice %arg10[%run_scoped3A_46, %mul3A_45] : memref<16x10240xf32, #tpu.memory_space<vmem_shared>> -> memref<1x640xf32, #tpu.memory_space<vmem_shared>>
      %dma_start3A_98 = tpu.memref_squeeze %dma_start3A_97 : memref<1x640xf32, #tpu.memory_space<vmem_shared>> -> memref<640xf32, #tpu.memory_space<vmem_shared>>
      tpu.enqueue_dma source(%dma_start3A_98 : memref<640xf32, #tpu.memory_space<vmem_shared>>) target(%dma_start3A_96 : memref<640xf32, #tpu.memory_space<vmem>>) target_semaphore(%run_scoped3A_89 : memref<!tpu.dma_semaphore, #tpu.memory_space<semaphore_mem>>)
      %dma_wait3A = arith.constant 0 : i32
      %dma_wait3A_99 = tpu.memref_slice %arg8[%run_scoped3A_47, %dma_wait3A] : memref<16x640xf32, #tpu.memory_space<vmem>> -> memref<1x640xf32, #tpu.memory_space<vmem>>
      %dma_wait3A_100 = tpu.memref_squeeze %dma_wait3A_99 : memref<1x640xf32, #tpu.memory_space<vmem>> -> memref<640xf32, #tpu.memory_space<vmem>>
      %dma_wait3A_101 = tpu.memref_slice %arg10[%run_scoped3A_46, %mul3A_45] : memref<16x10240xf32, #tpu.memory_space<vmem_shared>> -> memref<1x640xf32, #tpu.memory_space<vmem_shared>>
      %dma_wait3A_102 = tpu.memref_squeeze %dma_wait3A_101 : memref<1x640xf32, #tpu.memory_space<vmem_shared>> -> memref<640xf32, #tpu.memory_space<vmem_shared>>
      %dma_wait3A_103 = arith.constant 0 : i32
      %dma_wait3A_104 = tpu.memref_slice %arg8[%run_scoped3A_47, %dma_wait3A_103] : memref<16x640xf32, #tpu.memory_space<vmem>> -> memref<1x640xf32, #tpu.memory_space<vmem>>
      %dma_wait3A_105 = tpu.memref_squeeze %dma_wait3A_104 : memref<1x640xf32, #tpu.memory_space<vmem>> -> memref<640xf32, #tpu.memory_space<vmem>>
      %dma_wait3A_106 = tpu.memref_slice %arg10[%run_scoped3A_46, %mul3A_45] : memref<16x10240xf32, #tpu.memory_space<vmem_shared>> -> memref<1x640xf32, #tpu.memory_space<vmem_shared>>
      %dma_wait3A_107 = tpu.memref_squeeze %dma_wait3A_106 : memref<1x640xf32, #tpu.memory_space<vmem_shared>> -> memref<640xf32, #tpu.memory_space<vmem_shared>>
      tpu.wait_dma2 semaphore(%run_scoped3A_89 : memref<!tpu.dma_semaphore, #tpu.memory_space<semaphore_mem>>) src(%dma_wait3A_107 : memref<640xf32, #tpu.memory_space<vmem_shared>>) dst(%dma_wait3A_105 : memref<640xf32, #tpu.memory_space<vmem>>)
      tpu.yield
    }) : () -> ()
    %mul3A_48 = arith.constant 640 : i32
    %mul3A_49 = arith.muli %arg1, %mul3A_48 : i32
    %run_scoped3A_50 = arith.constant 8 : i32
    %run_scoped3A_51 = arith.constant 8 : i32
    "tpu.region"() ({
      %run_scoped3A_89 = tpu.sem_alloc : memref<!tpu.dma_semaphore, #tpu.memory_space<semaphore_mem>>
      %dma_start3A = arith.constant 0 : i32
      %dma_start3A_90 = tpu.memref_slice %arg8[%run_scoped3A_51, %dma_start3A] : memref<16x640xf32, #tpu.memory_space<vmem>> -> memref<1x640xf32, #tpu.memory_space<vmem>>
      %dma_start3A_91 = tpu.memref_squeeze %dma_start3A_90 : memref<1x640xf32, #tpu.memory_space<vmem>> -> memref<640xf32, #tpu.memory_space<vmem>>
      %dma_start3A_92 = tpu.memref_slice %arg10[%run_scoped3A_50, %mul3A_49] : memref<16x10240xf32, #tpu.memory_space<vmem_shared>> -> memref<1x640xf32, #tpu.memory_space<vmem_shared>>
      %dma_start3A_93 = tpu.memref_squeeze %dma_start3A_92 : memref<1x640xf32, #tpu.memory_space<vmem_shared>> -> memref<640xf32, #tpu.memory_space<vmem_shared>>
      %dma_start3A_94 = arith.constant 0 : i32
      %dma_start3A_95 = tpu.memref_slice %arg8[%run_scoped3A_51, %dma_start3A_94] : memref<16x640xf32, #tpu.memory_space<vmem>> -> memref<1x640xf32, #tpu.memory_space<vmem>>
      %dma_start3A_96 = tpu.memref_squeeze %dma_start3A_95 : memref<1x640xf32, #tpu.memory_space<vmem>> -> memref<640xf32, #tpu.memory_space<vmem>>
      %dma_start3A_97 = tpu.memref_slice %arg10[%run_scoped3A_50, %mul3A_49] : memref<16x10240xf32, #tpu.memory_space<vmem_shared>> -> memref<1x640xf32, #tpu.memory_space<vmem_shared>>
      %dma_start3A_98 = tpu.memref_squeeze %dma_start3A_97 : memref<1x640xf32, #tpu.memory_space<vmem_shared>> -> memref<640xf32, #tpu.memory_space<vmem_shared>>
      tpu.enqueue_dma source(%dma_start3A_98 : memref<640xf32, #tpu.memory_space<vmem_shared>>) target(%dma_start3A_96 : memref<640xf32, #tpu.memory_space<vmem>>) target_semaphore(%run_scoped3A_89 : memref<!tpu.dma_semaphore, #tpu.memory_space<semaphore_mem>>)
      %dma_wait3A = arith.constant 0 : i32
      %dma_wait3A_99 = tpu.memref_slice %arg8[%run_scoped3A_51, %dma_wait3A] : memref<16x640xf32, #tpu.memory_space<vmem>> -> memref<1x640xf32, #tpu.memory_space<vmem>>
      %dma_wait3A_100 = tpu.memref_squeeze %dma_wait3A_99 : memref<1x640xf32, #tpu.memory_space<vmem>> -> memref<640xf32, #tpu.memory_space<vmem>>
      %dma_wait3A_101 = tpu.memref_slice %arg10[%run_scoped3A_50, %mul3A_49] : memref<16x10240xf32, #tpu.memory_space<vmem_shared>> -> memref<1x640xf32, #tpu.memory_space<vmem_shared>>
      %dma_wait3A_102 = tpu.memref_squeeze %dma_wait3A_101 : memref<1x640xf32, #tpu.memory_space<vmem_shared>> -> memref<640xf32, #tpu.memory_space<vmem_shared>>
      %dma_wait3A_103 = arith.constant 0 : i32
      %dma_wait3A_104 = tpu.memref_slice %arg8[%run_scoped3A_51, %dma_wait3A_103] : memref<16x640xf32, #tpu.memory_space<vmem>> -> memref<1x640xf32, #tpu.memory_space<vmem>>
      %dma_wait3A_105 = tpu.memref_squeeze %dma_wait3A_104 : memref<1x640xf32, #tpu.memory_space<vmem>> -> memref<640xf32, #tpu.memory_space<vmem>>
      %dma_wait3A_106 = tpu.memref_slice %arg10[%run_scoped3A_50, %mul3A_49] : memref<16x10240xf32, #tpu.memory_space<vmem_shared>> -> memref<1x640xf32, #tpu.memory_space<vmem_shared>>
      %dma_wait3A_107 = tpu.memref_squeeze %dma_wait3A_106 : memref<1x640xf32, #tpu.memory_space<vmem_shared>> -> memref<640xf32, #tpu.memory_space<vmem_shared>>
      tpu.wait_dma2 semaphore(%run_scoped3A_89 : memref<!tpu.dma_semaphore, #tpu.memory_space<semaphore_mem>>) src(%dma_wait3A_107 : memref<640xf32, #tpu.memory_space<vmem_shared>>) dst(%dma_wait3A_105 : memref<640xf32, #tpu.memory_space<vmem>>)
      tpu.yield
    }) : () -> ()
    %mul3A_52 = arith.constant 640 : i32
    %mul3A_53 = arith.muli %arg1, %mul3A_52 : i32
    %run_scoped3A_54 = arith.constant 9 : i32
    %run_scoped3A_55 = arith.constant 9 : i32
    "tpu.region"() ({
      %run_scoped3A_89 = tpu.sem_alloc : memref<!tpu.dma_semaphore, #tpu.memory_space<semaphore_mem>>
      %dma_start3A = arith.constant 0 : i32
      %dma_start3A_90 = tpu.memref_slice %arg8[%run_scoped3A_55, %dma_start3A] : memref<16x640xf32, #tpu.memory_space<vmem>> -> memref<1x640xf32, #tpu.memory_space<vmem>>
      %dma_start3A_91 = tpu.memref_squeeze %dma_start3A_90 : memref<1x640xf32, #tpu.memory_space<vmem>> -> memref<640xf32, #tpu.memory_space<vmem>>
      %dma_start3A_92 = tpu.memref_slice %arg10[%run_scoped3A_54, %mul3A_53] : memref<16x10240xf32, #tpu.memory_space<vmem_shared>> -> memref<1x640xf32, #tpu.memory_space<vmem_shared>>
      %dma_start3A_93 = tpu.memref_squeeze %dma_start3A_92 : memref<1x640xf32, #tpu.memory_space<vmem_shared>> -> memref<640xf32, #tpu.memory_space<vmem_shared>>
      %dma_start3A_94 = arith.constant 0 : i32
      %dma_start3A_95 = tpu.memref_slice %arg8[%run_scoped3A_55, %dma_start3A_94] : memref<16x640xf32, #tpu.memory_space<vmem>> -> memref<1x640xf32, #tpu.memory_space<vmem>>
      %dma_start3A_96 = tpu.memref_squeeze %dma_start3A_95 : memref<1x640xf32, #tpu.memory_space<vmem>> -> memref<640xf32, #tpu.memory_space<vmem>>
      %dma_start3A_97 = tpu.memref_slice %arg10[%run_scoped3A_54, %mul3A_53] : memref<16x10240xf32, #tpu.memory_space<vmem_shared>> -> memref<1x640xf32, #tpu.memory_space<vmem_shared>>
      %dma_start3A_98 = tpu.memref_squeeze %dma_start3A_97 : memref<1x640xf32, #tpu.memory_space<vmem_shared>> -> memref<640xf32, #tpu.memory_space<vmem_shared>>
      tpu.enqueue_dma source(%dma_start3A_98 : memref<640xf32, #tpu.memory_space<vmem_shared>>) target(%dma_start3A_96 : memref<640xf32, #tpu.memory_space<vmem>>) target_semaphore(%run_scoped3A_89 : memref<!tpu.dma_semaphore, #tpu.memory_space<semaphore_mem>>)
      %dma_wait3A = arith.constant 0 : i32
      %dma_wait3A_99 = tpu.memref_slice %arg8[%run_scoped3A_55, %dma_wait3A] : memref<16x640xf32, #tpu.memory_space<vmem>> -> memref<1x640xf32, #tpu.memory_space<vmem>>
      %dma_wait3A_100 = tpu.memref_squeeze %dma_wait3A_99 : memref<1x640xf32, #tpu.memory_space<vmem>> -> memref<640xf32, #tpu.memory_space<vmem>>
      %dma_wait3A_101 = tpu.memref_slice %arg10[%run_scoped3A_54, %mul3A_53] : memref<16x10240xf32, #tpu.memory_space<vmem_shared>> -> memref<1x640xf32, #tpu.memory_space<vmem_shared>>
      %dma_wait3A_102 = tpu.memref_squeeze %dma_wait3A_101 : memref<1x640xf32, #tpu.memory_space<vmem_shared>> -> memref<640xf32, #tpu.memory_space<vmem_shared>>
      %dma_wait3A_103 = arith.constant 0 : i32
      %dma_wait3A_104 = tpu.memref_slice %arg8[%run_scoped3A_55, %dma_wait3A_103] : memref<16x640xf32, #tpu.memory_space<vmem>> -> memref<1x640xf32, #tpu.memory_space<vmem>>
      %dma_wait3A_105 = tpu.memref_squeeze %dma_wait3A_104 : memref<1x640xf32, #tpu.memory_space<vmem>> -> memref<640xf32, #tpu.memory_space<vmem>>
      %dma_wait3A_106 = tpu.memref_slice %arg10[%run_scoped3A_54, %mul3A_53] : memref<16x10240xf32, #tpu.memory_space<vmem_shared>> -> memref<1x640xf32, #tpu.memory_space<vmem_shared>>
      %dma_wait3A_107 = tpu.memref_squeeze %dma_wait3A_106 : memref<1x640xf32, #tpu.memory_space<vmem_shared>> -> memref<640xf32, #tpu.memory_space<vmem_shared>>
      tpu.wait_dma2 semaphore(%run_scoped3A_89 : memref<!tpu.dma_semaphore, #tpu.memory_space<semaphore_mem>>) src(%dma_wait3A_107 : memref<640xf32, #tpu.memory_space<vmem_shared>>) dst(%dma_wait3A_105 : memref<640xf32, #tpu.memory_space<vmem>>)
      tpu.yield
    }) : () -> ()
    %mul3A_56 = arith.constant 640 : i32
    %mul3A_57 = arith.muli %arg1, %mul3A_56 : i32
    %run_scoped3A_58 = arith.constant 10 : i32
    %run_scoped3A_59 = arith.constant 10 : i32
    "tpu.region"() ({
      %run_scoped3A_89 = tpu.sem_alloc : memref<!tpu.dma_semaphore, #tpu.memory_space<semaphore_mem>>
      %dma_start3A = arith.constant 0 : i32
      %dma_start3A_90 = tpu.memref_slice %arg8[%run_scoped3A_59, %dma_start3A] : memref<16x640xf32, #tpu.memory_space<vmem>> -> memref<1x640xf32, #tpu.memory_space<vmem>>
      %dma_start3A_91 = tpu.memref_squeeze %dma_start3A_90 : memref<1x640xf32, #tpu.memory_space<vmem>> -> memref<640xf32, #tpu.memory_space<vmem>>
      %dma_start3A_92 = tpu.memref_slice %arg10[%run_scoped3A_58, %mul3A_57] : memref<16x10240xf32, #tpu.memory_space<vmem_shared>> -> memref<1x640xf32, #tpu.memory_space<vmem_shared>>
      %dma_start3A_93 = tpu.memref_squeeze %dma_start3A_92 : memref<1x640xf32, #tpu.memory_space<vmem_shared>> -> memref<640xf32, #tpu.memory_space<vmem_shared>>
      %dma_start3A_94 = arith.constant 0 : i32
      %dma_start3A_95 = tpu.memref_slice %arg8[%run_scoped3A_59, %dma_start3A_94] : memref<16x640xf32, #tpu.memory_space<vmem>> -> memref<1x640xf32, #tpu.memory_space<vmem>>
      %dma_start3A_96 = tpu.memref_squeeze %dma_start3A_95 : memref<1x640xf32, #tpu.memory_space<vmem>> -> memref<640xf32, #tpu.memory_space<vmem>>
      %dma_start3A_97 = tpu.memref_slice %arg10[%run_scoped3A_58, %mul3A_57] : memref<16x10240xf32, #tpu.memory_space<vmem_shared>> -> memref<1x640xf32, #tpu.memory_space<vmem_shared>>
      %dma_start3A_98 = tpu.memref_squeeze %dma_start3A_97 : memref<1x640xf32, #tpu.memory_space<vmem_shared>> -> memref<640xf32, #tpu.memory_space<vmem_shared>>
      tpu.enqueue_dma source(%dma_start3A_98 : memref<640xf32, #tpu.memory_space<vmem_shared>>) target(%dma_start3A_96 : memref<640xf32, #tpu.memory_space<vmem>>) target_semaphore(%run_scoped3A_89 : memref<!tpu.dma_semaphore, #tpu.memory_space<semaphore_mem>>)
      %dma_wait3A = arith.constant 0 : i32
      %dma_wait3A_99 = tpu.memref_slice %arg8[%run_scoped3A_59, %dma_wait3A] : memref<16x640xf32, #tpu.memory_space<vmem>> -> memref<1x640xf32, #tpu.memory_space<vmem>>
      %dma_wait3A_100 = tpu.memref_squeeze %dma_wait3A_99 : memref<1x640xf32, #tpu.memory_space<vmem>> -> memref<640xf32, #tpu.memory_space<vmem>>
      %dma_wait3A_101 = tpu.memref_slice %arg10[%run_scoped3A_58, %mul3A_57] : memref<16x10240xf32, #tpu.memory_space<vmem_shared>> -> memref<1x640xf32, #tpu.memory_space<vmem_shared>>
      %dma_wait3A_102 = tpu.memref_squeeze %dma_wait3A_101 : memref<1x640xf32, #tpu.memory_space<vmem_shared>> -> memref<640xf32, #tpu.memory_space<vmem_shared>>
      %dma_wait3A_103 = arith.constant 0 : i32
      %dma_wait3A_104 = tpu.memref_slice %arg8[%run_scoped3A_59, %dma_wait3A_103] : memref<16x640xf32, #tpu.memory_space<vmem>> -> memref<1x640xf32, #tpu.memory_space<vmem>>
      %dma_wait3A_105 = tpu.memref_squeeze %dma_wait3A_104 : memref<1x640xf32, #tpu.memory_space<vmem>> -> memref<640xf32, #tpu.memory_space<vmem>>
      %dma_wait3A_106 = tpu.memref_slice %arg10[%run_scoped3A_58, %mul3A_57] : memref<16x10240xf32, #tpu.memory_space<vmem_shared>> -> memref<1x640xf32, #tpu.memory_space<vmem_shared>>
      %dma_wait3A_107 = tpu.memref_squeeze %dma_wait3A_106 : memref<1x640xf32, #tpu.memory_space<vmem_shared>> -> memref<640xf32, #tpu.memory_space<vmem_shared>>
      tpu.wait_dma2 semaphore(%run_scoped3A_89 : memref<!tpu.dma_semaphore, #tpu.memory_space<semaphore_mem>>) src(%dma_wait3A_107 : memref<640xf32, #tpu.memory_space<vmem_shared>>) dst(%dma_wait3A_105 : memref<640xf32, #tpu.memory_space<vmem>>)
      tpu.yield
    }) : () -> ()
    %mul3A_60 = arith.constant 640 : i32
    %mul3A_61 = arith.muli %arg1, %mul3A_60 : i32
    %run_scoped3A_62 = arith.constant 11 : i32
    %run_scoped3A_63 = arith.constant 11 : i32
    "tpu.region"() ({
      %run_scoped3A_89 = tpu.sem_alloc : memref<!tpu.dma_semaphore, #tpu.memory_space<semaphore_mem>>
      %dma_start3A = arith.constant 0 : i32
      %dma_start3A_90 = tpu.memref_slice %arg8[%run_scoped3A_63, %dma_start3A] : memref<16x640xf32, #tpu.memory_space<vmem>> -> memref<1x640xf32, #tpu.memory_space<vmem>>
      %dma_start3A_91 = tpu.memref_squeeze %dma_start3A_90 : memref<1x640xf32, #tpu.memory_space<vmem>> -> memref<640xf32, #tpu.memory_space<vmem>>
      %dma_start3A_92 = tpu.memref_slice %arg10[%run_scoped3A_62, %mul3A_61] : memref<16x10240xf32, #tpu.memory_space<vmem_shared>> -> memref<1x640xf32, #tpu.memory_space<vmem_shared>>
      %dma_start3A_93 = tpu.memref_squeeze %dma_start3A_92 : memref<1x640xf32, #tpu.memory_space<vmem_shared>> -> memref<640xf32, #tpu.memory_space<vmem_shared>>
      %dma_start3A_94 = arith.constant 0 : i32
      %dma_start3A_95 = tpu.memref_slice %arg8[%run_scoped3A_63, %dma_start3A_94] : memref<16x640xf32, #tpu.memory_space<vmem>> -> memref<1x640xf32, #tpu.memory_space<vmem>>
      %dma_start3A_96 = tpu.memref_squeeze %dma_start3A_95 : memref<1x640xf32, #tpu.memory_space<vmem>> -> memref<640xf32, #tpu.memory_space<vmem>>
      %dma_start3A_97 = tpu.memref_slice %arg10[%run_scoped3A_62, %mul3A_61] : memref<16x10240xf32, #tpu.memory_space<vmem_shared>> -> memref<1x640xf32, #tpu.memory_space<vmem_shared>>
      %dma_start3A_98 = tpu.memref_squeeze %dma_start3A_97 : memref<1x640xf32, #tpu.memory_space<vmem_shared>> -> memref<640xf32, #tpu.memory_space<vmem_shared>>
      tpu.enqueue_dma source(%dma_start3A_98 : memref<640xf32, #tpu.memory_space<vmem_shared>>) target(%dma_start3A_96 : memref<640xf32, #tpu.memory_space<vmem>>) target_semaphore(%run_scoped3A_89 : memref<!tpu.dma_semaphore, #tpu.memory_space<semaphore_mem>>)
      %dma_wait3A = arith.constant 0 : i32
      %dma_wait3A_99 = tpu.memref_slice %arg8[%run_scoped3A_63, %dma_wait3A] : memref<16x640xf32, #tpu.memory_space<vmem>> -> memref<1x640xf32, #tpu.memory_space<vmem>>
      %dma_wait3A_100 = tpu.memref_squeeze %dma_wait3A_99 : memref<1x640xf32, #tpu.memory_space<vmem>> -> memref<640xf32, #tpu.memory_space<vmem>>
      %dma_wait3A_101 = tpu.memref_slice %arg10[%run_scoped3A_62, %mul3A_61] : memref<16x10240xf32, #tpu.memory_space<vmem_shared>> -> memref<1x640xf32, #tpu.memory_space<vmem_shared>>
      %dma_wait3A_102 = tpu.memref_squeeze %dma_wait3A_101 : memref<1x640xf32, #tpu.memory_space<vmem_shared>> -> memref<640xf32, #tpu.memory_space<vmem_shared>>
      %dma_wait3A_103 = arith.constant 0 : i32
      %dma_wait3A_104 = tpu.memref_slice %arg8[%run_scoped3A_63, %dma_wait3A_103] : memref<16x640xf32, #tpu.memory_space<vmem>> -> memref<1x640xf32, #tpu.memory_space<vmem>>
      %dma_wait3A_105 = tpu.memref_squeeze %dma_wait3A_104 : memref<1x640xf32, #tpu.memory_space<vmem>> -> memref<640xf32, #tpu.memory_space<vmem>>
      %dma_wait3A_106 = tpu.memref_slice %arg10[%run_scoped3A_62, %mul3A_61] : memref<16x10240xf32, #tpu.memory_space<vmem_shared>> -> memref<1x640xf32, #tpu.memory_space<vmem_shared>>
      %dma_wait3A_107 = tpu.memref_squeeze %dma_wait3A_106 : memref<1x640xf32, #tpu.memory_space<vmem_shared>> -> memref<640xf32, #tpu.memory_space<vmem_shared>>
      tpu.wait_dma2 semaphore(%run_scoped3A_89 : memref<!tpu.dma_semaphore, #tpu.memory_space<semaphore_mem>>) src(%dma_wait3A_107 : memref<640xf32, #tpu.memory_space<vmem_shared>>) dst(%dma_wait3A_105 : memref<640xf32, #tpu.memory_space<vmem>>)
      tpu.yield
    }) : () -> ()
    %mul3A_64 = arith.constant 640 : i32
    %mul3A_65 = arith.muli %arg1, %mul3A_64 : i32
    %run_scoped3A_66 = arith.constant 12 : i32
    %run_scoped3A_67 = arith.constant 12 : i32
    "tpu.region"() ({
      %run_scoped3A_89 = tpu.sem_alloc : memref<!tpu.dma_semaphore, #tpu.memory_space<semaphore_mem>>
      %dma_start3A = arith.constant 0 : i32
      %dma_start3A_90 = tpu.memref_slice %arg8[%run_scoped3A_67, %dma_start3A] : memref<16x640xf32, #tpu.memory_space<vmem>> -> memref<1x640xf32, #tpu.memory_space<vmem>>
      %dma_start3A_91 = tpu.memref_squeeze %dma_start3A_90 : memref<1x640xf32, #tpu.memory_space<vmem>> -> memref<640xf32, #tpu.memory_space<vmem>>
      %dma_start3A_92 = tpu.memref_slice %arg10[%run_scoped3A_66, %mul3A_65] : memref<16x10240xf32, #tpu.memory_space<vmem_shared>> -> memref<1x640xf32, #tpu.memory_space<vmem_shared>>
      %dma_start3A_93 = tpu.memref_squeeze %dma_start3A_92 : memref<1x640xf32, #tpu.memory_space<vmem_shared>> -> memref<640xf32, #tpu.memory_space<vmem_shared>>
      %dma_start3A_94 = arith.constant 0 : i32
      %dma_start3A_95 = tpu.memref_slice %arg8[%run_scoped3A_67, %dma_start3A_94] : memref<16x640xf32, #tpu.memory_space<vmem>> -> memref<1x640xf32, #tpu.memory_space<vmem>>
      %dma_start3A_96 = tpu.memref_squeeze %dma_start3A_95 : memref<1x640xf32, #tpu.memory_space<vmem>> -> memref<640xf32, #tpu.memory_space<vmem>>
      %dma_start3A_97 = tpu.memref_slice %arg10[%run_scoped3A_66, %mul3A_65] : memref<16x10240xf32, #tpu.memory_space<vmem_shared>> -> memref<1x640xf32, #tpu.memory_space<vmem_shared>>
      %dma_start3A_98 = tpu.memref_squeeze %dma_start3A_97 : memref<1x640xf32, #tpu.memory_space<vmem_shared>> -> memref<640xf32, #tpu.memory_space<vmem_shared>>
      tpu.enqueue_dma source(%dma_start3A_98 : memref<640xf32, #tpu.memory_space<vmem_shared>>) target(%dma_start3A_96 : memref<640xf32, #tpu.memory_space<vmem>>) target_semaphore(%run_scoped3A_89 : memref<!tpu.dma_semaphore, #tpu.memory_space<semaphore_mem>>)
      %dma_wait3A = arith.constant 0 : i32
      %dma_wait3A_99 = tpu.memref_slice %arg8[%run_scoped3A_67, %dma_wait3A] : memref<16x640xf32, #tpu.memory_space<vmem>> -> memref<1x640xf32, #tpu.memory_space<vmem>>
      %dma_wait3A_100 = tpu.memref_squeeze %dma_wait3A_99 : memref<1x640xf32, #tpu.memory_space<vmem>> -> memref<640xf32, #tpu.memory_space<vmem>>
      %dma_wait3A_101 = tpu.memref_slice %arg10[%run_scoped3A_66, %mul3A_65] : memref<16x10240xf32, #tpu.memory_space<vmem_shared>> -> memref<1x640xf32, #tpu.memory_space<vmem_shared>>
      %dma_wait3A_102 = tpu.memref_squeeze %dma_wait3A_101 : memref<1x640xf32, #tpu.memory_space<vmem_shared>> -> memref<640xf32, #tpu.memory_space<vmem_shared>>
      %dma_wait3A_103 = arith.constant 0 : i32
      %dma_wait3A_104 = tpu.memref_slice %arg8[%run_scoped3A_67, %dma_wait3A_103] : memref<16x640xf32, #tpu.memory_space<vmem>> -> memref<1x640xf32, #tpu.memory_space<vmem>>
      %dma_wait3A_105 = tpu.memref_squeeze %dma_wait3A_104 : memref<1x640xf32, #tpu.memory_space<vmem>> -> memref<640xf32, #tpu.memory_space<vmem>>
      %dma_wait3A_106 = tpu.memref_slice %arg10[%run_scoped3A_66, %mul3A_65] : memref<16x10240xf32, #tpu.memory_space<vmem_shared>> -> memref<1x640xf32, #tpu.memory_space<vmem_shared>>
      %dma_wait3A_107 = tpu.memref_squeeze %dma_wait3A_106 : memref<1x640xf32, #tpu.memory_space<vmem_shared>> -> memref<640xf32, #tpu.memory_space<vmem_shared>>
      tpu.wait_dma2 semaphore(%run_scoped3A_89 : memref<!tpu.dma_semaphore, #tpu.memory_space<semaphore_mem>>) src(%dma_wait3A_107 : memref<640xf32, #tpu.memory_space<vmem_shared>>) dst(%dma_wait3A_105 : memref<640xf32, #tpu.memory_space<vmem>>)
      tpu.yield
    }) : () -> ()
    %mul3A_68 = arith.constant 640 : i32
    %mul3A_69 = arith.muli %arg1, %mul3A_68 : i32
    %run_scoped3A_70 = arith.constant 13 : i32
    %run_scoped3A_71 = arith.constant 13 : i32
    "tpu.region"() ({
      %run_scoped3A_89 = tpu.sem_alloc : memref<!tpu.dma_semaphore, #tpu.memory_space<semaphore_mem>>
      %dma_start3A = arith.constant 0 : i32
      %dma_start3A_90 = tpu.memref_slice %arg8[%run_scoped3A_71, %dma_start3A] : memref<16x640xf32, #tpu.memory_space<vmem>> -> memref<1x640xf32, #tpu.memory_space<vmem>>
      %dma_start3A_91 = tpu.memref_squeeze %dma_start3A_90 : memref<1x640xf32, #tpu.memory_space<vmem>> -> memref<640xf32, #tpu.memory_space<vmem>>
      %dma_start3A_92 = tpu.memref_slice %arg10[%run_scoped3A_70, %mul3A_69] : memref<16x10240xf32, #tpu.memory_space<vmem_shared>> -> memref<1x640xf32, #tpu.memory_space<vmem_shared>>
      %dma_start3A_93 = tpu.memref_squeeze %dma_start3A_92 : memref<1x640xf32, #tpu.memory_space<vmem_shared>> -> memref<640xf32, #tpu.memory_space<vmem_shared>>
      %dma_start3A_94 = arith.constant 0 : i32
      %dma_start3A_95 = tpu.memref_slice %arg8[%run_scoped3A_71, %dma_start3A_94] : memref<16x640xf32, #tpu.memory_space<vmem>> -> memref<1x640xf32, #tpu.memory_space<vmem>>
      %dma_start3A_96 = tpu.memref_squeeze %dma_start3A_95 : memref<1x640xf32, #tpu.memory_space<vmem>> -> memref<640xf32, #tpu.memory_space<vmem>>
      %dma_start3A_97 = tpu.memref_slice %arg10[%run_scoped3A_70, %mul3A_69] : memref<16x10240xf32, #tpu.memory_space<vmem_shared>> -> memref<1x640xf32, #tpu.memory_space<vmem_shared>>
      %dma_start3A_98 = tpu.memref_squeeze %dma_start3A_97 : memref<1x640xf32, #tpu.memory_space<vmem_shared>> -> memref<640xf32, #tpu.memory_space<vmem_shared>>
      tpu.enqueue_dma source(%dma_start3A_98 : memref<640xf32, #tpu.memory_space<vmem_shared>>) target(%dma_start3A_96 : memref<640xf32, #tpu.memory_space<vmem>>) target_semaphore(%run_scoped3A_89 : memref<!tpu.dma_semaphore, #tpu.memory_space<semaphore_mem>>)
      %dma_wait3A = arith.constant 0 : i32
      %dma_wait3A_99 = tpu.memref_slice %arg8[%run_scoped3A_71, %dma_wait3A] : memref<16x640xf32, #tpu.memory_space<vmem>> -> memref<1x640xf32, #tpu.memory_space<vmem>>
      %dma_wait3A_100 = tpu.memref_squeeze %dma_wait3A_99 : memref<1x640xf32, #tpu.memory_space<vmem>> -> memref<640xf32, #tpu.memory_space<vmem>>
      %dma_wait3A_101 = tpu.memref_slice %arg10[%run_scoped3A_70, %mul3A_69] : memref<16x10240xf32, #tpu.memory_space<vmem_shared>> -> memref<1x640xf32, #tpu.memory_space<vmem_shared>>
      %dma_wait3A_102 = tpu.memref_squeeze %dma_wait3A_101 : memref<1x640xf32, #tpu.memory_space<vmem_shared>> -> memref<640xf32, #tpu.memory_space<vmem_shared>>
      %dma_wait3A_103 = arith.constant 0 : i32
      %dma_wait3A_104 = tpu.memref_slice %arg8[%run_scoped3A_71, %dma_wait3A_103] : memref<16x640xf32, #tpu.memory_space<vmem>> -> memref<1x640xf32, #tpu.memory_space<vmem>>
      %dma_wait3A_105 = tpu.memref_squeeze %dma_wait3A_104 : memref<1x640xf32, #tpu.memory_space<vmem>> -> memref<640xf32, #tpu.memory_space<vmem>>
      %dma_wait3A_106 = tpu.memref_slice %arg10[%run_scoped3A_70, %mul3A_69] : memref<16x10240xf32, #tpu.memory_space<vmem_shared>> -> memref<1x640xf32, #tpu.memory_space<vmem_shared>>
      %dma_wait3A_107 = tpu.memref_squeeze %dma_wait3A_106 : memref<1x640xf32, #tpu.memory_space<vmem_shared>> -> memref<640xf32, #tpu.memory_space<vmem_shared>>
      tpu.wait_dma2 semaphore(%run_scoped3A_89 : memref<!tpu.dma_semaphore, #tpu.memory_space<semaphore_mem>>) src(%dma_wait3A_107 : memref<640xf32, #tpu.memory_space<vmem_shared>>) dst(%dma_wait3A_105 : memref<640xf32, #tpu.memory_space<vmem>>)
      tpu.yield
    }) : () -> ()
    %mul3A_72 = arith.constant 640 : i32
    %mul3A_73 = arith.muli %arg1, %mul3A_72 : i32
    %run_scoped3A_74 = arith.constant 14 : i32
    %run_scoped3A_75 = arith.constant 14 : i32
    "tpu.region"() ({
      %run_scoped3A_89 = tpu.sem_alloc : memref<!tpu.dma_semaphore, #tpu.memory_space<semaphore_mem>>
      %dma_start3A = arith.constant 0 : i32
      %dma_start3A_90 = tpu.memref_slice %arg8[%run_scoped3A_75, %dma_start3A] : memref<16x640xf32, #tpu.memory_space<vmem>> -> memref<1x640xf32, #tpu.memory_space<vmem>>
      %dma_start3A_91 = tpu.memref_squeeze %dma_start3A_90 : memref<1x640xf32, #tpu.memory_space<vmem>> -> memref<640xf32, #tpu.memory_space<vmem>>
      %dma_start3A_92 = tpu.memref_slice %arg10[%run_scoped3A_74, %mul3A_73] : memref<16x10240xf32, #tpu.memory_space<vmem_shared>> -> memref<1x640xf32, #tpu.memory_space<vmem_shared>>
      %dma_start3A_93 = tpu.memref_squeeze %dma_start3A_92 : memref<1x640xf32, #tpu.memory_space<vmem_shared>> -> memref<640xf32, #tpu.memory_space<vmem_shared>>
      %dma_start3A_94 = arith.constant 0 : i32
      %dma_start3A_95 = tpu.memref_slice %arg8[%run_scoped3A_75, %dma_start3A_94] : memref<16x640xf32, #tpu.memory_space<vmem>> -> memref<1x640xf32, #tpu.memory_space<vmem>>
      %dma_start3A_96 = tpu.memref_squeeze %dma_start3A_95 : memref<1x640xf32, #tpu.memory_space<vmem>> -> memref<640xf32, #tpu.memory_space<vmem>>
      %dma_start3A_97 = tpu.memref_slice %arg10[%run_scoped3A_74, %mul3A_73] : memref<16x10240xf32, #tpu.memory_space<vmem_shared>> -> memref<1x640xf32, #tpu.memory_space<vmem_shared>>
      %dma_start3A_98 = tpu.memref_squeeze %dma_start3A_97 : memref<1x640xf32, #tpu.memory_space<vmem_shared>> -> memref<640xf32, #tpu.memory_space<vmem_shared>>
      tpu.enqueue_dma source(%dma_start3A_98 : memref<640xf32, #tpu.memory_space<vmem_shared>>) target(%dma_start3A_96 : memref<640xf32, #tpu.memory_space<vmem>>) target_semaphore(%run_scoped3A_89 : memref<!tpu.dma_semaphore, #tpu.memory_space<semaphore_mem>>)
      %dma_wait3A = arith.constant 0 : i32
      %dma_wait3A_99 = tpu.memref_slice %arg8[%run_scoped3A_75, %dma_wait3A] : memref<16x640xf32, #tpu.memory_space<vmem>> -> memref<1x640xf32, #tpu.memory_space<vmem>>
      %dma_wait3A_100 = tpu.memref_squeeze %dma_wait3A_99 : memref<1x640xf32, #tpu.memory_space<vmem>> -> memref<640xf32, #tpu.memory_space<vmem>>
      %dma_wait3A_101 = tpu.memref_slice %arg10[%run_scoped3A_74, %mul3A_73] : memref<16x10240xf32, #tpu.memory_space<vmem_shared>> -> memref<1x640xf32, #tpu.memory_space<vmem_shared>>
      %dma_wait3A_102 = tpu.memref_squeeze %dma_wait3A_101 : memref<1x640xf32, #tpu.memory_space<vmem_shared>> -> memref<640xf32, #tpu.memory_space<vmem_shared>>
      %dma_wait3A_103 = arith.constant 0 : i32
      %dma_wait3A_104 = tpu.memref_slice %arg8[%run_scoped3A_75, %dma_wait3A_103] : memref<16x640xf32, #tpu.memory_space<vmem>> -> memref<1x640xf32, #tpu.memory_space<vmem>>
      %dma_wait3A_105 = tpu.memref_squeeze %dma_wait3A_104 : memref<1x640xf32, #tpu.memory_space<vmem>> -> memref<640xf32, #tpu.memory_space<vmem>>
      %dma_wait3A_106 = tpu.memref_slice %arg10[%run_scoped3A_74, %mul3A_73] : memref<16x10240xf32, #tpu.memory_space<vmem_shared>> -> memref<1x640xf32, #tpu.memory_space<vmem_shared>>
      %dma_wait3A_107 = tpu.memref_squeeze %dma_wait3A_106 : memref<1x640xf32, #tpu.memory_space<vmem_shared>> -> memref<640xf32, #tpu.memory_space<vmem_shared>>
      tpu.wait_dma2 semaphore(%run_scoped3A_89 : memref<!tpu.dma_semaphore, #tpu.memory_space<semaphore_mem>>) src(%dma_wait3A_107 : memref<640xf32, #tpu.memory_space<vmem_shared>>) dst(%dma_wait3A_105 : memref<640xf32, #tpu.memory_space<vmem>>)
      tpu.yield
    }) : () -> ()
    %mul3A_76 = arith.constant 640 : i32
    %mul3A_77 = arith.muli %arg1, %mul3A_76 : i32
    %run_scoped3A_78 = arith.constant 15 : i32
    %run_scoped3A_79 = arith.constant 15 : i32
    "tpu.region"() ({
      %run_scoped3A_89 = tpu.sem_alloc : memref<!tpu.dma_semaphore, #tpu.memory_space<semaphore_mem>>
      %dma_start3A = arith.constant 0 : i32
      %dma_start3A_90 = tpu.memref_slice %arg8[%run_scoped3A_79, %dma_start3A] : memref<16x640xf32, #tpu.memory_space<vmem>> -> memref<1x640xf32, #tpu.memory_space<vmem>>
      %dma_start3A_91 = tpu.memref_squeeze %dma_start3A_90 : memref<1x640xf32, #tpu.memory_space<vmem>> -> memref<640xf32, #tpu.memory_space<vmem>>
      %dma_start3A_92 = tpu.memref_slice %arg10[%run_scoped3A_78, %mul3A_77] : memref<16x10240xf32, #tpu.memory_space<vmem_shared>> -> memref<1x640xf32, #tpu.memory_space<vmem_shared>>
      %dma_start3A_93 = tpu.memref_squeeze %dma_start3A_92 : memref<1x640xf32, #tpu.memory_space<vmem_shared>> -> memref<640xf32, #tpu.memory_space<vmem_shared>>
      %dma_start3A_94 = arith.constant 0 : i32
      %dma_start3A_95 = tpu.memref_slice %arg8[%run_scoped3A_79, %dma_start3A_94] : memref<16x640xf32, #tpu.memory_space<vmem>> -> memref<1x640xf32, #tpu.memory_space<vmem>>
      %dma_start3A_96 = tpu.memref_squeeze %dma_start3A_95 : memref<1x640xf32, #tpu.memory_space<vmem>> -> memref<640xf32, #tpu.memory_space<vmem>>
      %dma_start3A_97 = tpu.memref_slice %arg10[%run_scoped3A_78, %mul3A_77] : memref<16x10240xf32, #tpu.memory_space<vmem_shared>> -> memref<1x640xf32, #tpu.memory_space<vmem_shared>>
      %dma_start3A_98 = tpu.memref_squeeze %dma_start3A_97 : memref<1x640xf32, #tpu.memory_space<vmem_shared>> -> memref<640xf32, #tpu.memory_space<vmem_shared>>
      tpu.enqueue_dma source(%dma_start3A_98 : memref<640xf32, #tpu.memory_space<vmem_shared>>) target(%dma_start3A_96 : memref<640xf32, #tpu.memory_space<vmem>>) target_semaphore(%run_scoped3A_89 : memref<!tpu.dma_semaphore, #tpu.memory_space<semaphore_mem>>)
      %dma_wait3A = arith.constant 0 : i32
      %dma_wait3A_99 = tpu.memref_slice %arg8[%run_scoped3A_79, %dma_wait3A] : memref<16x640xf32, #tpu.memory_space<vmem>> -> memref<1x640xf32, #tpu.memory_space<vmem>>
      %dma_wait3A_100 = tpu.memref_squeeze %dma_wait3A_99 : memref<1x640xf32, #tpu.memory_space<vmem>> -> memref<640xf32, #tpu.memory_space<vmem>>
      %dma_wait3A_101 = tpu.memref_slice %arg10[%run_scoped3A_78, %mul3A_77] : memref<16x10240xf32, #tpu.memory_space<vmem_shared>> -> memref<1x640xf32, #tpu.memory_space<vmem_shared>>
      %dma_wait3A_102 = tpu.memref_squeeze %dma_wait3A_101 : memref<1x640xf32, #tpu.memory_space<vmem_shared>> -> memref<640xf32, #tpu.memory_space<vmem_shared>>
      %dma_wait3A_103 = arith.constant 0 : i32
      %dma_wait3A_104 = tpu.memref_slice %arg8[%run_scoped3A_79, %dma_wait3A_103] : memref<16x640xf32, #tpu.memory_space<vmem>> -> memref<1x640xf32, #tpu.memory_space<vmem>>
      %dma_wait3A_105 = tpu.memref_squeeze %dma_wait3A_104 : memref<1x640xf32, #tpu.memory_space<vmem>> -> memref<640xf32, #tpu.memory_space<vmem>>
      %dma_wait3A_106 = tpu.memref_slice %arg10[%run_scoped3A_78, %mul3A_77] : memref<16x10240xf32, #tpu.memory_space<vmem_shared>> -> memref<1x640xf32, #tpu.memory_space<vmem_shared>>
      %dma_wait3A_107 = tpu.memref_squeeze %dma_wait3A_106 : memref<1x640xf32, #tpu.memory_space<vmem_shared>> -> memref<640xf32, #tpu.memory_space<vmem_shared>>
      tpu.wait_dma2 semaphore(%run_scoped3A_89 : memref<!tpu.dma_semaphore, #tpu.memory_space<semaphore_mem>>) src(%dma_wait3A_107 : memref<640xf32, #tpu.memory_space<vmem_shared>>) dst(%dma_wait3A_105 : memref<640xf32, #tpu.memory_space<vmem>>)
      tpu.yield
    }) : () -> ()
    %scan3A_80 = arith.constant 0 : i32
    %scan3A_81 = arith.constant 0 : i32
    %scan3A_82 = arith.constant 40 : i32
    %scan3A_83 = arith.addi %scan3A_81, %scan3A_82 : i32
    %scan3A_84 = arith.constant 1 : i32
    %scan3A_85 = scf.for %scan3A_89 = %scan3A_81 to %scan3A_83 step %scan3A_84 iter_args(%scan3A_90 = %scan3A_80) -> (i32)  : i32 {
      %mul3A_91 = arith.constant 16 : i32
      %mul3A_92 = arith.muli %scan3A_89, %mul3A_91 : i32
      %get3A = arith.constant 0 : i32
      %get3A_93 = arith.index_cast %get3A : i32 to index
      %get3A_94 = arith.index_cast %mul3A_92 : i32 to index
      %get3A_95 = tpu.vector_load %arg8[%get3A_93, %get3A_94] {strides = array<i32>} : memref<16x640xf32, #tpu.memory_space<vmem>>, vector<16xf32>,
      %get3A_96 = arith.constant 1 : i32
      %get3A_97 = arith.index_cast %get3A_96 : i32 to index
      %get3A_98 = arith.index_cast %mul3A_92 : i32 to index
      %get3A_99 = tpu.vector_load %arg8[%get3A_97, %get3A_98] {strides = array<i32>} : memref<16x640xf32, #tpu.memory_space<vmem>>, vector<16xf32>,
      %add3A_100 = arith.addf %get3A_95, %get3A_99 : vector<16xf32>
      %get3A_101 = arith.constant 2 : i32
      %get3A_102 = arith.index_cast %get3A_101 : i32 to index
      %get3A_103 = arith.index_cast %mul3A_92 : i32 to index
      %get3A_104 = tpu.vector_load %arg8[%get3A_102, %get3A_103] {strides = array<i32>} : memref<16x640xf32, #tpu.memory_space<vmem>>, vector<16xf32>,
      %add3A_105 = arith.addf %add3A_100, %get3A_104 : vector<16xf32>
      %get3A_106 = arith.constant 3 : i32
      %get3A_107 = arith.index_cast %get3A_106 : i32 to index
      %get3A_108 = arith.index_cast %mul3A_92 : i32 to index
      %get3A_109 = tpu.vector_load %arg8[%get3A_107, %get3A_108] {strides = array<i32>} : memref<16x640xf32, #tpu.memory_space<vmem>>, vector<16xf32>,
      %add3A_110 = arith.addf %add3A_105, %get3A_109 : vector<16xf32>
      %get3A_111 = arith.constant 4 : i32
      %get3A_112 = arith.index_cast %get3A_111 : i32 to index
      %get3A_113 = arith.index_cast %mul3A_92 : i32 to index
      %get3A_114 = tpu.vector_load %arg8[%get3A_112, %get3A_113] {strides = array<i32>} : memref<16x640xf32, #tpu.memory_space<vmem>>, vector<16xf32>,
      %add3A_115 = arith.addf %add3A_110, %get3A_114 : vector<16xf32>
      %get3A_116 = arith.constant 5 : i32
      %get3A_117 = arith.index_cast %get3A_116 : i32 to index
      %get3A_118 = arith.index_cast %mul3A_92 : i32 to index
      %get3A_119 = tpu.vector_load %arg8[%get3A_117, %get3A_118] {strides = array<i32>} : memref<16x640xf32, #tpu.memory_space<vmem>>, vector<16xf32>,
      %add3A_120 = arith.addf %add3A_115, %get3A_119 : vector<16xf32>
      %get3A_121 = arith.constant 6 : i32
      %get3A_122 = arith.index_cast %get3A_121 : i32 to index
      %get3A_123 = arith.index_cast %mul3A_92 : i32 to index
      %get3A_124 = tpu.vector_load %arg8[%get3A_122, %get3A_123] {strides = array<i32>} : memref<16x640xf32, #tpu.memory_space<vmem>>, vector<16xf32>,
      %add3A_125 = arith.addf %add3A_120, %get3A_124 : vector<16xf32>
      %get3A_126 = arith.constant 7 : i32
      %get3A_127 = arith.index_cast %get3A_126 : i32 to index
      %get3A_128 = arith.index_cast %mul3A_92 : i32 to index
      %get3A_129 = tpu.vector_load %arg8[%get3A_127, %get3A_128] {strides = array<i32>} : memref<16x640xf32, #tpu.memory_space<vmem>>, vector<16xf32>,
      %add3A_130 = arith.addf %add3A_125, %get3A_129 : vector<16xf32>
      %get3A_131 = arith.constant 8 : i32
      %get3A_132 = arith.index_cast %get3A_131 : i32 to index
      %get3A_133 = arith.index_cast %mul3A_92 : i32 to index
      %get3A_134 = tpu.vector_load %arg8[%get3A_132, %get3A_133] {strides = array<i32>} : memref<16x640xf32, #tpu.memory_space<vmem>>, vector<16xf32>,
      %add3A_135 = arith.addf %add3A_130, %get3A_134 : vector<16xf32>
      %get3A_136 = arith.constant 9 : i32
      %get3A_137 = arith.index_cast %get3A_136 : i32 to index
      %get3A_138 = arith.index_cast %mul3A_92 : i32 to index
      %get3A_139 = tpu.vector_load %arg8[%get3A_137, %get3A_138] {strides = array<i32>} : memref<16x640xf32, #tpu.memory_space<vmem>>, vector<16xf32>,
      %add3A_140 = arith.addf %add3A_135, %get3A_139 : vector<16xf32>
      %get3A_141 = arith.constant 10 : i32
      %get3A_142 = arith.index_cast %get3A_141 : i32 to index
      %get3A_143 = arith.index_cast %mul3A_92 : i32 to index
      %get3A_144 = tpu.vector_load %arg8[%get3A_142, %get3A_143] {strides = array<i32>} : memref<16x640xf32, #tpu.memory_space<vmem>>, vector<16xf32>,
      %add3A_145 = arith.addf %add3A_140, %get3A_144 : vector<16xf32>
      %get3A_146 = arith.constant 11 : i32
      %get3A_147 = arith.index_cast %get3A_146 : i32 to index
      %get3A_148 = arith.index_cast %mul3A_92 : i32 to index
      %get3A_149 = tpu.vector_load %arg8[%get3A_147, %get3A_148] {strides = array<i32>} : memref<16x640xf32, #tpu.memory_space<vmem>>, vector<16xf32>,
      %add3A_150 = arith.addf %add3A_145, %get3A_149 : vector<16xf32>
      %get3A_151 = arith.constant 12 : i32
      %get3A_152 = arith.index_cast %get3A_151 : i32 to index
      %get3A_153 = arith.index_cast %mul3A_92 : i32 to index
      %get3A_154 = tpu.vector_load %arg8[%get3A_152, %get3A_153] {strides = array<i32>} : memref<16x640xf32, #tpu.memory_space<vmem>>, vector<16xf32>,
      %add3A_155 = arith.addf %add3A_150, %get3A_154 : vector<16xf32>
      %get3A_156 = arith.constant 13 : i32
      %get3A_157 = arith.index_cast %get3A_156 : i32 to index
      %get3A_158 = arith.index_cast %mul3A_92 : i32 to index
      %get3A_159 = tpu.vector_load %arg8[%get3A_157, %get3A_158] {strides = array<i32>} : memref<16x640xf32, #tpu.memory_space<vmem>>, vector<16xf32>,
      %add3A_160 = arith.addf %add3A_155, %get3A_159 : vector<16xf32>
      %get3A_161 = arith.constant 14 : i32
      %get3A_162 = arith.index_cast %get3A_161 : i32 to index
      %get3A_163 = arith.index_cast %mul3A_92 : i32 to index
      %get3A_164 = tpu.vector_load %arg8[%get3A_162, %get3A_163] {strides = array<i32>} : memref<16x640xf32, #tpu.memory_space<vmem>>, vector<16xf32>,
      %add3A_165 = arith.addf %add3A_160, %get3A_164 : vector<16xf32>
      %get3A_166 = arith.constant 15 : i32
      %get3A_167 = arith.index_cast %get3A_166 : i32 to index
      %get3A_168 = arith.index_cast %mul3A_92 : i32 to index
      %get3A_169 = tpu.vector_load %arg8[%get3A_167, %get3A_168] {strides = array<i32>} : memref<16x640xf32, #tpu.memory_space<vmem>>, vector<16xf32>,
      %add3A_170 = arith.addf %add3A_165, %get3A_169 : vector<16xf32>
      %swap3A = arith.index_cast %mul3A_92 : i32 to index
      %swap3A_171 = tpu.vector_load %arg9[%swap3A] {strides = array<i32>} : memref<640xf32, #tpu.memory_space<vmem>>, vector<16xf32>,
      tpu.vector_store %arg9[%swap3A], %add3A_170 {strides = array<i32>} : memref<640xf32, #tpu.memory_space<vmem>>, vector<16xf32>,
      %scan3A_172 = arith.constant 0 : i32
      scf.yield %scan3A_172 : i32
    }
    %scan3A_86 = arith.constant 40 : i32
    %mul3A_87 = arith.constant 640 : i32
    %mul3A_88 = arith.muli %arg1, %mul3A_87 : i32
    "tpu.region"() ({
      %run_scoped3A_89 = tpu.sem_alloc : memref<!tpu.dma_semaphore, #tpu.memory_space<semaphore_mem>>
      %dma_start3A = tpu.memref_slice %arg4[%arg0, %mul3A_88] : memref<2x10240xf32, #tpu.memory_space<hbm>> -> memref<1x640xf32, #tpu.memory_space<hbm>>
      %dma_start3A_90 = tpu.memref_squeeze %dma_start3A : memref<1x640xf32, #tpu.memory_space<hbm>> -> memref<640xf32, #tpu.memory_space<hbm>>
      %dma_start3A_91 = tpu.memref_slice %arg4[%arg0, %mul3A_88] : memref<2x10240xf32, #tpu.memory_space<hbm>> -> memref<1x640xf32, #tpu.memory_space<hbm>>
      %dma_start3A_92 = tpu.memref_squeeze %dma_start3A_91 : memref<1x640xf32, #tpu.memory_space<hbm>> -> memref<640xf32, #tpu.memory_space<hbm>>
      tpu.enqueue_dma source(%arg9 : memref<640xf32, #tpu.memory_space<vmem>>) target(%dma_start3A_92 : memref<640xf32, #tpu.memory_space<hbm>>) target_semaphore(%run_scoped3A_89 : memref<!tpu.dma_semaphore, #tpu.memory_space<semaphore_mem>>)
      %dma_wait3A = tpu.memref_slice %arg4[%arg0, %mul3A_88] : memref<2x10240xf32, #tpu.memory_space<hbm>> -> memref<1x640xf32, #tpu.memory_space<hbm>>
      %dma_wait3A_93 = tpu.memref_squeeze %dma_wait3A : memref<1x640xf32, #tpu.memory_space<hbm>> -> memref<640xf32, #tpu.memory_space<hbm>>
      %dma_wait3A_94 = tpu.memref_slice %arg4[%arg0, %mul3A_88] : memref<2x10240xf32, #tpu.memory_space<hbm>> -> memref<1x640xf32, #tpu.memory_space<hbm>>
      %dma_wait3A_95 = tpu.memref_squeeze %dma_wait3A_94 : memref<1x640xf32, #tpu.memory_space<hbm>> -> memref<640xf32, #tpu.memory_space<hbm>>
      tpu.wait_dma2 semaphore(%run_scoped3A_89 : memref<!tpu.dma_semaphore, #tpu.memory_space<semaphore_mem>>) src(%arg9 : memref<640xf32, #tpu.memory_space<vmem>>) dst(%dma_wait3A_95 : memref<640xf32, #tpu.memory_space<hbm>>)
      tpu.yield
    }) : () -> ()
    return
  }
}

module attributes {stable_mosaic.version = 14 : i64} {
  func.func @_node_body(%arg0: i32, %arg1: memref<2000x128xf32, #tpu.memory_space<vmem>>, %arg2: memref<128x128xf32, #tpu.memory_space<vmem>>, %arg3: memref<1x128xf32, #tpu.memory_space<vmem>>, %arg4: memref<128x128xf32, #tpu.memory_space<vmem>>, %arg5: memref<128x1xf32, #tpu.memory_space<vmem>>, %arg6: memref<2000x128xf32, #tpu.memory_space<vmem>>, %arg7: memref<2000x128xf32, #tpu.memory_space<vmem>>, %arg8: memref<2000x1xf32, #tpu.memory_space<vmem>>) attributes {dimension_semantics = [#tpu.dimension_semantics<arbitrary>], iteration_bounds = array<i64: 5>, scalar_prefetch = 0 : i64, scratch_operands = 0 : i64, tpu.core_type = #tpu.core_type<tc>, window_params = [{transform_indices = @transform_0, window_bounds = array<i64: 2000, 128>}, {pipeline_mode = #tpu.pipeline_mode<synchronous>, transform_indices = @transform_1, window_bounds = array<i64: 128, 128>}, {pipeline_mode = #tpu.pipeline_mode<synchronous>, transform_indices = @transform_2, window_bounds = array<i64: 1, 128>}, {pipeline_mode = #tpu.pipeline_mode<synchronous>, transform_indices = @transform_3, window_bounds = array<i64: 128, 128>}, {pipeline_mode = #tpu.pipeline_mode<synchronous>, transform_indices = @transform_4, window_bounds = array<i64: 128, 1>}, {transform_indices = @transform_5, window_bounds = array<i64: 2000, 128>}, {transform_indices = @transform_6, window_bounds = array<i64: 2000, 128>}, {transform_indices = @transform_7, window_bounds = array<i64: 2000, 1>}]} {
    %get3A = arith.constant 0 : index
    %get3A_0 = arith.constant 0 : index
    %get3A_1 = vector.load %arg1[%get3A, %get3A_0] : memref<2000x128xf32, #tpu.memory_space<vmem>>, vector<2000x128xf32>
    %get3A_2 = arith.constant 0 : index
    %get3A_3 = arith.constant 0 : index
    %get3A_4 = vector.load %arg2[%get3A_2, %get3A_3] : memref<128x128xf32, #tpu.memory_space<vmem>>, vector<128x128xf32>
    %dot_general3A = arith.constant dense<0.000000e+00> : vector<2000x128xf32>
    %dot_general3A_5 = tpu.matmul %get3A_1, %get3A_4, %dot_general3A {dimension_numbers = #tpu.dot_dimension_numbers<[1], [0], [0], [1], [0, 0, 1, 1], [], []>, transpose_lhs_hint = false} : vector<2000x128xf32>, vector<128x128xf32>, vector<2000x128xf32> -> vector<2000x128xf32>
    %get3A_6 = arith.constant 0 : index
    %get3A_7 = arith.constant 0 : index
    %get3A_8 = vector.load %arg3[%get3A_6, %get3A_7] : memref<1x128xf32, #tpu.memory_space<vmem>>, vector<1x128xf32>
    %add3A = vector.broadcast %get3A_8 : vector<1x128xf32> to vector<2000x128xf32>
    %add3A_9 = arith.addf %dot_general3A_5, %add3A : vector<2000x128xf32>
    %ge3A = arith.constant 0.000000e+00 : f32
    %ge3A_10 = vector.broadcast %ge3A : f32 to vector<2000x128xf32>
    %ge3A_11 = arith.cmpf oge, %add3A_9, %ge3A_10 : vector<2000x128xf32>
    %mul3A = arith.constant 0.00999999977 : f32
    %mul3A_12 = vector.broadcast %mul3A : f32 to vector<2000x128xf32>
    %mul3A_13 = arith.mulf %mul3A_12, %add3A_9 : vector<2000x128xf32>
    %select_n3A = arith.select %ge3A_11, %add3A_9, %mul3A_13 : vector<2000x128xi1>, vector<2000x128xf32>
    %swap3A = arith.constant 0 : index
    %swap3A_14 = arith.constant 0 : index
    %swap3A_15 = vector.load %arg6[%swap3A, %swap3A_14] : memref<2000x128xf32, #tpu.memory_space<vmem>>, vector<2000x128xf32>
    tpu.vector_store %arg6[%swap3A, %swap3A_14], %select_n3A {strides = array<i32>} : memref<2000x128xf32, #tpu.memory_space<vmem>>, vector<2000x128xf32>,
    %get3A_16 = arith.constant 0 : index
    %get3A_17 = arith.constant 0 : index
    %get3A_18 = vector.load %arg4[%get3A_16, %get3A_17] : memref<128x128xf32, #tpu.memory_space<vmem>>, vector<128x128xf32>
    %dot_general3A_19 = arith.constant dense<0.000000e+00> : vector<2000x128xf32>
    %dot_general3A_20 = tpu.matmul %get3A_1, %get3A_18, %dot_general3A_19 {dimension_numbers = #tpu.dot_dimension_numbers<[1], [0], [0], [1], [0, 0, 1, 1], [], []>, transpose_lhs_hint = false} : vector<2000x128xf32>, vector<128x128xf32>, vector<2000x128xf32> -> vector<2000x128xf32>
    %swap3A_21 = arith.constant 0 : index
    %swap3A_22 = arith.constant 0 : index
    %swap3A_23 = vector.load %arg7[%swap3A_21, %swap3A_22] : memref<2000x128xf32, #tpu.memory_space<vmem>>, vector<2000x128xf32>
    tpu.vector_store %arg7[%swap3A_21, %swap3A_22], %dot_general3A_20 {strides = array<i32>} : memref<2000x128xf32, #tpu.memory_space<vmem>>, vector<2000x128xf32>,
    %get3A_24 = arith.constant 0 : index
    %get3A_25 = arith.constant 0 : index
    %get3A_26 = vector.load %arg5[%get3A_24, %get3A_25] : memref<128x1xf32, #tpu.memory_space<vmem>>, vector<128x1xf32>
    %dot_general3A_27 = arith.constant dense<0.000000e+00> : vector<2000x1xf32>
    %dot_general3A_28 = tpu.matmul %select_n3A, %get3A_26, %dot_general3A_27 {dimension_numbers = #tpu.dot_dimension_numbers<[1], [0], [0], [1], [0, 0, 1, 1], [], []>, transpose_lhs_hint = false} : vector<2000x128xf32>, vector<128x1xf32>, vector<2000x1xf32> -> vector<2000x1xf32>
    %swap3A_29 = arith.constant 0 : index
    %swap3A_30 = arith.constant 0 : index
    %swap3A_31 = vector.load %arg8[%swap3A_29, %swap3A_30] : memref<2000x1xf32, #tpu.memory_space<vmem>>, vector<2000x1xf32>
    tpu.vector_store %arg8[%swap3A_29, %swap3A_30], %dot_general3A_28 {strides = array<i32>} : memref<2000x1xf32, #tpu.memory_space<vmem>>, vector<2000x1xf32>,
    return
  }
  func.func @transform_0(%arg0: i32) -> (i32, i32) {
    %c0_i32 = arith.constant 0 : i32
    %c0_i32_0 = arith.constant 0 : i32
    return %arg0, %c0_i32 : i32, i32
  }
  func.func @transform_1(%arg0: i32) -> (i32, i32) {
    %c0_i32 = arith.constant 0 : i32
    %c0_i32_0 = arith.constant 0 : i32
    %c0_i32_1 = arith.constant 0 : i32
    return %c0_i32, %c0_i32_0 : i32, i32
  }
  func.func @transform_2(%arg0: i32) -> (i32, i32) {
    %c0_i32 = arith.constant 0 : i32
    %c0_i32_0 = arith.constant 0 : i32
    %c0_i32_1 = arith.constant 0 : i32
    return %c0_i32, %c0_i32_0 : i32, i32
  }
  func.func @transform_3(%arg0: i32) -> (i32, i32) {
    %c0_i32 = arith.constant 0 : i32
    %c0_i32_0 = arith.constant 0 : i32
    %c0_i32_1 = arith.constant 0 : i32
    return %c0_i32, %c0_i32_0 : i32, i32
  }
  func.func @transform_4(%arg0: i32) -> (i32, i32) {
    %c0_i32 = arith.constant 0 : i32
    %c0_i32_0 = arith.constant 0 : i32
    %c0_i32_1 = arith.constant 0 : i32
    return %c0_i32, %c0_i32_0 : i32, i32
  }
  func.func @transform_5(%arg0: i32) -> (i32, i32) {
    %c0_i32 = arith.constant 0 : i32
    %c0_i32_0 = arith.constant 0 : i32
    return %arg0, %c0_i32 : i32, i32
  }
  func.func @transform_6(%arg0: i32) -> (i32, i32) {
    %c0_i32 = arith.constant 0 : i32
    %c0_i32_0 = arith.constant 0 : i32
    return %arg0, %c0_i32 : i32, i32
  }
  func.func @transform_7(%arg0: i32) -> (i32, i32) {
    %c0_i32 = arith.constant 0 : i32
    %c0_i32_0 = arith.constant 0 : i32
    return %arg0, %c0_i32 : i32, i32
  }
}

module attributes {stable_mosaic.version = 14 : i64} {
  func.func @_he1x_body(%arg0: i32, %arg1: memref<4096x128xf32, #tpu.memory_space<vmem>>, %arg2: memref<16x4096xf32, #tpu.memory_space<vmem>>, %arg3: memref<4096x1xf32, #tpu.memory_space<vmem>>, %arg4: memref<16x128xf32, #tpu.memory_space<vmem>>, %arg5: memref<1x128xf32, #tpu.memory_space<vmem>>, %arg6: memref<128x1xf32, #tpu.memory_space<vmem>>, %arg7: memref<1x1xf32, #tpu.memory_space<vmem>>, %arg8: memref<4096x128xf32, #tpu.memory_space<vmem>>, %arg9: memref<4096x1xf32, #tpu.memory_space<vmem>>) attributes {dimension_semantics = [#tpu.dimension_semantics<arbitrary>], iteration_bounds = array<i64: 80>, scalar_prefetch = 0 : i64, scratch_operands = 0 : i64, tpu.core_type = #tpu.core_type<tc>, window_params = [{transform_indices = @transform_0, window_bounds = array<i64: 4096, 128>}, {transform_indices = @transform_1, window_bounds = array<i64: 16, 4096>}, {transform_indices = @transform_2, window_bounds = array<i64: 4096, 1>}, {pipeline_mode = #tpu.pipeline_mode<synchronous>, transform_indices = @transform_3, window_bounds = array<i64: 16, 128>}, {pipeline_mode = #tpu.pipeline_mode<synchronous>, transform_indices = @transform_4, window_bounds = array<i64: 1, 128>}, {pipeline_mode = #tpu.pipeline_mode<synchronous>, transform_indices = @transform_5, window_bounds = array<i64: 128, 1>}, {pipeline_mode = #tpu.pipeline_mode<synchronous>, transform_indices = @transform_6, window_bounds = array<i64: 1, 1>}, {transform_indices = @transform_7, window_bounds = array<i64: 4096, 128>}, {transform_indices = @transform_8, window_bounds = array<i64: 4096, 1>}]} {
    %get3A = arith.constant 0 : index
    %get3A_0 = arith.constant 0 : index
    %get3A_1 = vector.load %arg2[%get3A, %get3A_0] : memref<16x4096xf32, #tpu.memory_space<vmem>>, vector<16x4096xf32>
    %get3A_2 = arith.constant 0 : index
    %get3A_3 = arith.constant 0 : index
    %get3A_4 = vector.load %arg4[%get3A_2, %get3A_3] : memref<16x128xf32, #tpu.memory_space<vmem>>, vector<16x128xf32>
    %dot_general3A = arith.constant dense<0.000000e+00> : vector<4096x128xf32>
    %dot_general3A_5 = tpu.matmul %get3A_1, %get3A_4, %dot_general3A {dimension_numbers = #tpu.dot_dimension_numbers<[0], [0], [1], [1], [0, 1, 1, 1], [], []>, transpose_lhs_hint = false} : vector<16x4096xf32>, vector<16x128xf32>, vector<4096x128xf32> -> vector<4096x128xf32>
    %get3A_6 = arith.constant 0 : index
    %get3A_7 = arith.constant 0 : index
    %get3A_8 = vector.load %arg1[%get3A_6, %get3A_7] : memref<4096x128xf32, #tpu.memory_space<vmem>>, vector<4096x128xf32>
    %add3A = arith.addf %get3A_8, %dot_general3A_5 : vector<4096x128xf32>
    %get3A_9 = arith.constant 0 : index
    %get3A_10 = arith.constant 0 : index
    %get3A_11 = vector.load %arg5[%get3A_9, %get3A_10] : memref<1x128xf32, #tpu.memory_space<vmem>>, vector<1x128xf32>
    %add3A_12 = vector.broadcast %get3A_11 : vector<1x128xf32> to vector<4096x128xf32>
    %add3A_13 = arith.addf %add3A, %add3A_12 : vector<4096x128xf32>
    %ge3A = arith.constant 0.000000e+00 : f32
    %ge3A_14 = vector.broadcast %ge3A : f32 to vector<4096x128xf32>
    %ge3A_15 = arith.cmpf oge, %add3A_13, %ge3A_14 : vector<4096x128xf32>
    %mul3A = arith.constant 0.00999999977 : f32
    %mul3A_16 = vector.broadcast %mul3A : f32 to vector<4096x128xf32>
    %mul3A_17 = arith.mulf %mul3A_16, %add3A_13 : vector<4096x128xf32>
    %select_n3A = arith.select %ge3A_15, %add3A_13, %mul3A_17 : vector<4096x128xi1>, vector<4096x128xf32>
    %get3A_18 = arith.constant 0 : index
    %get3A_19 = arith.constant 0 : index
    %get3A_20 = vector.load %arg6[%get3A_18, %get3A_19] : memref<128x1xf32, #tpu.memory_space<vmem>>, vector<128x1xf32>
    %dot_general3A_21 = arith.constant dense<0.000000e+00> : vector<4096x1xf32>
    %dot_general3A_22 = tpu.matmul %select_n3A, %get3A_20, %dot_general3A_21 {dimension_numbers = #tpu.dot_dimension_numbers<[1], [0], [0], [1], [0, 0, 1, 1], [], []>, transpose_lhs_hint = false} : vector<4096x128xf32>, vector<128x1xf32>, vector<4096x1xf32> -> vector<4096x1xf32>
    %get3A_23 = arith.constant 0 : index
    %get3A_24 = arith.constant 0 : index
    %get3A_25 = vector.load %arg7[%get3A_23, %get3A_24] : memref<1x1xf32, #tpu.memory_space<vmem>>, vector<1x1xf32>
    %add3A_26 = vector.broadcast %get3A_25 : vector<1x1xf32> to vector<4096x1xf32>
    %add3A_27 = arith.addf %dot_general3A_22, %add3A_26 : vector<4096x1xf32>
    %get3A_28 = arith.constant 0 : index
    %get3A_29 = arith.constant 0 : index
    %get3A_30 = vector.load %arg3[%get3A_28, %get3A_29] : memref<4096x1xf32, #tpu.memory_space<vmem>>, vector<4096x1xf32>
    %add3A_31 = arith.addf %get3A_30, %add3A_27 : vector<4096x1xf32>
    %ge3A_32 = arith.constant 0.000000e+00 : f32
    %ge3A_33 = vector.broadcast %ge3A_32 : f32 to vector<4096x1xf32>
    %ge3A_34 = arith.cmpf oge, %add3A_31, %ge3A_33 : vector<4096x1xf32>
    %mul3A_35 = arith.constant 0.00999999977 : f32
    %mul3A_36 = vector.broadcast %mul3A_35 : f32 to vector<4096x1xf32>
    %mul3A_37 = arith.mulf %mul3A_36, %add3A_31 : vector<4096x1xf32>
    %select_n3A_38 = arith.select %ge3A_34, %add3A_31, %mul3A_37 : vector<4096x1xi1>, vector<4096x1xf32>
    %exp3A = math.exp %select_n3A_38 : vector<4096x1xf32>
    %swap3A = arith.constant 0 : index
    %swap3A_39 = arith.constant 0 : index
    %swap3A_40 = vector.load %arg9[%swap3A, %swap3A_39] : memref<4096x1xf32, #tpu.memory_space<vmem>>, vector<4096x1xf32>
    tpu.vector_store %arg9[%swap3A, %swap3A_39], %exp3A {strides = array<i32>} : memref<4096x1xf32, #tpu.memory_space<vmem>>, vector<4096x1xf32>,
    %mul3A_41 = vector.broadcast %exp3A : vector<4096x1xf32> to vector<4096x128xf32>
    %mul3A_42 = arith.mulf %mul3A_41, %select_n3A : vector<4096x128xf32>
    %swap3A_43 = arith.constant 0 : index
    %swap3A_44 = arith.constant 0 : index
    %swap3A_45 = vector.load %arg8[%swap3A_43, %swap3A_44] : memref<4096x128xf32, #tpu.memory_space<vmem>>, vector<4096x128xf32>
    tpu.vector_store %arg8[%swap3A_43, %swap3A_44], %mul3A_42 {strides = array<i32>} : memref<4096x128xf32, #tpu.memory_space<vmem>>, vector<4096x128xf32>,
    return
  }
  func.func @transform_0(%arg0: i32) -> (i32, i32) {
    %c0_i32 = arith.constant 0 : i32
    %c0_i32_0 = arith.constant 0 : i32
    return %arg0, %c0_i32 : i32, i32
  }
  func.func @transform_1(%arg0: i32) -> (i32, i32) {
    %c0_i32 = arith.constant 0 : i32
    %c0_i32_0 = arith.constant 0 : i32
    return %c0_i32, %arg0 : i32, i32
  }
  func.func @transform_2(%arg0: i32) -> (i32, i32) {
    %c0_i32 = arith.constant 0 : i32
    %c0_i32_0 = arith.constant 0 : i32
    return %arg0, %c0_i32 : i32, i32
  }
  func.func @transform_3(%arg0: i32) -> (i32, i32) {
    %c0_i32 = arith.constant 0 : i32
    %c0_i32_0 = arith.constant 0 : i32
    %c0_i32_1 = arith.constant 0 : i32
    return %c0_i32, %c0_i32_0 : i32, i32
  }
  func.func @transform_4(%arg0: i32) -> (i32, i32) {
    %c0_i32 = arith.constant 0 : i32
    %c0_i32_0 = arith.constant 0 : i32
    %c0_i32_1 = arith.constant 0 : i32
    return %c0_i32, %c0_i32_0 : i32, i32
  }
  func.func @transform_5(%arg0: i32) -> (i32, i32) {
    %c0_i32 = arith.constant 0 : i32
    %c0_i32_0 = arith.constant 0 : i32
    %c0_i32_1 = arith.constant 0 : i32
    return %c0_i32, %c0_i32_0 : i32, i32
  }
  func.func @transform_6(%arg0: i32) -> (i32, i32) {
    %c0_i32 = arith.constant 0 : i32
    %c0_i32_0 = arith.constant 0 : i32
    %c0_i32_1 = arith.constant 0 : i32
    return %c0_i32, %c0_i32_0 : i32, i32
  }
  func.func @transform_7(%arg0: i32) -> (i32, i32) {
    %c0_i32 = arith.constant 0 : i32
    %c0_i32_0 = arith.constant 0 : i32
    return %arg0, %c0_i32 : i32, i32
  }
  func.func @transform_8(%arg0: i32) -> (i32, i32) {
    %c0_i32 = arith.constant 0 : i32
    %c0_i32_0 = arith.constant 0 : i32
    return %arg0, %c0_i32 : i32, i32
  }
}

module attributes {stable_mosaic.version = 14 : i64} {
  func.func @_final_body(%arg0: i32, %arg1: memref<2000x128xf32, #tpu.memory_space<vmem>>, %arg2: memref<2000x128xf32, #tpu.memory_space<vmem>>, %arg3: memref<2000x1xf32, #tpu.memory_space<vmem>>, %arg4: memref<2000x1xf32, #tpu.memory_space<vmem>>, %arg5: memref<2000x128xf32, #tpu.memory_space<vmem>>, %arg6: memref<128x128xf32, #tpu.memory_space<vmem>>, %arg7: memref<1x128xf32, #tpu.memory_space<vmem>>, %arg8: memref<128x128xf32, #tpu.memory_space<vmem>>, %arg9: memref<128x128xf32, #tpu.memory_space<vmem>>, %arg10: memref<1x128xf32, #tpu.memory_space<vmem>>, %arg11: memref<128x128xf32, #tpu.memory_space<vmem>>, %arg12: memref<1x128xf32, #tpu.memory_space<vmem>>, %arg13: memref<2000x128xf32, #tpu.memory_space<vmem>>) attributes {dimension_semantics = [#tpu.dimension_semantics<arbitrary>], iteration_bounds = array<i64: 5>, scalar_prefetch = 0 : i64, scratch_operands = 0 : i64, tpu.core_type = #tpu.core_type<tc>, window_params = [{transform_indices = @transform_0, window_bounds = array<i64: 2000, 128>}, {transform_indices = @transform_1, window_bounds = array<i64: 2000, 128>}, {transform_indices = @transform_2, window_bounds = array<i64: 2000, 1>}, {transform_indices = @transform_3, window_bounds = array<i64: 2000, 1>}, {transform_indices = @transform_4, window_bounds = array<i64: 2000, 128>}, {pipeline_mode = #tpu.pipeline_mode<synchronous>, transform_indices = @transform_5, window_bounds = array<i64: 128, 128>}, {pipeline_mode = #tpu.pipeline_mode<synchronous>, transform_indices = @transform_6, window_bounds = array<i64: 1, 128>}, {pipeline_mode = #tpu.pipeline_mode<synchronous>, transform_indices = @transform_7, window_bounds = array<i64: 128, 128>}, {pipeline_mode = #tpu.pipeline_mode<synchronous>, transform_indices = @transform_8, window_bounds = array<i64: 128, 128>}, {pipeline_mode = #tpu.pipeline_mode<synchronous>, transform_indices = @transform_9, window_bounds = array<i64: 1, 128>}, {pipeline_mode = #tpu.pipeline_mode<synchronous>, transform_indices = @transform_10, window_bounds = array<i64: 128, 128>}, {pipeline_mode = #tpu.pipeline_mode<synchronous>, transform_indices = @transform_11, window_bounds = array<i64: 1, 128>}, {transform_indices = @transform_12, window_bounds = array<i64: 2000, 128>}]} {
    %get3A = arith.constant 0 : index
    %get3A_0 = arith.constant 0 : index
    %get3A_1 = vector.load %arg3[%get3A, %get3A_0] : memref<2000x1xf32, #tpu.memory_space<vmem>>, vector<2000x1xf32>
    %get3A_2 = arith.constant 0 : index
    %get3A_3 = arith.constant 0 : index
    %get3A_4 = vector.load %arg4[%get3A_2, %get3A_3] : memref<2000x1xf32, #tpu.memory_space<vmem>>, vector<2000x1xf32>
    %add3A = arith.addf %get3A_1, %get3A_4 : vector<2000x1xf32>
    %gt3A = arith.constant 0.000000e+00 : f32
    %gt3A_5 = vector.broadcast %gt3A : f32 to vector<2000x1xf32>
    %gt3A_6 = arith.cmpf ogt, %add3A, %gt3A_5 : vector<2000x1xf32>
    %convert_element_type3A = arith.extui %gt3A_6 : vector<2000x1xi1> to vector<2000x1xi32>
    %convert_element_type3A_7 = arith.sitofp %convert_element_type3A : vector<2000x1xi32> to vector<2000x1xf32>
    %gt3A_8 = arith.constant 0.000000e+00 : f32
    %gt3A_9 = vector.broadcast %gt3A_8 : f32 to vector<2000x1xf32>
    %gt3A_10 = arith.cmpf ogt, %add3A, %gt3A_9 : vector<2000x1xf32>
    %jit3A = arith.constant 1.000000e+00 : f32
    %broadcast_in_dim3A = vector.broadcast %jit3A : f32 to vector<2000x1xf32>
    %select_n3A = arith.select %gt3A_10, %add3A, %broadcast_in_dim3A : vector<2000x1xi1>, vector<2000x1xf32>
    %get3A_11 = arith.constant 0 : index
    %get3A_12 = arith.constant 0 : index
    %get3A_13 = vector.load %arg1[%get3A_11, %get3A_12] : memref<2000x128xf32, #tpu.memory_space<vmem>>, vector<2000x128xf32>
    %get3A_14 = arith.constant 0 : index
    %get3A_15 = arith.constant 0 : index
    %get3A_16 = vector.load %arg2[%get3A_14, %get3A_15] : memref<2000x128xf32, #tpu.memory_space<vmem>>, vector<2000x128xf32>
    %add3A_17 = arith.addf %get3A_13, %get3A_16 : vector<2000x128xf32>
    %div3A = vector.broadcast %select_n3A : vector<2000x1xf32> to vector<2000x128xf32>
    %div3A_18 = arith.divf %add3A_17, %div3A : vector<2000x128xf32>
    %get3A_19 = arith.constant 0 : index
    %get3A_20 = arith.constant 0 : index
    %get3A_21 = vector.load %arg6[%get3A_19, %get3A_20] : memref<128x128xf32, #tpu.memory_space<vmem>>, vector<128x128xf32>
    %dot_general3A = arith.constant dense<0.000000e+00> : vector<2000x128xf32>
    %dot_general3A_22 = tpu.matmul %div3A_18, %get3A_21, %dot_general3A {dimension_numbers = #tpu.dot_dimension_numbers<[1], [0], [0], [1], [0, 0, 1, 1], [], []>, transpose_lhs_hint = false} : vector<2000x128xf32>, vector<128x128xf32>, vector<2000x128xf32> -> vector<2000x128xf32>
    %get3A_23 = arith.constant 0 : index
    %get3A_24 = arith.constant 0 : index
    %get3A_25 = vector.load %arg7[%get3A_23, %get3A_24] : memref<1x128xf32, #tpu.memory_space<vmem>>, vector<1x128xf32>
    %mul3A = vector.broadcast %convert_element_type3A_7 : vector<2000x1xf32> to vector<2000x128xf32>
    %mul3A_26 = vector.broadcast %get3A_25 : vector<1x128xf32> to vector<2000x128xf32>
    %mul3A_27 = arith.mulf %mul3A, %mul3A_26 : vector<2000x128xf32>
    %add3A_28 = arith.addf %dot_general3A_22, %mul3A_27 : vector<2000x128xf32>
    %gt3A_29 = arith.constant 0.000000e+00 : f32
    %gt3A_30 = vector.broadcast %gt3A_29 : f32 to vector<2000x128xf32>
    %gt3A_31 = arith.cmpf ogt, %add3A_28, %gt3A_30 : vector<2000x128xf32>
    %exp3A = math.exp %add3A_28 : vector<2000x128xf32>
    %sub3A = arith.constant 1.000000e+00 : f32
    %sub3A_32 = vector.broadcast %sub3A : f32 to vector<2000x128xf32>
    %sub3A_33 = arith.subf %exp3A, %sub3A_32 : vector<2000x128xf32>
    %select_n3A_34 = arith.select %gt3A_31, %add3A_28, %sub3A_33 : vector<2000x128xi1>, vector<2000x128xf32>
    %get3A_35 = arith.constant 0 : index
    %get3A_36 = arith.constant 0 : index
    %get3A_37 = vector.load %arg8[%get3A_35, %get3A_36] : memref<128x128xf32, #tpu.memory_space<vmem>>, vector<128x128xf32>
    %dot_general3A_38 = arith.constant dense<0.000000e+00> : vector<2000x128xf32>
    %dot_general3A_39 = tpu.matmul %select_n3A_34, %get3A_37, %dot_general3A_38 {dimension_numbers = #tpu.dot_dimension_numbers<[1], [0], [0], [1], [0, 0, 1, 1], [], []>, transpose_lhs_hint = false} : vector<2000x128xf32>, vector<128x128xf32>, vector<2000x128xf32> -> vector<2000x128xf32>
    %get3A_40 = arith.constant 0 : index
    %get3A_41 = arith.constant 0 : index
    %get3A_42 = vector.load %arg5[%get3A_40, %get3A_41] : memref<2000x128xf32, #tpu.memory_space<vmem>>, vector<2000x128xf32>
    %get3A_43 = arith.constant 0 : index
    %get3A_44 = arith.constant 0 : index
    %get3A_45 = vector.load %arg9[%get3A_43, %get3A_44] : memref<128x128xf32, #tpu.memory_space<vmem>>, vector<128x128xf32>
    %dot_general3A_46 = arith.constant dense<0.000000e+00> : vector<2000x128xf32>
    %dot_general3A_47 = tpu.matmul %get3A_42, %get3A_45, %dot_general3A_46 {dimension_numbers = #tpu.dot_dimension_numbers<[1], [0], [0], [1], [0, 0, 1, 1], [], []>, transpose_lhs_hint = false} : vector<2000x128xf32>, vector<128x128xf32>, vector<2000x128xf32> -> vector<2000x128xf32>
    %add3A_48 = arith.addf %dot_general3A_39, %dot_general3A_47 : vector<2000x128xf32>
    %get3A_49 = arith.constant 0 : index
    %get3A_50 = arith.constant 0 : index
    %get3A_51 = vector.load %arg10[%get3A_49, %get3A_50] : memref<1x128xf32, #tpu.memory_space<vmem>>, vector<1x128xf32>
    %add3A_52 = vector.broadcast %get3A_51 : vector<1x128xf32> to vector<2000x128xf32>
    %add3A_53 = arith.addf %add3A_48, %add3A_52 : vector<2000x128xf32>
    %max3A = arith.constant 0.000000e+00 : f32
    %max3A_54 = vector.broadcast %max3A : f32 to vector<2000x128xf32>
    %max3A_55 = arith.maximumf %add3A_53, %max3A_54 : vector<2000x128xf32>
    %get3A_56 = arith.constant 0 : index
    %get3A_57 = arith.constant 0 : index
    %get3A_58 = vector.load %arg11[%get3A_56, %get3A_57] : memref<128x128xf32, #tpu.memory_space<vmem>>, vector<128x128xf32>
    %dot_general3A_59 = arith.constant dense<0.000000e+00> : vector<2000x128xf32>
    %dot_general3A_60 = tpu.matmul %max3A_55, %get3A_58, %dot_general3A_59 {dimension_numbers = #tpu.dot_dimension_numbers<[1], [0], [0], [1], [0, 0, 1, 1], [], []>, transpose_lhs_hint = false} : vector<2000x128xf32>, vector<128x128xf32>, vector<2000x128xf32> -> vector<2000x128xf32>
    %get3A_61 = arith.constant 0 : index
    %get3A_62 = arith.constant 0 : index
    %get3A_63 = vector.load %arg12[%get3A_61, %get3A_62] : memref<1x128xf32, #tpu.memory_space<vmem>>, vector<1x128xf32>
    %add3A_64 = vector.broadcast %get3A_63 : vector<1x128xf32> to vector<2000x128xf32>
    %add3A_65 = arith.addf %dot_general3A_60, %add3A_64 : vector<2000x128xf32>
    %max3A_66 = arith.constant 0.000000e+00 : f32
    %max3A_67 = vector.broadcast %max3A_66 : f32 to vector<2000x128xf32>
    %max3A_68 = arith.maximumf %add3A_65, %max3A_67 : vector<2000x128xf32>
    %swap3A = arith.constant 0 : index
    %swap3A_69 = arith.constant 0 : index
    %swap3A_70 = vector.load %arg13[%swap3A, %swap3A_69] : memref<2000x128xf32, #tpu.memory_space<vmem>>, vector<2000x128xf32>
    tpu.vector_store %arg13[%swap3A, %swap3A_69], %max3A_68 {strides = array<i32>} : memref<2000x128xf32, #tpu.memory_space<vmem>>, vector<2000x128xf32>,
    return
  }
  func.func @transform_0(%arg0: i32) -> (i32, i32) {
    %c0_i32 = arith.constant 0 : i32
    %c0_i32_0 = arith.constant 0 : i32
    return %arg0, %c0_i32 : i32, i32
  }
  func.func @transform_1(%arg0: i32) -> (i32, i32) {
    %c0_i32 = arith.constant 0 : i32
    %c0_i32_0 = arith.constant 0 : i32
    return %arg0, %c0_i32 : i32, i32
  }
  func.func @transform_2(%arg0: i32) -> (i32, i32) {
    %c0_i32 = arith.constant 0 : i32
    %c0_i32_0 = arith.constant 0 : i32
    return %arg0, %c0_i32 : i32, i32
  }
  func.func @transform_3(%arg0: i32) -> (i32, i32) {
    %c0_i32 = arith.constant 0 : i32
    %c0_i32_0 = arith.constant 0 : i32
    return %arg0, %c0_i32 : i32, i32
  }
  func.func @transform_4(%arg0: i32) -> (i32, i32) {
    %c0_i32 = arith.constant 0 : i32
    %c0_i32_0 = arith.constant 0 : i32
    return %arg0, %c0_i32 : i32, i32
  }
  func.func @transform_5(%arg0: i32) -> (i32, i32) {
    %c0_i32 = arith.constant 0 : i32
    %c0_i32_0 = arith.constant 0 : i32
    %c0_i32_1 = arith.constant 0 : i32
    return %c0_i32, %c0_i32_0 : i32, i32
  }
  func.func @transform_6(%arg0: i32) -> (i32, i32) {
    %c0_i32 = arith.constant 0 : i32
    %c0_i32_0 = arith.constant 0 : i32
    %c0_i32_1 = arith.constant 0 : i32
    return %c0_i32, %c0_i32_0 : i32, i32
  }
  func.func @transform_7(%arg0: i32) -> (i32, i32) {
    %c0_i32 = arith.constant 0 : i32
    %c0_i32_0 = arith.constant 0 : i32
    %c0_i32_1 = arith.constant 0 : i32
    return %c0_i32, %c0_i32_0 : i32, i32
  }
  func.func @transform_8(%arg0: i32) -> (i32, i32) {
    %c0_i32 = arith.constant 0 : i32
    %c0_i32_0 = arith.constant 0 : i32
    %c0_i32_1 = arith.constant 0 : i32
    return %c0_i32, %c0_i32_0 : i32, i32
  }
  func.func @transform_9(%arg0: i32) -> (i32, i32) {
    %c0_i32 = arith.constant 0 : i32
    %c0_i32_0 = arith.constant 0 : i32
    %c0_i32_1 = arith.constant 0 : i32
    return %c0_i32, %c0_i32_0 : i32, i32
  }
  func.func @transform_10(%arg0: i32) -> (i32, i32) {
    %c0_i32 = arith.constant 0 : i32
    %c0_i32_0 = arith.constant 0 : i32
    %c0_i32_1 = arith.constant 0 : i32
    return %c0_i32, %c0_i32_0 : i32, i32
  }
  func.func @transform_11(%arg0: i32) -> (i32, i32) {
    %c0_i32 = arith.constant 0 : i32
    %c0_i32_0 = arith.constant 0 : i32
    %c0_i32_1 = arith.constant 0 : i32
    return %c0_i32, %c0_i32_0 : i32, i32
  }
  func.func @transform_12(%arg0: i32) -> (i32, i32) {
    %c0_i32 = arith.constant 0 : i32
    %c0_i32_0 = arith.constant 0 : i32
    return %arg0, %c0_i32 : i32, i32
  }
}

</mosaic_0001>

<sc_bundles>
// kernel: kernel.11.cloned.1.call-start
scs
__scs_entry_jumppad:
0x0: {  	(pc) =	sbr.rel $0x88, $3  }
0x1: {  	(tag) =	ssettag $0x0;
	lr =	simm.s32 $0x1  }
0x2: {  	[smem:$0x3F92] =	sst lr;
	_ =	strace $0xD0000000  }
0x3: {  	_ = 	snop  }
0x4: {  	_ = 	snop  }
0x5: {  	_ = 	snop  }
0x6: {  	_ = 	snop  }
0x7: {  	_ = 	snop  }
__scs_overlays_trampoline_lowered:
0x8: {  	[smem:$0x3FA1] =	sst s0  }
0x9: {  	[smem:$0x3FA2] =	sst s1  }
0xa: {  	[smem:$0x3FA3] =	sst s2  }
0xb: {  	[smem:$0x3FA4] =	sst s3  }
0xc: {  	[smem:$0x3FA5] =	sst s4  }
0xd: {  	[smem:$0x3FA6] =	sst s5  }
0xe: {  	[smem:$0x3FA7] =	sst s6  }
0xf: {  	[smem:$0x3FA8] =	sst s7  }
0x10: {  	[smem:$0x3FA9] =	sst s8  }
0x11: {  	[smem:$0x3FAA] =	sst s9;
	s0 =	simm.s32 @!p0 $0x0  }
0x12: {  	s1 =	sld [smem:$0x3F90];
	s0 =	simm.s32 @p0 $0x1  }
0x13: {  	[smem:$0x3FAB] =	sst s0;
	s0 =	simm.s32 @!p1 $0x0  }
0x14: {  	s2 =	sld [smem:$0x3F8F];
	s0 =	simm.s32 @p1 $0x1  }
0x15: {  	[smem:$0x3FAC] =	sst s0;
	s0 =	simm.s32 @!p2 $0x0  }
0x16: {  	s3 =	sld [smem:$0x3FDB];
	s0 =	simm.s32 @p2 $0x1  }
0x17: {  	s4 =	simm.s32 $0x1BF5;
	[smem:$0x3FAE] =	sst s0  }
0x18: {  	s0 =	sld [smem:$0x3F91];
	_ =	swait.ge [sflag:s4], $0x0  }
0x19: {  	s7 =	sld [smem:$0x3F92]  }
0x1a: {  	s8 =	sadd.s32 $0xFFFFE003, lr  }
0x1b: {  	s9 =	sadd.s32 $0xFFFFFEF7, lr;
	s5 =	simm.s32 $0xFFFFFFFF;
	p2 =	slt.u32 s8, $0xFFFFF086  }
0x1c: {  	p1 =	slt.u32 s9, $0xF7A;
	s5 =	simm.s32 @!p2 $0x0  }
0x1d: {  	s5 =	simm.s32 @p1 $0x1;
	p0 =	seq.s32 s7, s2  }
0x1e: {  	s7 =	smul.u32 @!p0 $0xF7A, s2;
	p2 =	seq.s32 @!p0 s5, $0x0  }
0x1f: {  	s9 =	smul.u32 $0xF7A, s1;
	s8 =	simm.s32 @!p0 $0x1BF5;
	p2 =	por !p2, p0  }
0x20: {  	[sflag:s8] =	ssyncset.s32 @!p0 $0xFFFFF086;
	s6 =	sadd.s32 @!p0 s3, s7;
	s7 =	simm.s32 @!p0 $0x108  }
0x21: {  	s3 =	sadd.s32 s3, s9;
	s6 =	sadd.s32 @!p0 $0x88, s6;
	s7 =	simm.s32 @p2 $0x1082  }
0x22: {  	[simem:s7], [sflag:s8] =	dma.local @!p0 [hbm:s6], $0xF7A  }
0x23: {  	s9 =	sor.u32 $0xD0000000, s2;
	s6 =	simm.s32 $0x108;
	_ =	swait.ge @!p0 [sflag:s8], $0x0  }
0x24: {  	s3 =	sadd.s32 $0x88, s3;
	s6 =	simm.s32 @!p1 $0x1082;
	[sflag:s4] =	ssyncset.s32 $0xFFFFF086  }
0x25: {  	[simem:s6], [sflag:s4] =	dma.local [hbm:s3], $0xF7A  }
0x26: {  	[smem:$0x3F92] =	sst s1;
	(tag) =	ssettag s2;
	_ =	strace s9  }
0x27: {  	s1 =	sld [smem:$0x3FA2]  }
0x28: {  	s2 =	sld [smem:$0x3FA3]  }
0x29: {  	s4 =	sld [smem:$0x3FA5]  }
0x2a: {  	p0 =	seq.s32 s5, $0x0;
	s5 =	sld [smem:$0x3FA6]  }
0x2b: {  	s6 =	sld [smem:$0x3FA7]  }
0x2c: {  	s7 =	sld [smem:$0x3FA8]  }
0x2d: {  	s3 =	simm.s32 $0x108;
	s8 =	sld [smem:$0x3FA9]  }
0x2e: {  	s3 =	simm.s32 @!p0 $0x1082;
	s9 =	sld [smem:$0x3FAA]  }
0x2f: {  	lr =	sadd.s32 s0, s3;
	s0 =	sld [smem:$0x3FA1]  }
0x30: {  	s3 =	sld [smem:$0x3FA4]  }
0x31: {  	[smem:$0x3FAD] =	sst s10  }
0x32: {  	s10 =	sld [smem:$0x3FAB];
	_ =	sdelay $0x3  }
0x33: {  	p0 =	seq.s32 s10, $0x1;
	s10 =	sld [smem:$0x3FAD];
	_ =	sdelay $0x3  }
0x34: {  	[smem:$0x3FAD] =	sst s10  }
0x35: {  	s10 =	sld [smem:$0x3FAC];
	_ =	sdelay $0x3  }
0x36: {  	p1 =	seq.s32 s10, $0x1;
	s10 =	sld [smem:$0x3FAD];
	_ =	sdelay $0x3  }
0x37: {  	[smem:$0x3FAD] =	sst s10  }
0x38: {  	s10 =	sld [smem:$0x3FAE]  }
0x39: {  	_ = 	snop;
	(pc) =	sbr.ind lr, $3  }
0x3a: {  	_ = 	snop  }
0x3b: {  	_ = 	snop  }
0x3c: {  	p2 =	seq.s32 s10, $0x1;
	s10 =	sld [smem:$0x3FAD]  }
0x3d: {  	_ =	shalt  }
0x3e: {  	_ =	shalt  }
0x3f: {  	_ =	shalt  }
0x40: {  	_ =	shalt  }
0x41: {  	_ =	shalt  }
0x42: {  	_ =	shalt  }
0x43: {  	_ =	shalt  }
0x44: {  	_ =	shalt  }
0x45: {  	_ =	shalt  }
0x46: {  	_ =	shalt  }
0x47: {  	_ =	shalt  }
0x48: {  	_ =	shalt  }
0x49: {  	_ =	shalt  }
0x4a: {  	_ =	shalt  }
0x4b: {  	_ =	shalt  }
0x4c: {  	_ =	shalt  }
0x4d: {  	_ =	shalt  }
0x4e: {  	_ =	shalt  }
0x4f: {  	_ =	shalt  }
0x50: {  	_ =	shalt  }
0x51: {  	_ =	shalt  }
0x52: {  	_ =	shalt  }
0x53: {  	_ =	shalt  }
0x54: {  	_ =	shalt  }
0x55: {  	_ =	shalt  }
0x56: {  	_ =	shalt  }
0x57: {  	_ =	shalt  }
0x58: {  	_ =	shalt  }
0x59: {  	_ =	shalt  }
0x5a: {  	_ =	shalt  }
0x5b: {  	_ =	shalt  }
0x5c: {  	_ =	shalt  }
0x5d: {  	_ =	shalt  }
0x5e: {  	_ =	shalt  }
0x5f: {  	_ =	shalt  }
0x60: {  	_ =	shalt  }
0x61: {  	_ =	shalt  }
0x62: {  	_ =	shalt  }
0x63: {  	_ =	shalt  }
0x64: {  	_ =	shalt  }
0x65: {  	_ =	shalt  }
0x66: {  	_ =	shalt  }
0x67: {  	_ =	shalt  }
0x68: {  	_ =	shalt  }
0x69: {  	_ =	shalt  }
0x6a: {  	_ =	shalt  }
0x6b: {  	_ =	shalt  }
0x6c: {  	_ =	shalt  }
0x6d: {  	_ =	shalt  }
0x6e: {  	_ =	shalt  }
0x6f: {  	_ =	shalt  }
0x70: {  	_ =	shalt  }
0x71: {  	_ =	shalt  }
0x72: {  	_ =	shalt  }
0x73: {  	_ =	shalt  }
0x74: {  	_ =	shalt  }
0x75: {  	_ =	shalt  }
0x76: {  	_ =	shalt  }
0x77: {  	_ =	shalt  }
0x78: {  	_ =	shalt  }
0x79: {  	_ =	shalt  }
0x7a: {  	_ =	shalt  }
0x7b: {  	_ =	shalt  }
0x7c: {  	_ =	shalt  }
0x7d: {  	_ =	shalt  }
0x7e: {  	_ =	shalt  }
0x7f: {  	_ =	shalt  }
0x80: {  	_ =	shalt  }
0x81: {  	_ =	shalt  }
0x82: {  	_ =	shalt  }
0x83: {  	_ =	shalt  }
0x84: {  	_ =	shalt  }
0x85: {  	_ =	shalt  }
0x86: {  	_ =	shalt  }
0x87: {  	_ =	shalt  }
.Lfunc_end0:
.L_simem_size_0:
called_computation.1_lowered:
.L_overlay_start_0:
0x88: {  	s2 =	sld [smem:$0x3FD9]  }
0x89: {  	s3 =	sld [smem:$0x3FFE];
	_ =	sdelay $0x1  }
0x8a: {  	s1 =	srdreg.scid  }
0x8b: {  	s0 =	sand.u32 $0x1, s1  }
0x8c: {  	s17 =	sshll.u32 s0, $0xA;
	s2 =	sadd.s32 s3, s2  }
0x8d: {  	s2 =	sadd.s32 s2, s17  }
0x8e: {  	[smem:$0x3FB9] =	sst s2  }
0x8f: {  	_ = 	snop  }
0x90: {  	s2 =	sld [smem:$0x3FD0];
	(tm) =	ssettm $0x1  }
0x91: {  	s18 =	sld [smem:$0x3FFB];
	_ =	sdelay $0x3  }
0x92: {  	_ =	strace s18  }
0x93: {  	s3 =	sld [smem:$0x3FFC];
	_ =	sdelay $0x3  }
0x94: {  	_ =	strace s3  }
0x95: {  	s3 =	sld [smem:$0x3FFD];
	_ =	sdelay $0x3  }
0x96: {  	_ =	strace s3  }
0x97: {  	_ =	strace $0x8FFFFFFF  }
0x98: {  	s19 =	sld [smem:$0x3FDB];
	_ =	sdelay $0x1  }
0x99: {  	s4 =	simm.s32 $_scs_section_size  }
0x9a: {  	s5 =	simm.s32 $_size__tile_overlayer_lowered;
	s6 =	simm.s32 $_tile_overlayer_lowered  }
0x9b: {  	s22 =	simm.s32 $0x1BFF;
	s21 =	sshll.u32 s6, $0x1;
	s3 =	sadd.s32 s4, s19  }
0x9c: {  	s7 =	simm.s32 $0x0;
	s20 =	sshll.u32 s5, $0x1;
	s5 =	sadd.s32 s21, s3  }
0x9d: {  	[timem:s7], [sflag:s22] =	dma.local [hbm:s5], s20  }
0x9e: {  	_ =	swait.ge [sflag:s22], s20  }
0x9f: {  	s4 =	ssub.s32 $0x0, s20;
	[sflag:s22] =	ssyncset.done $0x0  }
0xa0: {  	[sflag:s22] =	ssyncadd.s32 s4;
	_ =	sdelay $0x1  }
0xa1: {  	s23 =	simm.s32 $0x1B8B  }
0xa2: {  	_ =	swait.ge [sflag:s23], $0x1  }
0xa3: {  	[sflag:s23] =	ssyncset.done $0x0  }
0xa4: {  	s25 =	simm.s32 $0x1B8E;
	s24 =	sld [smem:$0x3FFE];
	[sflag:s23] =	ssyncadd.s32 $0xFFFFFFFF  }
0xa5: {  	s26 =	simm.s32 $execute0_lowered;
	[smem:$0x3FD2] =	sst s25  }
0xa6: {  	s5 =	sshll.u32 s26, $0x1;
	_ =	strace $0x80000049;
	[dreg:$0x1] =	wrdreg $0xFFFFFFFF  }
0xa7: {  	s28 =	simm.s32 $_size_execute0_lowered;
	s3 =	sadd.s32 s3, s5;
	[dreg:$0x0] =	wrdreg $0x0  }
0xa8: {  	s5 =	sshll.u32 s28, $0x1;
	[dreg:$0x2] =	wrdreg s3  }
0xa9: {  	[dreg:$0x3] =	wrdreg s5  }
0xaa: {  	[dreg:$0x4] =	wrdreg $0xC0  }
0xab: {  	_ =	task [dreg:s7], $0x5FFFF  }
0xac: {  	[dreg:$0x1] =	wrdreg $0xFFFFFFFF  }
0xad: {  	[dreg:$0x0] =	wrdreg $0x60  }
0xae: {  	[dreg:$0x2] =	wrdreg s24  }
0xaf: {  	[dreg:$0x3] =	wrdreg s2  }
0xb0: {  	[dreg:$0x4] =	wrdreg $0xA2800  }
0xb1: {  	[dreg:$0x5] =	wrdreg $0x9  }
0xb2: {  	_ =	task.clear_ibuf [dreg:s7], $0x6FFFF;
	_ =	strace $0x90000049  }
0xb3: {  	s29 =	simm.s32 $0x9;
	_ =	strace $0x8000004B  }
0xb4: {  	_ =	swait.ge [sflag:s29], $0x1  }
0xb5: {  	[sflag:s29] =	ssyncadd.s32 $0xFFFFFFFF  }
0xb6: {  	_ =	strace $0x9000004B  }
0xb7: {  	_ =	sfence  }
0xb8: {  	s30 =	sld [smem:$0x0];
	_ =	sdelay $0x2  }
0xb9: {  	s31 =	sshll.u32 s1, $0xD;
	s1 =	sshrl.u32 s1, $0x2  }
0xba: {  	s3 =	sand.u32 $0x4000, s31;
	s1 =	sadd.s32 s1, s30  }
0xbb: {  	s0 =	sor.u32 s3, s0;
	s1 =	sshll.u32 s1, $0x11  }
0xbc: {  	s0 =	sor.u32 s1, s0  }
0xbd: {  	s0 =	sadd.s32 $0x8F2B, s0  }
0xbe: {  	[sflag:s0] =	ssyncadd.remote.s32 $0x1  }
0xbf: {  	_ =	sfence.sel $0xFFFF  }
0xc0: {  	[dreg:$0x0] =	wrdreg $0xFFFFFFFF;
	(pc) =	sbr.abs _section_cstart, $3  }
0xc1: {  	[dreg:$0x1] =	wrdreg $0xFFFFFFFF  }
0xc2: {  	_ =	task.clear_ibuf [dreg:s7], $0x2FFFF;
	_ =	strace $0x9FFFFFFF  }
0xc3: {  	(tm) =	ssettm $0x7FFFFFFF  }
tec
execute0_lowered:
.L_overlay_start_1:
0x0: {  	(tag) =	ssettag $0x1  }
0x1: {  	s0 =	rddreg [dreg:$0x0]  }
0x2: {  	s1 =	rddreg [dreg:$0x1];
	s2 =	srdreg.scid  }
0x3: {  	s10 =	stileid.u32;
	s3 =	rddreg [dreg:$0x2]  }
0x4: {  	s5 =	simm.s32 $0x0;
	s2 =	sand.u32 $0x1, s2;
	s4 =	sshll.u32 s10, $0x1  }
0x5: {  	[smem:$0x7FF] =	sst s5;
	s24 =	smul.u32 $0x500, s10;
	s8 =	sshrl.u32 s10, $0x3  }
0x6: {  	s9 =	smul.u32 $0x5000, s10;
	s4 =	sor.u32 s2, s4;
	s7 =	sshll.u32 s2, $0x7  }
0x7: {  	_ =	strace $0x8000004A;
	s23 =	smul.u32 $0x500, s4;
	s4 =	sor.u32 s7, s24  }
0x8: {  	s25 =	smul.u32 $0x50000, s8;
	s13 =	sshrl.u32 s9, $0x2;
	s4 =	sshrl.u32 s4, $0x3  }
0x9: {  	s6 =	sadd.s32 s23, s0;
	s0 =	sadd.s32 s4, s0;
	s1 =	sadd.s32 s1, s23  }
0xa: {  	s4 =	sadd.s32 s13, s3;
	s8 =	sadd.s32 $0x29800, s6;
	[dreg:$0x5] =	wrdreg s1  }
0xb: {  	s16 =	sadd.s32 $0x80, s4;
	[dreg:$0x4] =	wrdreg s8  }
0xc: {  	s17 =	sadd.s32 $0x100, s4;
	[dreg:$0x7] =	wrdreg s16  }
0xd: {  	s18 =	sadd.s32 $0x180, s4;
	[dreg:$0x8] =	wrdreg s17  }
0xe: {  	s19 =	sadd.s32 $0x200, s4;
	[dreg:$0x9] =	wrdreg s18  }
0xf: {  	s20 =	sadd.s32 $0x280, s4;
	[dreg:$0xa] =	wrdreg s19  }
0x10: {  	s21 =	sadd.s32 $0x300, s4;
	[dreg:$0xb] =	wrdreg s20  }
0x11: {  	s22 =	sadd.s32 $0x380, s4;
	[dreg:$0xc] =	wrdreg s21  }
0x12: {  	s2 =	ssub.s32 $0x2, s2;
	s23 =	sadd.s32 $0x14000, s4;
	[dreg:$0xd] =	wrdreg s22  }
0x13: {  	s26 =	sshrl.u32 s2, $0x1;
	s24 =	sadd.s32 $0x14080, s4;
	[dreg:$0xe] =	wrdreg s23  }
0x14: {  	s12 =	sshrl.u32 s25, $0x2;
	s25 =	sadd.s32 $0x14100, s4;
	[dreg:$0xf] =	wrdreg s24  }
0x15: {  	s2 =	ssub.s32 s2, s26;
	s26 =	sadd.s32 $0x14180, s4;
	[dreg:$0x10] =	wrdreg s25  }
0x16: {  	s6 =	sadd.s32 s12, s3;
	s3 =	sadd.s32 $0x14200, s4;
	[dreg:$0x11] =	wrdreg s26  }
0x17: {  	s5 =	sadd.s32 $0x14280, s4;
	[dreg:$0x12] =	wrdreg s3  }
0x18: {  	s7 =	sadd.s32 $0x14380, s4;
	[dreg:$0x13] =	wrdreg s5  }
0x19: {  	s0 =	sadd.s32 $0x33800, s0;
	[dreg:$0x15] =	wrdreg s7  }
0x1a: {  	s9 =	sadd.s32 $0x400, s4;
	[dreg:$0x16] =	wrdreg s0  }
0x1b: {  	s11 =	sshll.u32 s10, $0x7;
	s10 =	sadd.s32 $0x800, s4;
	[dreg:$0x18] =	wrdreg s9  }
0x1c: {  	s14 =	sand.u32 $0x380, s11;
	s11 =	sadd.s32 $0xC00, s4;
	[dreg:$0x19] =	wrdreg s10  }
0x1d: {  	s12 =	sadd.s32 $0x1000, s4;
	[dreg:$0x1a] =	wrdreg s11  }
0x1e: {  	s13 =	sadd.s32 $0x480, s4;
	[dreg:$0x1b] =	wrdreg s12  }
0x1f: {  	s1 =	sadd.s32 $0xE00, s4;
	[dreg:$0x1c] =	wrdreg s13  }
0x20: {  	s15 =	sadd.s32 s14, s6;
	[smem:$0x7E5] =	sst s1  }
0x21: {  	s6 =	sadd.s32 $0x14300, s4;
	[dreg:$0x6] =	wrdreg s15  }
0x22: {  	s8 =	smax.u32 s2, $0x1;
	[dreg:$0x14] =	wrdreg s6  }
0x23: {  	s14 =	sadd.s32 $0x880, s4;
	[dreg:$0x17] =	wrdreg s8  }
0x24: {  	s16 =	sadd.s32 $0x1080, s4;
	[dreg:$0x1d] =	wrdreg s14  }
0x25: {  	s17 =	sadd.s32 $0x500, s4;
	[dreg:$0x1f] =	wrdreg s16  }
0x26: {  	s18 =	sadd.s32 $0x900, s4;
	[smem:$0x7DB] =	sst s17  }
0x27: {  	s19 =	sadd.s32 $0xD00, s4;
	[smem:$0x7DC] =	sst s18  }
0x28: {  	s20 =	sadd.s32 $0x1100, s4;
	[smem:$0x7DD] =	sst s19  }
0x29: {  	s21 =	sadd.s32 $0x580, s4;
	[smem:$0x7DE] =	sst s20  }
0x2a: {  	s22 =	sadd.s32 $0x980, s4;
	[smem:$0x7DF] =	sst s21  }
0x2b: {  	s23 =	sadd.s32 $0xD80, s4;
	[smem:$0x7E0] =	sst s22  }
0x2c: {  	s24 =	sadd.s32 $0x1180, s4;
	[smem:$0x7E1] =	sst s23  }
0x2d: {  	s25 =	sadd.s32 $0x600, s4;
	[smem:$0x7E2] =	sst s24  }
0x2e: {  	s26 =	sadd.s32 $0xA00, s4;
	[smem:$0x7E3] =	sst s25  }
0x2f: {  	s2 =	sadd.s32 $0x1200, s4;
	[smem:$0x7E4] =	sst s26  }
0x30: {  	s3 =	sadd.s32 $0x680, s4;
	[smem:$0x7E6] =	sst s2  }
0x31: {  	s5 =	sadd.s32 $0xA80, s4;
	[smem:$0x7E7] =	sst s3  }
0x32: {  	s7 =	sadd.s32 $0x1280, s4;
	[smem:$0x7E8] =	sst s5  }
0x33: {  	s9 =	sadd.s32 $0xB00, s4;
	[smem:$0x7EA] =	sst s7  }
0x34: {  	s10 =	sadd.s32 $0xF00, s4;
	[smem:$0x7EC] =	sst s9  }
0x35: {  	s11 =	sadd.s32 $0x1300, s4;
	[smem:$0x7ED] =	sst s10  }
0x36: {  	s12 =	sadd.s32 $0x780, s4;
	[smem:$0x7EE] =	sst s11  }
0x37: {  	s13 =	sadd.s32 $0xB80, s4;
	[smem:$0x7EF] =	sst s12  }
0x38: {  	s15 =	sadd.s32 $0xC80, s4;
	[smem:$0x7F0] =	sst s13  }
0x39: {  	s6 =	sadd.s32 $0xE80, s4;
	[dreg:$0x1e] =	wrdreg s15  }
0x3a: {  	s8 =	sadd.s32 $0x700, s4;
	[smem:$0x7E9] =	sst s6  }
0x3b: {  	s14 =	sadd.s32 $0xF80, s4;
	[smem:$0x7EB] =	sst s8  }
0x3c: {  	s16 =	sadd.s32 $0x14400, s4;
	[smem:$0x7F1] =	sst s14  }
0x3d: {  	s29 =	simm.s32 $0x1;
	s17 =	sadd.s32 $0x14800, s4;
	[smem:$0x7F3] =	sst s16  }
0x3e: {  	s30 =	simm.s32 $0x5000;
	s18 =	sadd.s32 $0x14C00, s4;
	[smem:$0x7F4] =	sst s17  }
0x3f: {  	s31 =	simm.s32 $0x80;
	s19 =	sadd.s32 $0x15000, s4;
	[smem:$0x7F5] =	sst s18  }
0x40: {  	s28 =	sadd.s32 $0x15380, s4;
	s20 =	sadd.s32 $0x14480, s4;
	[smem:$0x7F6] =	sst s19  }
0x41: {  	s1 =	simm.s32 $0x0;
	s21 =	sadd.s32 $0x14880, s4;
	[smem:$0x7F7] =	sst s20  }
0x42: {  	s22 =	sadd.s32 $0x14C80, s4;
	s23 =	sadd.s32 $0x15080, s4;
	[smem:$0x7F8] =	sst s21  }
0x43: {  	s24 =	sadd.s32 $0x14500, s4;
	s25 =	sadd.s32 $0x14900, s4;
	[smem:$0x7F9] =	sst s22  }
0x44: {  	s26 =	sadd.s32 $0x14D00, s4;
	s7 =	sadd.s32 $0x15100, s4;
	[smem:$0x7FA] =	sst s23  }
0x45: {  	s9 =	sadd.s32 $0x14980, s4;
	s10 =	sadd.s32 $0x14D80, s4;
	[smem:$0x7FB] =	sst s24  }
0x46: {  	s11 =	sadd.s32 $0x15180, s4;
	s12 =	sadd.s32 $0x14600, s4;
	[smem:$0x7FC] =	sst s25  }
0x47: {  	s13 =	sadd.s32 $0x14A00, s4;
	s15 =	sadd.s32 $0x1380, s4;
	[smem:$0x7FD] =	sst s26  }
0x48: {  	s8 =	sadd.s32 $0x14580, s4;
	s14 =	sadd.s32 $0x14E00, s4;
	s16 =	sadd.s32 $0x14680, s4  }
0x49: {  	s17 =	sadd.s32 $0x14A80, s4;
	s18 =	sadd.s32 $0x14E80, s4;
	s19 =	sadd.s32 $0x15280, s4  }
0x4a: {  	s20 =	sadd.s32 $0x14700, s4;
	s21 =	sadd.s32 $0x14B00, s4;
	s22 =	sadd.s32 $0x14F00, s4  }
0x4b: {  	s23 =	sadd.s32 $0x15300, s4;
	s24 =	sadd.s32 $0x14780, s4;
	s25 =	sadd.s32 $0x14B80, s4  }
0x4c: {  	v0 =	vimm.f32 $0.0e+00;
	s26 =	sadd.s32 $0x14F80, s4;
	[smem:$0x7F2] =	sst s15;
	s15 =	sadd.s32 $0x15200, s4  }
.LBB2_1:
0x4d: {  	s0 =	simm.s32 $0x0;
	s2 =	rddreg [dreg:$0x4]  }
0x4e: {  	[tilespmem:s0], [sflag:$0x1] =	stream.linear.gather [hbm4b:s2+s0], $0x2800, $0x38;
	[tilespmem:$0xCA80] =	vst v63  }
0x4f: {  	_ =	swait.ge [sflag:s29], $0x2800  }
0x50: {  	[sflag:s29] =	ssyncset.done $0x0  }
0x51: {  	s3 =	simm.s32 $0x2800;
	s6 =	rddreg [dreg:$0x5];
	[sflag:s29] =	ssyncadd.s32 $0xFFFFD800  }
0x52: {  	[tilespmem:s3], [sflag:$0x1] =	stream.linear.gather [hbm4b:s6+s0], $0x2800, $0x38;
	[tilespmem:$0xCA80] =	vst v63  }
0x53: {  	_ =	swait.ge [sflag:s29], $0x2800  }
0x54: {  	[sflag:s29] =	ssyncset.done $0x0  }
0x55: {  	s0 =	simm.s32 $0x0;
	[sflag:s29] =	ssyncadd.s32 $0xFFFFD800  }
.LBB2_2:
0x56: {  	p0 =	sne.s32 s0, $0x9FC0  }
.Ltmp0:
0x57: {  	_ = 	snop;
	(pc) =	sbr.rel @p0 .LBB2_2-.Ltmp0, $3  }
0x58: {  	_ =	sdelay $0x1  }
0x59: {  	s2 =	sshra.s32 s0, $0x2  }
0x5a: {  	s0 =	sadd.s32 $0x40, s0;
	[tilespmem:s2+$0x5000] =	vst v0  }
0x5b: {  	s2 =	simm.s32 $0x0;
	s0 =	simm.s32 $0x40  }
.LBB2_4:
0x5c: {  	p0 =	sne.s32 s0, $0x9FC0;
	v1 =	vld [tilespmem:s2+$0x0];
	_ =	sdelay $0x2  }
0x5d: {  	v2 =	vld [tilespmem:s2+$0x2800]  }
.Ltmp1:
0x5e: {  	(pc) =	sbr.rel @p0 .LBB2_4-.Ltmp1, $2  }
0x5f: {  	_ =	sdelay $0x2  }
0x60: {  	s2 =	sshra.s32 s0, $0x2;
	s0 =	sadd.s32 $0x40, s0;
	[tilespmem:v1+s30+$0x0] =	vst.idx.add.f32.msk $0xffff, v2  }
0x61: {  	v1 =	vld [tilespmem:s2+$0x0];
	_ =	sdelay $0x2  }
0x62: {  	v2 =	vld [tilespmem:s2+$0x2800];
	_ =	sdelay $0x4  }
0x63: {  	s0 =	rddreg [dreg:$0x6];
	s6 =	simm.s32 $0x400;
	[tilespmem:v1+s30+$0x0] =	vst.idx.add.f32.msk $0xffff, v2  }
0x64: {  	[spmem:s0] =	stream.strided.scatter [tilespmem:s30], [sflag:$0x1], $0x2800, s6, s31, $0x38;
	[tilespmem:$0xCA80] =	vst v63  }
0x65: {  	_ =	swait.ge [sflag:s29], $0x2800  }
0x66: {  	[sflag:s29] =	ssyncset.done $0x0  }
0x67: {  	[sflag:s29] =	ssyncadd.s32 $0xFFFFD800  }
0x68: {  	s3 =	simm.s32 $0x7800;
	[bflag:$0x0] =	sbarrier.arrive $0xFFFF  }
0x69: {  	[tilespmem:s3], [sflag:$0x1] =	stream.linear.gather [spmem:s4], $0x80, $0x38;
	[tilespmem:$0xCA80] =	vst v63  }
0x6a: {  	s6 =	simm.s32 $0x7C00;
	s5 =	rddreg [dreg:$0x18]  }
0x6b: {  	[tilespmem:s6], [sflag:$0x1] =	stream.linear.gather [spmem:s5], $0x80, $0x38;
	[tilespmem:$0xCA80] =	vst v63  }
0x6c: {  	s2 =	rddreg [dreg:$0x19];
	s3 =	simm.s32 $0x8000  }
0x6d: {  	[tilespmem:s3], [sflag:$0x1] =	stream.linear.gather [spmem:s2], $0x80, $0x38;
	[tilespmem:$0xCA80] =	vst v63  }
0x6e: {  	s5 =	rddreg [dreg:$0x1a];
	s6 =	simm.s32 $0x8400  }
0x6f: {  	[tilespmem:s6], [sflag:$0x1] =	stream.linear.gather [spmem:s5], $0x80, $0x38;
	[tilespmem:$0xCA80] =	vst v63  }
0x70: {  	s2 =	rddreg [dreg:$0x1b];
	s3 =	simm.s32 $0x8800  }
0x71: {  	[tilespmem:s3], [sflag:$0x1] =	stream.linear.gather [spmem:s2], $0x80, $0x38;
	[tilespmem:$0xCA80] =	vst v63  }
0x72: {  	_ =	swait.ge [sflag:s29], $0x280  }
0x73: {  	[sflag:s29] =	ssyncset.done $0x0  }
0x74: {  	s6 =	simm.s32 $0x7880;
	s5 =	rddreg [dreg:$0x7];
	[sflag:s29] =	ssyncadd.s32 $0xFFFFFD80  }
0x75: {  	[tilespmem:s6], [sflag:$0x1] =	stream.linear.gather [spmem:s5], $0x80, $0x38;
	[tilespmem:$0xCA80] =	vst v63  }
0x76: {  	s3 =	simm.s32 $0x7C80;
	s2 =	rddreg [dreg:$0x1c]  }
0x77: {  	[tilespmem:s3], [sflag:$0x1] =	stream.linear.gather [spmem:s2], $0x80, $0x38;
	[tilespmem:$0xCA80] =	vst v63  }
0x78: {  	s5 =	rddreg [dreg:$0x1d];
	s6 =	simm.s32 $0x8080  }
0x79: {  	[tilespmem:s6], [sflag:$0x1] =	stream.linear.gather [spmem:s5], $0x80, $0x38;
	[tilespmem:$0xCA80] =	vst v63  }
0x7a: {  	s2 =	rddreg [dreg:$0x1e];
	s3 =	simm.s32 $0x8480  }
0x7b: {  	[tilespmem:s3], [sflag:$0x1] =	stream.linear.gather [spmem:s2], $0x80, $0x38;
	[tilespmem:$0xCA80] =	vst v63  }
0x7c: {  	s5 =	rddreg [dreg:$0x1f];
	s6 =	simm.s32 $0x8880  }
0x7d: {  	[tilespmem:s6], [sflag:$0x1] =	stream.linear.gather [spmem:s5], $0x80, $0x38;
	[tilespmem:$0xCA80] =	vst v63  }
0x7e: {  	_ =	swait.ge [sflag:s29], $0x280  }
0x7f: {  	[sflag:s29] =	ssyncset.done $0x0;
	s2 =	rddreg [dreg:$0x8]  }
0x80: {  	s3 =	simm.s32 $0x7900;
	s5 =	sld [smem:$0x7DB];
	[sflag:s29] =	ssyncadd.s32 $0xFFFFFD80  }
0x81: {  	[tilespmem:s3], [sflag:$0x1] =	stream.linear.gather [spmem:s2], $0x80, $0x38;
	[tilespmem:$0xCA80] =	vst v63  }
0x82: {  	s6 =	simm.s32 $0x7D00;
	s2 =	sld [smem:$0x7DC]  }
0x83: {  	[tilespmem:s6], [sflag:$0x1] =	stream.linear.gather [spmem:s5], $0x80, $0x38;
	[tilespmem:$0xCA80] =	vst v63  }
0x84: {  	s3 =	simm.s32 $0x8100;
	s5 =	sld [smem:$0x7DD]  }
0x85: {  	[tilespmem:s3], [sflag:$0x1] =	stream.linear.gather [spmem:s2], $0x80, $0x38;
	[tilespmem:$0xCA80] =	vst v63  }
0x86: {  	s6 =	simm.s32 $0x8500;
	s2 =	sld [smem:$0x7DE]  }
0x87: {  	[tilespmem:s6], [sflag:$0x1] =	stream.linear.gather [spmem:s5], $0x80, $0x38;
	[tilespmem:$0xCA80] =	vst v63  }
0x88: {  	s3 =	simm.s32 $0x8900  }
0x89: {  	[tilespmem:s3], [sflag:$0x1] =	stream.linear.gather [spmem:s2], $0x80, $0x38;
	[tilespmem:$0xCA80] =	vst v63  }
0x8a: {  	_ =	swait.ge [sflag:s29], $0x280  }
0x8b: {  	[sflag:s29] =	ssyncset.done $0x0;
	s5 =	rddreg [dreg:$0x9]  }
0x8c: {  	s6 =	simm.s32 $0x7980;
	s2 =	sld [smem:$0x7DF];
	[sflag:s29] =	ssyncadd.s32 $0xFFFFFD80  }
0x8d: {  	[tilespmem:s6], [sflag:$0x1] =	stream.linear.gather [spmem:s5], $0x80, $0x38;
	[tilespmem:$0xCA80] =	vst v63  }
0x8e: {  	s3 =	simm.s32 $0x7D80;
	s5 =	sld [smem:$0x7E0]  }
0x8f: {  	[tilespmem:s3], [sflag:$0x1] =	stream.linear.gather [spmem:s2], $0x80, $0x38;
	[tilespmem:$0xCA80] =	vst v63  }
0x90: {  	s6 =	simm.s32 $0x8180;
	s2 =	sld [smem:$0x7E1]  }
0x91: {  	[tilespmem:s6], [sflag:$0x1] =	stream.linear.gather [spmem:s5], $0x80, $0x38;
	[tilespmem:$0xCA80] =	vst v63  }
0x92: {  	s3 =	simm.s32 $0x8580;
	s5 =	sld [smem:$0x7E2]  }
0x93: {  	[tilespmem:s3], [sflag:$0x1] =	stream.linear.gather [spmem:s2], $0x80, $0x38;
	[tilespmem:$0xCA80] =	vst v63  }
0x94: {  	s6 =	simm.s32 $0x8980  }
0x95: {  	[tilespmem:s6], [sflag:$0x1] =	stream.linear.gather [spmem:s5], $0x80, $0x38;
	[tilespmem:$0xCA80] =	vst v63  }
0x96: {  	_ =	swait.ge [sflag:s29], $0x280  }
0x97: {  	[sflag:s29] =	ssyncset.done $0x0;
	s2 =	rddreg [dreg:$0xa]  }
0x98: {  	s3 =	simm.s32 $0x7A00;
	s5 =	sld [smem:$0x7E3];
	[sflag:s29] =	ssyncadd.s32 $0xFFFFFD80  }
0x99: {  	[tilespmem:s3], [sflag:$0x1] =	stream.linear.gather [spmem:s2], $0x80, $0x38;
	[tilespmem:$0xCA80] =	vst v63  }
0x9a: {  	s6 =	simm.s32 $0x7E00;
	s2 =	sld [smem:$0x7E4]  }
0x9b: {  	[tilespmem:s6], [sflag:$0x1] =	stream.linear.gather [spmem:s5], $0x80, $0x38;
	[tilespmem:$0xCA80] =	vst v63  }
0x9c: {  	s3 =	simm.s32 $0x8200;
	s5 =	sld [smem:$0x7E5]  }
0x9d: {  	[tilespmem:s3], [sflag:$0x1] =	stream.linear.gather [spmem:s2], $0x80, $0x38;
	[tilespmem:$0xCA80] =	vst v63  }
0x9e: {  	s6 =	simm.s32 $0x8600;
	s2 =	sld [smem:$0x7E6]  }
0x9f: {  	[tilespmem:s6], [sflag:$0x1] =	stream.linear.gather [spmem:s5], $0x80, $0x38;
	[tilespmem:$0xCA80] =	vst v63  }
0xa0: {  	s3 =	simm.s32 $0x8A00  }
0xa1: {  	[tilespmem:s3], [sflag:$0x1] =	stream.linear.gather [spmem:s2], $0x80, $0x38;
	[tilespmem:$0xCA80] =	vst v63  }
0xa2: {  	_ =	swait.ge [sflag:s29], $0x280  }
0xa3: {  	[sflag:s29] =	ssyncset.done $0x0;
	s5 =	rddreg [dreg:$0xb]  }
0xa4: {  	s6 =	simm.s32 $0x7A80;
	s2 =	sld [smem:$0x7E7];
	[sflag:s29] =	ssyncadd.s32 $0xFFFFFD80  }
0xa5: {  	[tilespmem:s6], [sflag:$0x1] =	stream.linear.gather [spmem:s5], $0x80, $0x38;
	[tilespmem:$0xCA80] =	vst v63  }
0xa6: {  	s3 =	simm.s32 $0x7E80;
	s5 =	sld [smem:$0x7E8]  }
0xa7: {  	[tilespmem:s3], [sflag:$0x1] =	stream.linear.gather [spmem:s2], $0x80, $0x38;
	[tilespmem:$0xCA80] =	vst v63  }
0xa8: {  	s6 =	simm.s32 $0x8280;
	s2 =	sld [smem:$0x7E9]  }
0xa9: {  	[tilespmem:s6], [sflag:$0x1] =	stream.linear.gather [spmem:s5], $0x80, $0x38;
	[tilespmem:$0xCA80] =	vst v63  }
0xaa: {  	s3 =	simm.s32 $0x8680;
	s5 =	sld [smem:$0x7EA]  }
0xab: {  	[tilespmem:s3], [sflag:$0x1] =	stream.linear.gather [spmem:s2], $0x80, $0x38;
	[tilespmem:$0xCA80] =	vst v63  }
0xac: {  	s6 =	simm.s32 $0x8A80  }
0xad: {  	[tilespmem:s6], [sflag:$0x1] =	stream.linear.gather [spmem:s5], $0x80, $0x38;
	[tilespmem:$0xCA80] =	vst v63  }
0xae: {  	_ =	swait.ge [sflag:s29], $0x280  }
0xaf: {  	[sflag:s29] =	ssyncset.done $0x0;
	s2 =	rddreg [dreg:$0xc]  }
0xb0: {  	s3 =	simm.s32 $0x7B00;
	s5 =	sld [smem:$0x7EB];
	[sflag:s29] =	ssyncadd.s32 $0xFFFFFD80  }
0xb1: {  	[tilespmem:s3], [sflag:$0x1] =	stream.linear.gather [spmem:s2], $0x80, $0x38;
	[tilespmem:$0xCA80] =	vst v63  }
0xb2: {  	s6 =	simm.s32 $0x7F00;
	s2 =	sld [smem:$0x7EC]  }
0xb3: {  	[tilespmem:s6], [sflag:$0x1] =	stream.linear.gather [spmem:s5], $0x80, $0x38;
	[tilespmem:$0xCA80] =	vst v63  }
0xb4: {  	s3 =	simm.s32 $0x8300;
	s5 =	sld [smem:$0x7ED]  }
0xb5: {  	[tilespmem:s3], [sflag:$0x1] =	stream.linear.gather [spmem:s2], $0x80, $0x38;
	[tilespmem:$0xCA80] =	vst v63  }
0xb6: {  	s6 =	simm.s32 $0x8700;
	s2 =	sld [smem:$0x7EE]  }
0xb7: {  	[tilespmem:s6], [sflag:$0x1] =	stream.linear.gather [spmem:s5], $0x80, $0x38;
	[tilespmem:$0xCA80] =	vst v63  }
0xb8: {  	s3 =	simm.s32 $0x8B00  }
0xb9: {  	[tilespmem:s3], [sflag:$0x1] =	stream.linear.gather [spmem:s2], $0x80, $0x38;
	[tilespmem:$0xCA80] =	vst v63  }
0xba: {  	_ =	swait.ge [sflag:s29], $0x280  }
0xbb: {  	[sflag:s29] =	ssyncset.done $0x0;
	s5 =	rddreg [dreg:$0xd]  }
0xbc: {  	s6 =	simm.s32 $0x7B80;
	s2 =	sld [smem:$0x7EF];
	[sflag:s29] =	ssyncadd.s32 $0xFFFFFD80  }
0xbd: {  	[tilespmem:s6], [sflag:$0x1] =	stream.linear.gather [spmem:s5], $0x80, $0x38;
	[tilespmem:$0xCA80] =	vst v63  }
0xbe: {  	s3 =	simm.s32 $0x7F80;
	s5 =	sld [smem:$0x7F0]  }
0xbf: {  	[tilespmem:s3], [sflag:$0x1] =	stream.linear.gather [spmem:s2], $0x80, $0x38;
	[tilespmem:$0xCA80] =	vst v63  }
0xc0: {  	s6 =	simm.s32 $0x8380;
	s2 =	sld [smem:$0x7F1]  }
0xc1: {  	[tilespmem:s6], [sflag:$0x1] =	stream.linear.gather [spmem:s5], $0x80, $0x38;
	[tilespmem:$0xCA80] =	vst v63  }
0xc2: {  	s3 =	simm.s32 $0x8780;
	s5 =	sld [smem:$0x7F2]  }
0xc3: {  	[tilespmem:s3], [sflag:$0x1] =	stream.linear.gather [spmem:s2], $0x80, $0x38;
	[tilespmem:$0xCA80] =	vst v63  }
0xc4: {  	s6 =	simm.s32 $0x8B80  }
0xc5: {  	[tilespmem:s6], [sflag:$0x1] =	stream.linear.gather [spmem:s5], $0x80, $0x38;
	[tilespmem:$0xCA80] =	vst v63  }
0xc6: {  	_ =	swait.ge [sflag:s29], $0x280  }
0xc7: {  	[sflag:s29] =	ssyncset.done $0x0;
	s2 =	rddreg [dreg:$0xe]  }
0xc8: {  	s3 =	simm.s32 $0x8C00;
	s5 =	sld [smem:$0x7F3];
	[sflag:s29] =	ssyncadd.s32 $0xFFFFFD80  }
0xc9: {  	[tilespmem:s3], [sflag:$0x1] =	stream.linear.gather [spmem:s2], $0x80, $0x38;
	[tilespmem:$0xCA80] =	vst v63  }
0xca: {  	s6 =	simm.s32 $0x9000;
	s2 =	sld [smem:$0x7F4]  }
0xcb: {  	[tilespmem:s6], [sflag:$0x1] =	stream.linear.gather [spmem:s5], $0x80, $0x38;
	[tilespmem:$0xCA80] =	vst v63  }
0xcc: {  	s3 =	simm.s32 $0x9400;
	s5 =	sld [smem:$0x7F5]  }
0xcd: {  	[tilespmem:s3], [sflag:$0x1] =	stream.linear.gather [spmem:s2], $0x80, $0x38;
	[tilespmem:$0xCA80] =	vst v63  }
0xce: {  	s6 =	simm.s32 $0x9800;
	s2 =	sld [smem:$0x7F6]  }
0xcf: {  	[tilespmem:s6], [sflag:$0x1] =	stream.linear.gather [spmem:s5], $0x80, $0x38;
	[tilespmem:$0xCA80] =	vst v63  }
0xd0: {  	s3 =	simm.s32 $0x9C00  }
0xd1: {  	[tilespmem:s3], [sflag:$0x1] =	stream.linear.gather [spmem:s2], $0x80, $0x38;
	[tilespmem:$0xCA80] =	vst v63  }
0xd2: {  	_ =	swait.ge [sflag:s29], $0x280  }
0xd3: {  	[sflag:s29] =	ssyncset.done $0x0;
	s5 =	rddreg [dreg:$0xf]  }
0xd4: {  	s6 =	simm.s32 $0x8C80;
	s2 =	sld [smem:$0x7F7];
	[sflag:s29] =	ssyncadd.s32 $0xFFFFFD80  }
0xd5: {  	[tilespmem:s6], [sflag:$0x1] =	stream.linear.gather [spmem:s5], $0x80, $0x38;
	[tilespmem:$0xCA80] =	vst v63  }
0xd6: {  	s3 =	simm.s32 $0x9080;
	s5 =	sld [smem:$0x7F8]  }
0xd7: {  	[tilespmem:s3], [sflag:$0x1] =	stream.linear.gather [spmem:s2], $0x80, $0x38;
	[tilespmem:$0xCA80] =	vst v63  }
0xd8: {  	s6 =	simm.s32 $0x9480;
	s2 =	sld [smem:$0x7F9]  }
0xd9: {  	[tilespmem:s6], [sflag:$0x1] =	stream.linear.gather [spmem:s5], $0x80, $0x38;
	[tilespmem:$0xCA80] =	vst v63  }
0xda: {  	s3 =	simm.s32 $0x9880;
	s5 =	sld [smem:$0x7FA]  }
0xdb: {  	[tilespmem:s3], [sflag:$0x1] =	stream.linear.gather [spmem:s2], $0x80, $0x38;
	[tilespmem:$0xCA80] =	vst v63  }
0xdc: {  	s6 =	simm.s32 $0x9C80  }
0xdd: {  	[tilespmem:s6], [sflag:$0x1] =	stream.linear.gather [spmem:s5], $0x80, $0x38;
	[tilespmem:$0xCA80] =	vst v63  }
0xde: {  	_ =	swait.ge [sflag:s29], $0x280  }
0xdf: {  	[sflag:s29] =	ssyncset.done $0x0;
	s2 =	rddreg [dreg:$0x10]  }
0xe0: {  	s3 =	simm.s32 $0x8D00;
	s5 =	sld [smem:$0x7FB];
	[sflag:s29] =	ssyncadd.s32 $0xFFFFFD80  }
0xe1: {  	[tilespmem:s3], [sflag:$0x1] =	stream.linear.gather [spmem:s2], $0x80, $0x38;
	[tilespmem:$0xCA80] =	vst v63  }
0xe2: {  	s6 =	simm.s32 $0x9100;
	s2 =	sld [smem:$0x7FC]  }
0xe3: {  	[tilespmem:s6], [sflag:$0x1] =	stream.linear.gather [spmem:s5], $0x80, $0x38;
	[tilespmem:$0xCA80] =	vst v63  }
0xe4: {  	s3 =	simm.s32 $0x9500;
	s5 =	sld [smem:$0x7FD]  }
0xe5: {  	[tilespmem:s3], [sflag:$0x1] =	stream.linear.gather [spmem:s2], $0x80, $0x38;
	[tilespmem:$0xCA80] =	vst v63  }
0xe6: {  	s6 =	simm.s32 $0x9900  }
0xe7: {  	[tilespmem:s6], [sflag:$0x1] =	stream.linear.gather [spmem:s5], $0x80, $0x38;
	[tilespmem:$0xCA80] =	vst v63  }
0xe8: {  	s3 =	simm.s32 $0x9D00  }
0xe9: {  	[tilespmem:s3], [sflag:$0x1] =	stream.linear.gather [spmem:s7], $0x80, $0x38;
	[tilespmem:$0xCA80] =	vst v63  }
0xea: {  	_ =	swait.ge [sflag:s29], $0x280  }
0xeb: {  	[sflag:s29] =	ssyncset.done $0x0  }
0xec: {  	s6 =	simm.s32 $0x8D80;
	s5 =	rddreg [dreg:$0x11];
	[sflag:s29] =	ssyncadd.s32 $0xFFFFFD80  }
0xed: {  	[tilespmem:s6], [sflag:$0x1] =	stream.linear.gather [spmem:s5], $0x80, $0x38;
	[tilespmem:$0xCA80] =	vst v63  }
0xee: {  	s2 =	simm.s32 $0x9180  }
0xef: {  	[tilespmem:s2], [sflag:$0x1] =	stream.linear.gather [spmem:s8], $0x80, $0x38;
	[tilespmem:$0xCA80] =	vst v63  }
0xf0: {  	s3 =	simm.s32 $0x9580  }
0xf1: {  	[tilespmem:s3], [sflag:$0x1] =	stream.linear.gather [spmem:s9], $0x80, $0x38;
	[tilespmem:$0xCA80] =	vst v63  }
0xf2: {  	s5 =	simm.s32 $0x9980  }
0xf3: {  	[tilespmem:s5], [sflag:$0x1] =	stream.linear.gather [spmem:s10], $0x80, $0x38;
	[tilespmem:$0xCA80] =	vst v63  }
0xf4: {  	s6 =	simm.s32 $0x9D80  }
0xf5: {  	[tilespmem:s6], [sflag:$0x1] =	stream.linear.gather [spmem:s11], $0x80, $0x38;
	[tilespmem:$0xCA80] =	vst v63  }
0xf6: {  	_ =	swait.ge [sflag:s29], $0x280  }
0xf7: {  	[sflag:s29] =	ssyncset.done $0x0  }
0xf8: {  	s3 =	simm.s32 $0x8E00;
	s2 =	rddreg [dreg:$0x12];
	[sflag:s29] =	ssyncadd.s32 $0xFFFFFD80  }
0xf9: {  	[tilespmem:s3], [sflag:$0x1] =	stream.linear.gather [spmem:s2], $0x80, $0x38;
	[tilespmem:$0xCA80] =	vst v63  }
0xfa: {  	s5 =	simm.s32 $0x9200  }
0xfb: {  	[tilespmem:s5], [sflag:$0x1] =	stream.linear.gather [spmem:s12], $0x80, $0x38;
	[tilespmem:$0xCA80] =	vst v63  }
0xfc: {  	s6 =	simm.s32 $0x9600  }
0xfd: {  	[tilespmem:s6], [sflag:$0x1] =	stream.linear.gather [spmem:s13], $0x80, $0x38;
	[tilespmem:$0xCA80] =	vst v63  }
0xfe: {  	s2 =	simm.s32 $0x9A00  }
0xff: {  	[tilespmem:s2], [sflag:$0x1] =	stream.linear.gather [spmem:s14], $0x80, $0x38;
	[tilespmem:$0xCA80] =	vst v63  }
0x100: {  	s3 =	simm.s32 $0x9E00  }
0x101: {  	[tilespmem:s3], [sflag:$0x1] =	stream.linear.gather [spmem:s15], $0x80, $0x38;
	[tilespmem:$0xCA80] =	vst v63  }
0x102: {  	_ =	swait.ge [sflag:s29], $0x280  }
0x103: {  	[sflag:s29] =	ssyncset.done $0x0  }
0x104: {  	s6 =	simm.s32 $0x8E80;
	s5 =	rddreg [dreg:$0x13];
	[sflag:s29] =	ssyncadd.s32 $0xFFFFFD80  }
0x105: {  	[tilespmem:s6], [sflag:$0x1] =	stream.linear.gather [spmem:s5], $0x80, $0x38;
	[tilespmem:$0xCA80] =	vst v63  }
0x106: {  	s2 =	simm.s32 $0x9280  }
0x107: {  	[tilespmem:s2], [sflag:$0x1] =	stream.linear.gather [spmem:s16], $0x80, $0x38;
	[tilespmem:$0xCA80] =	vst v63  }
0x108: {  	s3 =	simm.s32 $0x9680  }
0x109: {  	[tilespmem:s3], [sflag:$0x1] =	stream.linear.gather [spmem:s17], $0x80, $0x38;
	[tilespmem:$0xCA80] =	vst v63  }
0x10a: {  	s5 =	simm.s32 $0x9A80  }
0x10b: {  	[tilespmem:s5], [sflag:$0x1] =	stream.linear.gather [spmem:s18], $0x80, $0x38;
	[tilespmem:$0xCA80] =	vst v63  }
0x10c: {  	s6 =	simm.s32 $0x9E80  }
0x10d: {  	[tilespmem:s6], [sflag:$0x1] =	stream.linear.gather [spmem:s19], $0x80, $0x38;
	[tilespmem:$0xCA80] =	vst v63  }
0x10e: {  	_ =	swait.ge [sflag:s29], $0x280  }
0x10f: {  	[sflag:s29] =	ssyncset.done $0x0  }
0x110: {  	s3 =	simm.s32 $0x8F00;
	s2 =	rddreg [dreg:$0x14];
	[sflag:s29] =	ssyncadd.s32 $0xFFFFFD80  }
0x111: {  	[tilespmem:s3], [sflag:$0x1] =	stream.linear.gather [spmem:s2], $0x80, $0x38;
	[tilespmem:$0xCA80] =	vst v63  }
0x112: {  	s5 =	simm.s32 $0x9300  }
0x113: {  	[tilespmem:s5], [sflag:$0x1] =	stream.linear.gather [spmem:s20], $0x80, $0x38;
	[tilespmem:$0xCA80] =	vst v63  }
0x114: {  	s6 =	simm.s32 $0x9700  }
0x115: {  	[tilespmem:s6], [sflag:$0x1] =	stream.linear.gather [spmem:s21], $0x80, $0x38;
	[tilespmem:$0xCA80] =	vst v63  }
0x116: {  	s2 =	simm.s32 $0x9B00  }
0x117: {  	[tilespmem:s2], [sflag:$0x1] =	stream.linear.gather [spmem:s22], $0x80, $0x38;
	[tilespmem:$0xCA80] =	vst v63  }
0x118: {  	s3 =	simm.s32 $0x9F00  }
0x119: {  	[tilespmem:s3], [sflag:$0x1] =	stream.linear.gather [spmem:s23], $0x80, $0x38;
	[tilespmem:$0xCA80] =	vst v63  }
0x11a: {  	_ =	swait.ge [sflag:s29], $0x280  }
0x11b: {  	[sflag:s29] =	ssyncset.done $0x0  }
0x11c: {  	s6 =	simm.s32 $0x8F80;
	s5 =	rddreg [dreg:$0x15];
	[sflag:s29] =	ssyncadd.s32 $0xFFFFFD80  }
0x11d: {  	[tilespmem:s6], [sflag:$0x1] =	stream.linear.gather [spmem:s5], $0x80, $0x38;
	[tilespmem:$0xCA80] =	vst v63  }
0x11e: {  	s3 =	simm.s32 $0x9380  }
0x11f: {  	[tilespmem:s3], [sflag:$0x1] =	stream.linear.gather [spmem:s24], $0x80, $0x38;
	[tilespmem:$0xCA80] =	vst v63  }
0x120: {  	s5 =	simm.s32 $0x9780  }
0x121: {  	[tilespmem:s5], [sflag:$0x1] =	stream.linear.gather [spmem:s25], $0x80, $0x38;
	[tilespmem:$0xCA80] =	vst v63  }
0x122: {  	s6 =	simm.s32 $0x9B80  }
0x123: {  	[tilespmem:s6], [sflag:$0x1] =	stream.linear.gather [spmem:s26], $0x80, $0x38;
	[tilespmem:$0xCA80] =	vst v63  }
0x124: {  	s2 =	simm.s32 $0x9F80  }
0x125: {  	[tilespmem:s2], [sflag:$0x1] =	stream.linear.gather [spmem:s28], $0x80, $0x38;
	[tilespmem:$0xCA80] =	vst v63  }
0x126: {  	s3 =	simm.s32 $0x0;
	_ =	swait.ge [sflag:s29], $0x280  }
0x127: {  	s0 =	sand.u32 $0x1C00, s3;
	s5 =	sand.u32 $0x70, s3;
	[sflag:s29] =	ssyncset.done $0x0  }
0x128: {  	s0 =	sor.u32 s5, s0;
	[sflag:s29] =	ssyncadd.s32 $0xFFFFFD80  }
0x129: {  	v1 =	vld [tilespmem:s0+$0x7880]  }
0x12a: {  	v2 =	vld [tilespmem:s0+$0x7800];
	_ =	sdelay $0x1  }
0x12b: {  	v3 =	vld [tilespmem:s0+$0x7900];
	_ =	sdelay $0x1  }
0x12c: {  	v4 =	vld [tilespmem:s0+$0x7980]  }
0x12d: {  	v1 =	vadd.f32 v1, v2  }
0x12e: {  	v2 =	vld [tilespmem:s0+$0x7A00]  }
0x12f: {  	v1 =	vadd.f32 v3, v1  }
0x130: {  	v3 =	vld [tilespmem:s0+$0x7A80]  }
0x131: {  	v1 =	vadd.f32 v4, v1  }
0x132: {  	v60 =	vld [tilespmem:s0+$0x7B00]  }
0x133: {  	v1 =	vadd.f32 v2, v1  }
0x134: {  	v2 =	vld [tilespmem:s0+$0x7B80]  }
0x135: {  	v1 =	vadd.f32 v3, v1  }
0x136: {  	v3 =	vld [tilespmem:s0+$0x8C00]  }
0x137: {  	v1 =	vadd.f32 v60, v1  }
0x138: {  	v61 =	vld [tilespmem:s0+$0x8C80]  }
0x139: {  	v1 =	vadd.f32 v2, v1  }
0x13a: {  	v2 =	vld [tilespmem:s0+$0x8D00]  }
0x13b: {  	v1 =	vadd.f32 v3, v1  }
0x13c: {  	v3 =	vld [tilespmem:s0+$0x8D80]  }
0x13d: {  	v1 =	vadd.f32 v61, v1  }
0x13e: {  	v62 =	vld [tilespmem:s0+$0x8E00]  }
0x13f: {  	v1 =	vadd.f32 v2, v1  }
0x140: {  	v2 =	vld [tilespmem:s0+$0x8E80]  }
0x141: {  	v1 =	vadd.f32 v3, v1  }
0x142: {  	v3 =	vld [tilespmem:s0+$0x8F00]  }
0x143: {  	v1 =	vadd.f32 v62, v1  }
0x144: {  	v63 =	vld [tilespmem:s0+$0x8F80]  }
0x145: {  	v1 =	vadd.f32 v2, v1;
	_ =	sdelay $0x1  }
0x146: {  	v1 =	vadd.f32 v3, v1;
	_ =	sdelay $0x1  }
0x147: {  	s3 =	simm.s32 $0x80;
	s6 =	simm.s32 $0x10;
	v1 =	vadd.f32 v63, v1  }
0x148: {  	s5 =	sand.u32 $0x1C00, s3;
	s2 =	sand.u32 $0x70, s6;
	s0 =	simm.s32 $0xA000  }
0x149: {  	s2 =	sor.u32 s2, s5;
	s5 =	simm.s32 $0x20;
	[tilespmem:s0+$0x0] =	vst v1  }
.LBB2_6:
0x14a: {  	p0 =	sne.s32 s5, $0x270;
	v1 =	vld [tilespmem:s2+$0x7880]  }
0x14b: {  	v2 =	vld [tilespmem:s2+$0x7800];
	_ =	sdelay $0x1  }
0x14c: {  	v3 =	vld [tilespmem:s2+$0x7900];
	_ =	sdelay $0x1  }
0x14d: {  	v4 =	vld [tilespmem:s2+$0x7980]  }
0x14e: {  	v1 =	vadd.f32 v1, v2  }
0x14f: {  	v2 =	vld [tilespmem:s2+$0x7A00]  }
0x150: {  	v1 =	vadd.f32 v3, v1  }
0x151: {  	v3 =	vld [tilespmem:s2+$0x7A80]  }
0x152: {  	v1 =	vadd.f32 v4, v1  }
0x153: {  	v4 =	vld [tilespmem:s2+$0x7B00]  }
0x154: {  	v1 =	vadd.f32 v2, v1  }
0x155: {  	v2 =	vld [tilespmem:s2+$0x7B80]  }
0x156: {  	v1 =	vadd.f32 v3, v1  }
0x157: {  	v3 =	vld [tilespmem:s2+$0x8C00]  }
0x158: {  	v1 =	vadd.f32 v4, v1  }
0x159: {  	v4 =	vld [tilespmem:s2+$0x8C80]  }
0x15a: {  	v1 =	vadd.f32 v2, v1  }
0x15b: {  	v2 =	vld [tilespmem:s2+$0x8D00]  }
0x15c: {  	v1 =	vadd.f32 v3, v1  }
0x15d: {  	v3 =	vld [tilespmem:s2+$0x8D80]  }
0x15e: {  	v1 =	vadd.f32 v4, v1  }
0x15f: {  	v4 =	vld [tilespmem:s2+$0x8E00]  }
0x160: {  	v1 =	vadd.f32 v2, v1  }
0x161: {  	v2 =	vld [tilespmem:s2+$0x8E80]  }
0x162: {  	v1 =	vadd.f32 v3, v1  }
0x163: {  	v3 =	vld [tilespmem:s2+$0x8F00]  }
0x164: {  	v1 =	vadd.f32 v4, v1  }
0x165: {  	v4 =	vld [tilespmem:s2+$0x8F80]  }
0x166: {  	v1 =	vadd.f32 v2, v1;
	_ =	sdelay $0x1  }
.Ltmp2:
0x167: {  	v1 =	vadd.f32 v3, v1;
	(pc) =	sbr.rel @p0 .LBB2_6-.Ltmp2, $4  }
0x168: {  	_ = 	snop  }
0x169: {  	s3 =	sadd.s32 $0x80, s3;
	v1 =	vadd.f32 v4, v1  }
0x16a: {  	s0 =	sadd.s32 $0x10, s0;
	s6 =	sand.u32 $0x1C00, s3;
	s2 =	sand.u32 $0x70, s5  }
0x16b: {  	s5 =	sadd.s32 $0x10, s5;
	s2 =	sor.u32 s2, s6;
	[tilespmem:s0+$0x0] =	vst v1  }
0x16c: {  	v1 =	vld [tilespmem:s2+$0x7880]  }
0x16d: {  	v2 =	vld [tilespmem:s2+$0x7800];
	_ =	sdelay $0x1  }
0x16e: {  	v3 =	vld [tilespmem:s2+$0x7900];
	_ =	sdelay $0x1  }
0x16f: {  	v4 =	vld [tilespmem:s2+$0x7980]  }
0x170: {  	v1 =	vadd.f32 v1, v2  }
0x171: {  	v2 =	vld [tilespmem:s2+$0x7A00]  }
0x172: {  	v1 =	vadd.f32 v3, v1  }
0x173: {  	v3 =	vld [tilespmem:s2+$0x7A80]  }
0x174: {  	v1 =	vadd.f32 v4, v1  }
0x175: {  	v60 =	vld [tilespmem:s2+$0x7B00]  }
0x176: {  	v1 =	vadd.f32 v2, v1  }
0x177: {  	v2 =	vld [tilespmem:s2+$0x7B80]  }
0x178: {  	v1 =	vadd.f32 v3, v1  }
0x179: {  	v3 =	vld [tilespmem:s2+$0x8C00]  }
0x17a: {  	v1 =	vadd.f32 v60, v1  }
0x17b: {  	v61 =	vld [tilespmem:s2+$0x8C80]  }
0x17c: {  	v1 =	vadd.f32 v2, v1  }
0x17d: {  	v2 =	vld [tilespmem:s2+$0x8D00]  }
0x17e: {  	v1 =	vadd.f32 v3, v1  }
0x17f: {  	v3 =	vld [tilespmem:s2+$0x8D80]  }
0x180: {  	v1 =	vadd.f32 v61, v1  }
0x181: {  	v62 =	vld [tilespmem:s2+$0x8E00]  }
0x182: {  	v1 =	vadd.f32 v2, v1  }
0x183: {  	v2 =	vld [tilespmem:s2+$0x8E80]  }
0x184: {  	v1 =	vadd.f32 v3, v1  }
0x185: {  	v3 =	vld [tilespmem:s2+$0x8F00]  }
0x186: {  	v1 =	vadd.f32 v62, v1  }
0x187: {  	v63 =	vld [tilespmem:s2+$0x8F80]  }
0x188: {  	v1 =	vadd.f32 v2, v1;
	_ =	sdelay $0x1  }
0x189: {  	v1 =	vadd.f32 v3, v1;
	_ =	sdelay $0x1  }
0x18a: {  	v1 =	vadd.f32 v63, v1  }
0x18b: {  	s0 =	sadd.s32 $0x10, s0  }
0x18c: {  	s5 =	simm.s32 $0x100;
	s3 =	simm.s32 $0xA000;
	s2 =	rddreg [dreg:$0x16];
	[tilespmem:s0+$0x0] =	vst v1  }
0x18d: {  	[hbm4b:s2+s31] =	stream.strided.scatter [tilespmem:s3], [sflag:$0x1], $0x280, s5, s31, $0x38;
	[tilespmem:$0xCA80] =	vst v63  }
0x18e: {  	_ =	swait.ge [sflag:s29], $0x280  }
0x18f: {  	s1 =	sadd.s32 $0x1, s1;
	s6 =	rddreg [dreg:$0x17]  }
0x190: {  	p0 =	sne.s32 s1, s6  }
.Ltmp3:
0x191: {  	_ = 	snop;
	(pc) =	sbr.rel @p0 .LBB2_1-.Ltmp3, $3  }
0x192: {  	_ =	sdelay $0x1  }
0x193: {  	[sflag:s29] =	ssyncset.done $0x0  }
0x194: {  	[sflag:s29] =	ssyncadd.s32 $0xFFFFFD80  }
0x195: {  	_ =	sfence.sel $0x180000  }
0x196: {  	[bflag:$0x0] =	sbarrier.arrive $0xFFFF  }
0x197: {  	_ =	strace $0x9000004A  }
0x198: {  	s0 =	stileid.u32;
	[bflag:$0x2] =	sbarrier.arrive $0xFFFF  }
0x199: {  	p0 =	sne.s32 s0, $0x0;
	s0 =	rddreg [dreg:$0x3]  }
0x19a: {  	s0 =	sadd.s32 @!p0 $0x100000, s0  }
0x19b: {  	[sflag:s0] =	ssyncadd.tile.s32 @!p0 $0x1;
	_ =	shalt  }
.Lfunc_end2:
_tile_overlayer_lowered:
.L_overlay_start_2:
0x19c: {  	(tag) =	ssettag $0x2  }
0x19d: {  	s0 =	rddreg [dreg:$0x0];
	s2 =	stileid.u32  }
0x19e: {  	s1 =	rddreg [dreg:$0x1];
	p0 =	sne.s32 s2, $0x0  }
0x19f: {  	s3 =	rddreg [dreg:$0x2];
	[bflag:$0x3] =	sbarrier.arrive $0xFFFF;
	s2 =	simm.s32 @!p0 $0x1C01  }
0x1a0: {  	[timem:s3], [sflag:s2] =	dma.local @!p0 [hbm:s0], s1  }
0x1a1: {  	s0 =	simm.s32 @!p0 $0x1  }
0x1a2: {  	_ =	swait.ge @!p0 [sflag:s0], s1  }
0x1a3: {  	s1 =	ssub.s32 @!p0 $0x0, s1;
	[sflag:s0] =	ssyncset.done @!p0 $0x0  }
0x1a4: {  	[sflag:s0] =	ssyncadd.s32 @!p0 s1  }
0x1a5: {  	[bflag:$0x3] =	sbarrier.arrive $0xFFFF  }
0x1a6: {  	_ =	shalt  }

// kernel: kernel.14.cloned.1.call-start
scs
__scs_entry_jumppad:
0x0: {  	(pc) =	sbr.rel $0x88, $3  }
0x1: {  	(tag) =	ssettag $0x0;
	lr =	simm.s32 $0x1  }
0x2: {  	[smem:$0x3F92] =	sst lr;
	_ =	strace $0xD0000000  }
0x3: {  	_ = 	snop  }
0x4: {  	_ = 	snop  }
0x5: {  	_ = 	snop  }
0x6: {  	_ = 	snop  }
0x7: {  	_ = 	snop  }
__scs_overlays_trampoline_lowered:
0x8: {  	[smem:$0x3FA1] =	sst s0  }
0x9: {  	[smem:$0x3FA2] =	sst s1  }
0xa: {  	[smem:$0x3FA3] =	sst s2  }
0xb: {  	[smem:$0x3FA4] =	sst s3  }
0xc: {  	[smem:$0x3FA5] =	sst s4  }
0xd: {  	[smem:$0x3FA6] =	sst s5  }
0xe: {  	[smem:$0x3FA7] =	sst s6  }
0xf: {  	[smem:$0x3FA8] =	sst s7  }
0x10: {  	[smem:$0x3FA9] =	sst s8  }
0x11: {  	[smem:$0x3FAA] =	sst s9;
	s0 =	simm.s32 @!p0 $0x0  }
0x12: {  	s1 =	sld [smem:$0x3F90];
	s0 =	simm.s32 @p0 $0x1  }
0x13: {  	[smem:$0x3FAB] =	sst s0;
	s0 =	simm.s32 @!p1 $0x0  }
0x14: {  	s2 =	sld [smem:$0x3F8F];
	s0 =	simm.s32 @p1 $0x1  }
0x15: {  	[smem:$0x3FAC] =	sst s0;
	s0 =	simm.s32 @!p2 $0x0  }
0x16: {  	s3 =	sld [smem:$0x3FDB];
	s0 =	simm.s32 @p2 $0x1  }
0x17: {  	s4 =	simm.s32 $0x1BF5;
	[smem:$0x3FAE] =	sst s0  }
0x18: {  	s0 =	sld [smem:$0x3F91];
	_ =	swait.ge [sflag:s4], $0x0  }
0x19: {  	s7 =	sld [smem:$0x3F92]  }
0x1a: {  	s8 =	sadd.s32 $0xFFFFE003, lr  }
0x1b: {  	s9 =	sadd.s32 $0xFFFFFEF7, lr;
	s5 =	simm.s32 $0xFFFFFFFF;
	p2 =	slt.u32 s8, $0xFFFFF086  }
0x1c: {  	p1 =	slt.u32 s9, $0xF7A;
	s5 =	simm.s32 @!p2 $0x0  }
0x1d: {  	s5 =	simm.s32 @p1 $0x1;
	p0 =	seq.s32 s7, s2  }
0x1e: {  	s7 =	smul.u32 @!p0 $0xF7A, s2;
	p2 =	seq.s32 @!p0 s5, $0x0  }
0x1f: {  	s9 =	smul.u32 $0xF7A, s1;
	s8 =	simm.s32 @!p0 $0x1BF5;
	p2 =	por !p2, p0  }
0x20: {  	[sflag:s8] =	ssyncset.s32 @!p0 $0xFFFFF086;
	s6 =	sadd.s32 @!p0 s3, s7;
	s7 =	simm.s32 @!p0 $0x108  }
0x21: {  	s3 =	sadd.s32 s3, s9;
	s6 =	sadd.s32 @!p0 $0x88, s6;
	s7 =	simm.s32 @p2 $0x1082  }
0x22: {  	[simem:s7], [sflag:s8] =	dma.local @!p0 [hbm:s6], $0xF7A  }
0x23: {  	s9 =	sor.u32 $0xD0000000, s2;
	s6 =	simm.s32 $0x108;
	_ =	swait.ge @!p0 [sflag:s8], $0x0  }
0x24: {  	s3 =	sadd.s32 $0x88, s3;
	s6 =	simm.s32 @!p1 $0x1082;
	[sflag:s4] =	ssyncset.s32 $0xFFFFF086  }
0x25: {  	[simem:s6], [sflag:s4] =	dma.local [hbm:s3], $0xF7A  }
0x26: {  	[smem:$0x3F92] =	sst s1;
	(tag) =	ssettag s2;
	_ =	strace s9  }
0x27: {  	s1 =	sld [smem:$0x3FA2]  }
0x28: {  	s2 =	sld [smem:$0x3FA3]  }
0x29: {  	s4 =	sld [smem:$0x3FA5]  }
0x2a: {  	p0 =	seq.s32 s5, $0x0;
	s5 =	sld [smem:$0x3FA6]  }
0x2b: {  	s6 =	sld [smem:$0x3FA7]  }
0x2c: {  	s7 =	sld [smem:$0x3FA8]  }
0x2d: {  	s3 =	simm.s32 $0x108;
	s8 =	sld [smem:$0x3FA9]  }
0x2e: {  	s3 =	simm.s32 @!p0 $0x1082;
	s9 =	sld [smem:$0x3FAA]  }
0x2f: {  	lr =	sadd.s32 s0, s3;
	s0 =	sld [smem:$0x3FA1]  }
0x30: {  	s3 =	sld [smem:$0x3FA4]  }
0x31: {  	[smem:$0x3FAD] =	sst s10  }
0x32: {  	s10 =	sld [smem:$0x3FAB];
	_ =	sdelay $0x3  }
0x33: {  	p0 =	seq.s32 s10, $0x1;
	s10 =	sld [smem:$0x3FAD];
	_ =	sdelay $0x3  }
0x34: {  	[smem:$0x3FAD] =	sst s10  }
0x35: {  	s10 =	sld [smem:$0x3FAC];
	_ =	sdelay $0x3  }
0x36: {  	p1 =	seq.s32 s10, $0x1;
	s10 =	sld [smem:$0x3FAD];
	_ =	sdelay $0x3  }
0x37: {  	[smem:$0x3FAD] =	sst s10  }
0x38: {  	s10 =	sld [smem:$0x3FAE]  }
0x39: {  	_ = 	snop;
	(pc) =	sbr.ind lr, $3  }
0x3a: {  	_ = 	snop  }
0x3b: {  	_ = 	snop  }
0x3c: {  	p2 =	seq.s32 s10, $0x1;
	s10 =	sld [smem:$0x3FAD]  }
0x3d: {  	_ =	shalt  }
0x3e: {  	_ =	shalt  }
0x3f: {  	_ =	shalt  }
0x40: {  	_ =	shalt  }
0x41: {  	_ =	shalt  }
0x42: {  	_ =	shalt  }
0x43: {  	_ =	shalt  }
0x44: {  	_ =	shalt  }
0x45: {  	_ =	shalt  }
0x46: {  	_ =	shalt  }
0x47: {  	_ =	shalt  }
0x48: {  	_ =	shalt  }
0x49: {  	_ =	shalt  }
0x4a: {  	_ =	shalt  }
0x4b: {  	_ =	shalt  }
0x4c: {  	_ =	shalt  }
0x4d: {  	_ =	shalt  }
0x4e: {  	_ =	shalt  }
0x4f: {  	_ =	shalt  }
0x50: {  	_ =	shalt  }
0x51: {  	_ =	shalt  }
0x52: {  	_ =	shalt  }
0x53: {  	_ =	shalt  }
0x54: {  	_ =	shalt  }
0x55: {  	_ =	shalt  }
0x56: {  	_ =	shalt  }
0x57: {  	_ =	shalt  }
0x58: {  	_ =	shalt  }
0x59: {  	_ =	shalt  }
0x5a: {  	_ =	shalt  }
0x5b: {  	_ =	shalt  }
0x5c: {  	_ =	shalt  }
0x5d: {  	_ =	shalt  }
0x5e: {  	_ =	shalt  }
0x5f: {  	_ =	shalt  }
0x60: {  	_ =	shalt  }
0x61: {  	_ =	shalt  }
0x62: {  	_ =	shalt  }
0x63: {  	_ =	shalt  }
0x64: {  	_ =	shalt  }
0x65: {  	_ =	shalt  }
0x66: {  	_ =	shalt  }
0x67: {  	_ =	shalt  }
0x68: {  	_ =	shalt  }
0x69: {  	_ =	shalt  }
0x6a: {  	_ =	shalt  }
0x6b: {  	_ =	shalt  }
0x6c: {  	_ =	shalt  }
0x6d: {  	_ =	shalt  }
0x6e: {  	_ =	shalt  }
0x6f: {  	_ =	shalt  }
0x70: {  	_ =	shalt  }
0x71: {  	_ =	shalt  }
0x72: {  	_ =	shalt  }
0x73: {  	_ =	shalt  }
0x74: {  	_ =	shalt  }
0x75: {  	_ =	shalt  }
0x76: {  	_ =	shalt  }
0x77: {  	_ =	shalt  }
0x78: {  	_ =	shalt  }
0x79: {  	_ =	shalt  }
0x7a: {  	_ =	shalt  }
0x7b: {  	_ =	shalt  }
0x7c: {  	_ =	shalt  }
0x7d: {  	_ =	shalt  }
0x7e: {  	_ =	shalt  }
0x7f: {  	_ =	shalt  }
0x80: {  	_ =	shalt  }
0x81: {  	_ =	shalt  }
0x82: {  	_ =	shalt  }
0x83: {  	_ =	shalt  }
0x84: {  	_ =	shalt  }
0x85: {  	_ =	shalt  }
0x86: {  	_ =	shalt  }
0x87: {  	_ =	shalt  }
.Lfunc_end0:
.L_simem_size_0:
called_computation.2_lowered:
.L_overlay_start_0:
0x88: {  	s2 =	sld [smem:$0x3FD9]  }
0x89: {  	s3 =	sld [smem:$0x3FFE];
	_ =	sdelay $0x1  }
0x8a: {  	s1 =	srdreg.scid  }
0x8b: {  	s0 =	sand.u32 $0x1, s1  }
0x8c: {  	s17 =	sshll.u32 s0, $0xA;
	s2 =	sadd.s32 s3, s2  }
0x8d: {  	s2 =	sadd.s32 s2, s17  }
0x8e: {  	[smem:$0x3FB9] =	sst s2  }
0x8f: {  	_ = 	snop  }
0x90: {  	(tm) =	ssettm $0x1  }
0x91: {  	s18 =	sld [smem:$0x3FFB];
	_ =	sdelay $0x3  }
0x92: {  	_ =	strace s18  }
0x93: {  	s2 =	sld [smem:$0x3FFC];
	_ =	sdelay $0x3  }
0x94: {  	_ =	strace s2  }
0x95: {  	s2 =	sld [smem:$0x3FFD];
	_ =	sdelay $0x3  }
0x96: {  	_ =	strace s2  }
0x97: {  	_ =	strace $0x8FFFFFFF  }
0x98: {  	s19 =	sld [smem:$0x3FDB];
	_ =	sdelay $0x1  }
0x99: {  	s20 =	simm.s32 $_scs_section_size  }
0x9a: {  	s4 =	simm.s32 $_size__tile_overlayer_lowered;
	s5 =	simm.s32 $_tile_overlayer_lowered  }
0x9b: {  	s6 =	simm.s32 $0x1BFF;
	s21 =	sshll.u32 s5, $0x1;
	s3 =	sadd.s32 s20, s19  }
0x9c: {  	s22 =	simm.s32 $0x0;
	s4 =	sshll.u32 s4, $0x1;
	s5 =	sadd.s32 s21, s3  }
0x9d: {  	[timem:s22], [sflag:s6] =	dma.local [hbm:s5], s4  }
0x9e: {  	_ =	swait.ge [sflag:s6], s4  }
0x9f: {  	s4 =	ssub.s32 $0x0, s4;
	[sflag:s6] =	ssyncset.done $0x0  }
0xa0: {  	[sflag:s6] =	ssyncadd.s32 s4;
	_ =	sdelay $0x1  }
0xa1: {  	s23 =	simm.s32 $0x1B8B  }
0xa2: {  	_ =	swait.ge [sflag:s23], $0x1  }
0xa3: {  	[sflag:s23] =	ssyncset.done $0x0  }
0xa4: {  	[sflag:s23] =	ssyncadd.s32 $0xFFFFFFFF  }
0xa5: {  	s4 =	sld [smem:$0x0]  }
0xa6: {  	s5 =	sand.u32 $0xFFFFFFFE, s1  }
0xa7: {  	p0 =	sne.s32 s1, s5  }
0xa8: {  	s5 =	sshll.u32 @p0 s5, $0xE  }
0xa9: {  	s5 =	sadd.s32 @p0 $0x11B8D, s5;
	s6 =	sshll.u32 @p0 s4, $0x11  }
0xaa: {  	s5 =	sor.u32 @p0 s6, s5  }
0xab: {  	[sflag:s5] =	ssyncadd.remote.s32 @p0 $0x1;
	_ =	sdelay $0x1  }
0xac: {  	s5 =	simm.s32 @p0 $0x1B8D  }
0xad: {  	_ =	swait.eq @p0 [sflag:s5], $0x1  }
0xae: {  	[sflag:s5] =	ssyncadd.s32 @p0 $0xFFFFFFFF  }
0xaf: {  	s6 =	sshll.u32 @!p0 s1, $0xE  }
0xb0: {  	s6 =	sor.u32 @!p0 $0x4000, s6;
	s5 =	simm.s32 @!p0 $0x1B8D  }
0xb1: {  	s4 =	sshll.u32 @!p0 s4, $0x11;
	s6 =	sadd.s32 @!p0 $0x11B8D, s6;
	_ =	swait.eq @!p0 [sflag:s5], $0x1  }
0xb2: {  	s4 =	sor.u32 @!p0 s4, s6;
	[sflag:s5] =	ssyncadd.s32 @!p0 $0xFFFFFFFF  }
0xb3: {  	s25 =	simm.s32 $0x1B8E;
	s24 =	sld [smem:$0x3FFE];
	[sflag:s4] =	ssyncadd.remote.s32 @!p0 $0x1  }
0xb4: {  	s26 =	simm.s32 $execute0_lowered;
	[smem:$0x3FD2] =	sst s25  }
0xb5: {  	s5 =	sshll.u32 s26, $0x1;
	_ =	strace $0x8000004C;
	[dreg:$0x1] =	wrdreg $0xFFFFFFFF  }
0xb6: {  	s28 =	simm.s32 $_size_execute0_lowered;
	s3 =	sadd.s32 s3, s5;
	[dreg:$0x0] =	wrdreg $0x0  }
0xb7: {  	s5 =	sshll.u32 s28, $0x1;
	[dreg:$0x2] =	wrdreg s3  }
0xb8: {  	[dreg:$0x3] =	wrdreg s5  }
0xb9: {  	[dreg:$0x4] =	wrdreg $0xC0  }
0xba: {  	_ =	task [dreg:s22], $0x5FFFF  }
0xbb: {  	[dreg:$0x1] =	wrdreg $0xFFFFFFFF  }
0xbc: {  	[dreg:$0x0] =	wrdreg $0x60  }
0xbd: {  	[dreg:$0x2] =	wrdreg s24  }
0xbe: {  	[dreg:$0x3] =	wrdreg $0xA8000  }
0xbf: {  	[dreg:$0x4] =	wrdreg $0xA  }
0xc0: {  	_ =	task.clear_ibuf [dreg:s22], $0x5FFFF;
	_ =	strace $0x9000004C  }
0xc1: {  	s29 =	simm.s32 $0xA;
	_ =	strace $0x8000004E  }
0xc2: {  	_ =	swait.ge [sflag:s29], $0x1  }
0xc3: {  	[sflag:s29] =	ssyncadd.s32 $0xFFFFFFFF  }
0xc4: {  	_ =	strace $0x9000004E  }
0xc5: {  	_ =	sfence  }
0xc6: {  	s30 =	sld [smem:$0x0];
	_ =	sdelay $0x2  }
0xc7: {  	s31 =	sshll.u32 s1, $0xD;
	s1 =	sshrl.u32 s1, $0x2  }
0xc8: {  	s4 =	sand.u32 $0x4000, s31;
	s1 =	sadd.s32 s1, s30  }
0xc9: {  	s0 =	sor.u32 s4, s0;
	s1 =	sshll.u32 s1, $0x11  }
0xca: {  	s0 =	sor.u32 s1, s0  }
0xcb: {  	s0 =	sadd.s32 $0x8F2B, s0  }
0xcc: {  	[sflag:s0] =	ssyncadd.remote.s32 $0x1  }
0xcd: {  	_ =	sfence.sel $0xFFFF  }
0xce: {  	[dreg:$0x0] =	wrdreg $0xFFFFFFFF;
	(pc) =	sbr.abs _section_cstart, $3  }
0xcf: {  	[dreg:$0x1] =	wrdreg $0xFFFFFFFF  }
0xd0: {  	_ =	task.clear_ibuf [dreg:s22], $0x2FFFF;
	_ =	strace $0x9FFFFFFF  }
0xd1: {  	(tm) =	ssettm $0x7FFFFFFF  }
tec
execute0_lowered:
.L_overlay_start_1:
0x0: {  	(tag) =	ssettag $0x1  }
0x1: {  	s1 =	rddreg [dreg:$0x0];
	s0 =	stileid.u32  }
0x2: {  	s3 =	srdreg.scid;
	s16 =	smul.u32 $0x50000, s0  }
0x3: {  	s2 =	rddreg [dreg:$0x1];
	s23 =	simm.s32 $0x1;
	s10 =	smul.u32 $0x14000, s0  }
0x4: {  	s29 =	simm.s32 $0x0;
	s15 =	sand.u32 $0x1, s3;
	s26 =	smul.u32 $0x280000, s0  }
0x5: {  	s4 =	sshll.u32 s0, $0x1;
	s3 =	simm.s32 $0x0;
	s19 =	smul.u32 $0x140000, s15  }
0x6: {  	s18 =	sadd.s32 $0xF48200, s1;
	s9 =	sor.u32 s15, s4;
	s28 =	smul.u32 $0x28000, s15  }
0x7: {  	[smem:$0x7FF] =	sst s3;
	s5 =	ssub.s32 $0x2, s15;
	s4 =	smul.u32 $0x2800, s9  }
0x8: {  	_ =	strace $0x8000004D;
	s6 =	sshrl.u32 s5, $0x1;
	s24 =	sshrl.u32 s16, $0x2  }
0x9: {  	s11 =	sadd.s32 $0x4000, s10;
	s13 =	sadd.s32 $0x8000, s10;
	s14 =	sadd.s32 $0xC000, s10  }
0xa: {  	s20 =	sadd.s32 $0x10000, s10;
	s12 =	smul.u32 $0x28000, s9;
	s31 =	sadd.s32 s16, s18  }
0xb: {  	s17 =	ssub.s32 s5, s6;
	s5 =	sadd.s32 s24, s2;
	s6 =	sadd.s32 s11, s2  }
0xc: {  	s7 =	sadd.s32 s13, s2;
	s8 =	sadd.s32 s14, s2;
	s10 =	sadd.s32 s10, s19  }
0xd: {  	s9 =	sadd.s32 s20, s2;
	s22 =	sadd.s32 s19, s11;
	s13 =	sadd.s32 s19, s13  }
0xe: {  	s14 =	sadd.s32 s19, s14;
	s20 =	sadd.s32 s19, s20;
	s19 =	sadd.s32 s19, s26  }
0xf: {  	s24 =	simm.s32 $0x80;
	s4 =	sshrl.u32 s4, $0x3;
	s21 =	sshrl.u32 s10, $0x3  }
0x10: {  	s10 =	sadd.s32 s18, s12;
	s25 =	sshrl.u32 s22, $0x3;
	s13 =	sshrl.u32 s13, $0x3  }
0x11: {  	s14 =	sshrl.u32 s14, $0x3;
	s20 =	sshrl.u32 s20, $0x3;
	s30 =	sor.u32 $0x8000, s19  }
0x12: {  	s16 =	smax.u32 s17, $0x1;
	s19 =	sadd.s32 s28, s31;
	s22 =	simm.s32 $0x6800  }
0x13: {  	s4 =	sadd.s32 s4, s1;
	s1 =	sadd.s32 $0x34200, s1;
	s17 =	sadd.s32 $0x27800, s10  }
0x14: {  	s19 =	sadd.s32 $0x800, s19;
	s4 =	sadd.s32 $0x29800, s4;
	s11 =	sadd.s32 s1, s21  }
0x15: {  	s12 =	sadd.s32 s1, s25;
	s13 =	sadd.s32 s1, s13;
	s14 =	sadd.s32 s1, s14  }
0x16: {  	s15 =	sadd.s32 s1, s20;
	s1 =	sshrl.u32 s30, $0x3;
	s20 =	simm.s32 $0x3  }
0x17: {  	v0 =	vimm.f32 $0.0e+00;
	s21 =	simm.s32 $0x2800;
	s25 =	simm.s32 $0x2;
	s18 =	sadd.s32 s1, s18  }
.LBB2_1:
0x18: {  	[tilespmem:s3], [sflag:$0x3] =	stream.linear.gather [hbm4b:s4+s3], $0x2800, $0x38;
	[tilespmem:$0x1E800] =	vst v63  }
0x19: {  	_ =	swait.ge [sflag:s20], $0x2800  }
0x1a: {  	[sflag:s20] =	ssyncset.done $0x0  }
0x1b: {  	s30 =	simm.s32 $0x0;
	s31 =	simm.s32 $0x200;
	[sflag:s20] =	ssyncadd.s32 $0xFFFFD800  }
.LBB2_2:
0x1c: {  	p0 =	sne.s32 s31, $0xFE00;
	[tilespmem:s30+$0x2870] =	vst v0  }
0x1d: {  	[tilespmem:s30+$0x2800] =	vst v0  }
0x1e: {  	[tilespmem:s30+$0x2810] =	vst v0  }
.Ltmp0:
0x1f: {  	[tilespmem:s30+$0x2820] =	vst v0;
	(pc) =	sbr.rel @p0 .LBB2_2-.Ltmp0, $4  }
0x20: {  	[tilespmem:s30+$0x2830] =	vst v0  }
0x21: {  	[tilespmem:s30+$0x2840] =	vst v0  }
0x22: {  	[tilespmem:s30+$0x2850] =	vst v0  }
0x23: {  	[tilespmem:s30+$0x2860] =	vst v0;
	s30 =	sshra.s32 s31, $0x2;
	s31 =	sadd.s32 $0x200, s31  }
0x24: {  	[tilespmem:s30+$0x2870] =	vst v0  }
0x25: {  	[tilespmem:s30+$0x2800] =	vst v0  }
0x26: {  	[tilespmem:s30+$0x2810] =	vst v0  }
0x27: {  	[tilespmem:s30+$0x2820] =	vst v0  }
0x28: {  	[tilespmem:s30+$0x2830] =	vst v0  }
0x29: {  	[tilespmem:s30+$0x2840] =	vst v0  }
0x2a: {  	[tilespmem:s30+$0x2850] =	vst v0  }
0x2b: {  	[tilespmem:s30+$0x2860] =	vst v0  }
0x2c: {  	[spmem:s5] =	stream.linear.scatter [tilespmem:s21], [sflag:$0x3], $0x4000, $0x38;
	[tilespmem:$0x1E800] =	vst v63  }
0x2d: {  	_ =	swait.ge [sflag:s20], $0x4000  }
0x2e: {  	[sflag:s20] =	ssyncset.done $0x0  }
0x2f: {  	[sflag:s20] =	ssyncadd.s32 $0xFFFFC000  }
0x30: {  	[spmem:s6] =	stream.linear.scatter [tilespmem:s21], [sflag:$0x3], $0x4000, $0x38;
	[tilespmem:$0x1E800] =	vst v63  }
0x31: {  	_ =	swait.ge [sflag:s20], $0x4000  }
0x32: {  	[sflag:s20] =	ssyncset.done $0x0  }
0x33: {  	[sflag:s20] =	ssyncadd.s32 $0xFFFFC000  }
0x34: {  	[spmem:s7] =	stream.linear.scatter [tilespmem:s21], [sflag:$0x3], $0x4000, $0x38;
	[tilespmem:$0x1E800] =	vst v63  }
0x35: {  	_ =	swait.ge [sflag:s20], $0x4000  }
0x36: {  	[sflag:s20] =	ssyncset.done $0x0  }
0x37: {  	[sflag:s20] =	ssyncadd.s32 $0xFFFFC000  }
0x38: {  	[spmem:s8] =	stream.linear.scatter [tilespmem:s21], [sflag:$0x3], $0x4000, $0x38;
	[tilespmem:$0x1E800] =	vst v63  }
0x39: {  	_ =	swait.ge [sflag:s20], $0x4000  }
0x3a: {  	[sflag:s20] =	ssyncset.done $0x0  }
0x3b: {  	[sflag:s20] =	ssyncadd.s32 $0xFFFFC000  }
0x3c: {  	[spmem:s9] =	stream.linear.scatter [tilespmem:s21], [sflag:$0x3], $0x4000, $0x38;
	[tilespmem:$0x1E800] =	vst v63  }
0x3d: {  	_ =	swait.ge [sflag:s20], $0x4000  }
0x3e: {  	[sflag:s20] =	ssyncset.done $0x0  }
0x3f: {  	[sflag:s20] =	ssyncadd.s32 $0xFFFFC000  }
0x40: {  	s1 =	simm.s32 $0x0;
	[bflag:$0x0] =	sbarrier.arrive $0xFFFF  }
0x41: {  	[tilespmem:s21], [sflag:$0x1] =	stream.linear.gather [hbm4b:s10+s1], $0x4000, $0x38;
	[tilespmem:$0x1E800] =	vst v63  }
0x42: {  	s30 =	sadd.s32 $0x0, s19  }
0x43: {  	[tilespmem:s22], [sflag:$0x2] =	stream.linear.gather [hbm4b:s30+s3], $0x4000, $0x38;
	[tilespmem:$0x1E800] =	vst v63  }
0x44: {  	_ =	swait.ge [sflag:s23], $0x4000  }
0x45: {  	[sflag:s23] =	ssyncset.done $0x0  }
0x46: {  	[sflag:s23] =	ssyncadd.s32 $0xFFFFC000  }
0x47: {  	[spmem:s2] =	stream.indirect.scatter.add.f32 [tilespmem:s21], [sflag:$0x3], $0x80, s1, s24, $0xb8;
	[tilespmem:$0x1E800] =	vst v63  }
0x48: {  	_ =	swait.ge [sflag:s20], $0x4000  }
0x49: {  	[sflag:s20] =	ssyncset.done $0x0  }
0x4a: {  	s26 =	sadd.s32 $0x0, s18;
	[sflag:s20] =	ssyncadd.s32 $0xFFFFC000  }
0x4b: {  	[tilespmem:s21], [sflag:$0x1] =	stream.linear.gather [hbm4b:s26+s3], $0x4000, $0x38;
	[tilespmem:$0x1E800] =	vst v63  }
0x4c: {  	_ =	swait.ge [sflag:s25], $0x4000  }
0x4d: {  	[sflag:s25] =	ssyncset.done $0x0  }
0x4e: {  	s28 =	simm.s32 $0x80;
	[sflag:s25] =	ssyncadd.s32 $0xFFFFC000  }
0x4f: {  	[spmem:s2] =	stream.indirect.scatter.add.f32 [tilespmem:s22], [sflag:$0x3], $0x80, s28, s24, $0xb8;
	[tilespmem:$0x1E800] =	vst v63  }
0x50: {  	s31 =	simm.s32 $0x1000;
	_ =	swait.ge [sflag:s20], $0x4000  }
0x51: {  	s30 =	simm.s32 $0x100;
	s1 =	simm.s32 $0x2000;
	[sflag:s20] =	ssyncset.done $0x0  }
.LBB2_4:
0x52: {  	s0 =	sadd.s32 s31, s19  }
0x53: {  	[sflag:s20] =	ssyncadd.s32 $0xFFFFC000;
	s26 =	smov.u32 s1;
	s28 =	sadd.s32 $0x1000, s1  }
0x54: {  	[tilespmem:s22], [sflag:$0x2] =	stream.linear.gather [hbm4b:s0+s3], $0x4000, $0x38;
	[tilespmem:$0x1E800] =	vst v63  }
0x55: {  	p0 =	sne.s32 s1, $0x26000;
	_ =	swait.ge [sflag:s23], $0x4000  }
0x56: {  	[sflag:s23] =	ssyncset.done $0x0  }
0x57: {  	[sflag:s23] =	ssyncadd.s32 $0xFFFFC000  }
0x58: {  	[spmem:s2] =	stream.indirect.scatter.add.f32 [tilespmem:s21], [sflag:$0x3], $0x80, s30, s24, $0xb8;
	[tilespmem:$0x1E800] =	vst v63  }
0x59: {  	_ =	swait.ge [sflag:s20], $0x4000  }
0x5a: {  	[sflag:s20] =	ssyncset.done $0x0  }
0x5b: {  	s0 =	sadd.s32 s31, s18;
	s31 =	smov.u32 s26;
	[sflag:s20] =	ssyncadd.s32 $0xFFFFC000  }
0x5c: {  	[tilespmem:s21], [sflag:$0x1] =	stream.linear.gather [hbm4b:s0+s3], $0x4000, $0x38;
	[tilespmem:$0x1E800] =	vst v63  }
0x5d: {  	_ =	swait.ge [sflag:s25], $0x4000  }
.Ltmp1:
0x5e: {  	[sflag:s25] =	ssyncset.done $0x0;
	(pc) =	sbr.rel @p0 .LBB2_4-.Ltmp1, $4  }
0x5f: {  	s0 =	sadd.s32 $0x80, s30;
	[sflag:s25] =	ssyncadd.s32 $0xFFFFC000  }
0x60: {  	[spmem:s2] =	stream.indirect.scatter.add.f32 [tilespmem:s22], [sflag:$0x3], $0x80, s0, s24, $0xb8;
	[tilespmem:$0x1E800] =	vst v63  }
0x61: {  	_ =	swait.ge [sflag:s20], $0x4000  }
0x62: {  	s1 =	smov.u32 s28;
	s30 =	sadd.s32 $0x100, s30;
	[sflag:s20] =	ssyncset.done $0x0  }
0x63: {  	s0 =	sadd.s32 s31, s19;
	[sflag:s20] =	ssyncadd.s32 $0xFFFFC000  }
0x64: {  	[tilespmem:s22], [sflag:$0x2] =	stream.linear.gather [hbm4b:s0+s3], $0x4000, $0x38;
	[tilespmem:$0x1E800] =	vst v63  }
0x65: {  	_ =	swait.ge [sflag:s23], $0x4000  }
0x66: {  	[sflag:s23] =	ssyncset.done $0x0  }
0x67: {  	[sflag:s23] =	ssyncadd.s32 $0xFFFFC000  }
0x68: {  	[spmem:s2] =	stream.indirect.scatter.add.f32 [tilespmem:s21], [sflag:$0x3], $0x80, s30, s24, $0xb8;
	[tilespmem:$0x1E800] =	vst v63  }
0x69: {  	_ =	swait.ge [sflag:s20], $0x4000  }
0x6a: {  	[sflag:s20] =	ssyncset.done $0x0  }
0x6b: {  	s26 =	sadd.s32 s31, s18;
	[sflag:s20] =	ssyncadd.s32 $0xFFFFC000  }
0x6c: {  	[tilespmem:s21], [sflag:$0x1] =	stream.linear.gather [hbm4b:s26+s3], $0x4000, $0x38;
	[tilespmem:$0x1E800] =	vst v63  }
0x6d: {  	_ =	swait.ge [sflag:s25], $0x4000  }
0x6e: {  	[sflag:s25] =	ssyncset.done $0x0  }
0x6f: {  	s28 =	sadd.s32 $0x80, s30;
	[sflag:s25] =	ssyncadd.s32 $0xFFFFC000  }
0x70: {  	[spmem:s2] =	stream.indirect.scatter.add.f32 [tilespmem:s22], [sflag:$0x3], $0x80, s28, s24, $0xb8;
	[tilespmem:$0x1E800] =	vst v63  }
0x71: {  	_ =	swait.ge [sflag:s20], $0x4000  }
0x72: {  	[sflag:s20] =	ssyncset.done $0x0  }
0x73: {  	[sflag:s20] =	ssyncadd.s32 $0xFFFFC000  }
0x74: {  	[tilespmem:s22], [sflag:$0x2] =	stream.linear.gather [hbm4b:s17+s3], $0x4000, $0x38;
	[tilespmem:$0x1E800] =	vst v63  }
0x75: {  	_ =	swait.ge [sflag:s23], $0x4000  }
0x76: {  	[sflag:s23] =	ssyncset.done $0x0  }
0x77: {  	s30 =	simm.s32 $0x2700;
	[sflag:s23] =	ssyncadd.s32 $0xFFFFC000  }
0x78: {  	[spmem:s2] =	stream.indirect.scatter.add.f32 [tilespmem:s21], [sflag:$0x3], $0x80, s30, s24, $0xb8;
	[tilespmem:$0x1E800] =	vst v63  }
0x79: {  	_ =	swait.ge [sflag:s20], $0x4000  }
0x7a: {  	[sflag:s20] =	ssyncset.done $0x0  }
0x7b: {  	[sflag:s20] =	ssyncadd.s32 $0xFFFFC000  }
0x7c: {  	_ =	swait.ge [sflag:s25], $0x4000  }
0x7d: {  	[sflag:s25] =	ssyncset.done $0x0  }
0x7e: {  	s31 =	simm.s32 $0x2780;
	[sflag:s25] =	ssyncadd.s32 $0xFFFFC000  }
0x7f: {  	[spmem:s2] =	stream.indirect.scatter.add.f32 [tilespmem:s22], [sflag:$0x3], $0x80, s31, s24, $0xb8;
	[tilespmem:$0x1E800] =	vst v63  }
0x80: {  	_ =	swait.ge [sflag:s20], $0x4000  }
0x81: {  	[sflag:s20] =	ssyncset.done $0x0  }
0x82: {  	[sflag:s20] =	ssyncadd.s32 $0xFFFFC000  }
0x83: {  	[bflag:$0x0] =	sbarrier.arrive $0xFFFF  }
0x84: {  	[tilespmem:s21], [sflag:$0x3] =	stream.linear.gather [spmem:s5], $0x4000, $0x38;
	[tilespmem:$0x1E800] =	vst v63  }
0x85: {  	_ =	swait.ge [sflag:s20], $0x4000  }
0x86: {  	[sflag:s20] =	ssyncset.done $0x0  }
0x87: {  	[sflag:s20] =	ssyncadd.s32 $0xFFFFC000  }
0x88: {  	[hbm4b:s11+s3] =	stream.linear.scatter [tilespmem:s21], [sflag:$0x3], $0x4000, $0x38;
	[tilespmem:$0x1E800] =	vst v63  }
0x89: {  	_ =	swait.ge [sflag:s20], $0x4000  }
0x8a: {  	[sflag:s20] =	ssyncset.done $0x0  }
0x8b: {  	[sflag:s20] =	ssyncadd.s32 $0xFFFFC000  }
0x8c: {  	[tilespmem:s21], [sflag:$0x3] =	stream.linear.gather [spmem:s6], $0x4000, $0x38;
	[tilespmem:$0x1E800] =	vst v63  }
0x8d: {  	_ =	swait.ge [sflag:s20], $0x4000  }
0x8e: {  	[sflag:s20] =	ssyncset.done $0x0  }
0x8f: {  	[sflag:s20] =	ssyncadd.s32 $0xFFFFC000  }
0x90: {  	[hbm4b:s12+s3] =	stream.linear.scatter [tilespmem:s21], [sflag:$0x3], $0x4000, $0x38;
	[tilespmem:$0x1E800] =	vst v63  }
0x91: {  	_ =	swait.ge [sflag:s20], $0x4000  }
0x92: {  	[sflag:s20] =	ssyncset.done $0x0  }
0x93: {  	[sflag:s20] =	ssyncadd.s32 $0xFFFFC000  }
0x94: {  	[tilespmem:s21], [sflag:$0x3] =	stream.linear.gather [spmem:s7], $0x4000, $0x38;
	[tilespmem:$0x1E800] =	vst v63  }
0x95: {  	_ =	swait.ge [sflag:s20], $0x4000  }
0x96: {  	[sflag:s20] =	ssyncset.done $0x0  }
0x97: {  	[sflag:s20] =	ssyncadd.s32 $0xFFFFC000  }
0x98: {  	[hbm4b:s13+s3] =	stream.linear.scatter [tilespmem:s21], [sflag:$0x3], $0x4000, $0x38;
	[tilespmem:$0x1E800] =	vst v63  }
0x99: {  	_ =	swait.ge [sflag:s20], $0x4000  }
0x9a: {  	[sflag:s20] =	ssyncset.done $0x0  }
0x9b: {  	[sflag:s20] =	ssyncadd.s32 $0xFFFFC000  }
0x9c: {  	[tilespmem:s21], [sflag:$0x3] =	stream.linear.gather [spmem:s8], $0x4000, $0x38;
	[tilespmem:$0x1E800] =	vst v63  }
0x9d: {  	_ =	swait.ge [sflag:s20], $0x4000  }
0x9e: {  	[sflag:s20] =	ssyncset.done $0x0  }
0x9f: {  	[sflag:s20] =	ssyncadd.s32 $0xFFFFC000  }
0xa0: {  	[hbm4b:s14+s3] =	stream.linear.scatter [tilespmem:s21], [sflag:$0x3], $0x4000, $0x38;
	[tilespmem:$0x1E800] =	vst v63  }
0xa1: {  	_ =	swait.ge [sflag:s20], $0x4000  }
0xa2: {  	[sflag:s20] =	ssyncset.done $0x0  }
0xa3: {  	[sflag:s20] =	ssyncadd.s32 $0xFFFFC000  }
0xa4: {  	[tilespmem:s21], [sflag:$0x3] =	stream.linear.gather [spmem:s9], $0x4000, $0x38;
	[tilespmem:$0x1E800] =	vst v63  }
0xa5: {  	s29 =	sadd.s32 $0x1, s29;
	_ =	swait.ge [sflag:s20], $0x4000  }
0xa6: {  	p0 =	sne.s32 s29, s16;
	[sflag:s20] =	ssyncset.done $0x0  }
.Ltmp2:
0xa7: {  	[sflag:s20] =	ssyncadd.s32 $0xFFFFC000;
	(pc) =	sbr.rel @p0 .LBB2_1-.Ltmp2, $4  }
0xa8: {  	[hbm4b:s15+s3] =	stream.linear.scatter [tilespmem:s21], [sflag:$0x3], $0x4000, $0x38;
	[tilespmem:$0x1E800] =	vst v63  }
0xa9: {  	_ =	swait.ge [sflag:s20], $0x4000  }
0xaa: {  	[sflag:s20] =	ssyncset.done $0x0  }
0xab: {  	[sflag:s20] =	ssyncadd.s32 $0xFFFFC000  }
0xac: {  	_ =	sfence.sel $0x180000  }
0xad: {  	[bflag:$0x0] =	sbarrier.arrive $0xFFFF  }
0xae: {  	_ =	strace $0x9000004D  }
0xaf: {  	s0 =	stileid.u32;
	[bflag:$0x2] =	sbarrier.arrive $0xFFFF  }
0xb0: {  	p0 =	sne.s32 s0, $0x0;
	s0 =	rddreg [dreg:$0x2]  }
0xb1: {  	s0 =	sadd.s32 @!p0 $0x100000, s0  }
0xb2: {  	[sflag:s0] =	ssyncadd.tile.s32 @!p0 $0x1;
	_ =	shalt  }
.Lfunc_end2:
_tile_overlayer_lowered:
.L_overlay_start_2:
0xb3: {  	(tag) =	ssettag $0x2  }
0xb4: {  	s0 =	rddreg [dreg:$0x0];
	s2 =	stileid.u32  }
0xb5: {  	s1 =	rddreg [dreg:$0x1];
	p0 =	sne.s32 s2, $0x0  }
0xb6: {  	s3 =	rddreg [dreg:$0x2];
	[bflag:$0x3] =	sbarrier.arrive $0xFFFF;
	s2 =	simm.s32 @!p0 $0x1C03  }
0xb7: {  	[timem:s3], [sflag:s2] =	dma.local @!p0 [hbm:s0], s1  }
0xb8: {  	s0 =	simm.s32 @!p0 $0x3  }
0xb9: {  	_ =	swait.ge @!p0 [sflag:s0], s1  }
0xba: {  	s1 =	ssub.s32 @!p0 $0x0, s1;
	[sflag:s0] =	ssyncset.done @!p0 $0x0  }
0xbb: {  	[sflag:s0] =	ssyncadd.s32 @!p0 s1  }
0xbc: {  	[bflag:$0x3] =	sbarrier.arrive $0xFFFF  }
0xbd: {  	_ =	shalt  }

// kernel: kernel.8.cloned.1.call-start
scs
__scs_entry_jumppad:
0x0: {  	(pc) =	sbr.rel $0x88, $3  }
0x1: {  	(tag) =	ssettag $0x0;
	lr =	simm.s32 $0x1  }
0x2: {  	[smem:$0x3F92] =	sst lr;
	_ =	strace $0xD0000000  }
0x3: {  	_ = 	snop  }
0x4: {  	_ = 	snop  }
0x5: {  	_ = 	snop  }
0x6: {  	_ = 	snop  }
0x7: {  	_ = 	snop  }
__scs_overlays_trampoline_lowered:
0x8: {  	[smem:$0x3FA1] =	sst s0  }
0x9: {  	[smem:$0x3FA2] =	sst s1  }
0xa: {  	[smem:$0x3FA3] =	sst s2  }
0xb: {  	[smem:$0x3FA4] =	sst s3  }
0xc: {  	[smem:$0x3FA5] =	sst s4  }
0xd: {  	[smem:$0x3FA6] =	sst s5  }
0xe: {  	[smem:$0x3FA7] =	sst s6  }
0xf: {  	[smem:$0x3FA8] =	sst s7  }
0x10: {  	[smem:$0x3FA9] =	sst s8  }
0x11: {  	[smem:$0x3FAA] =	sst s9;
	s0 =	simm.s32 @!p0 $0x0  }
0x12: {  	s1 =	sld [smem:$0x3F90];
	s0 =	simm.s32 @p0 $0x1  }
0x13: {  	[smem:$0x3FAB] =	sst s0;
	s0 =	simm.s32 @!p1 $0x0  }
0x14: {  	s2 =	sld [smem:$0x3F8F];
	s0 =	simm.s32 @p1 $0x1  }
0x15: {  	[smem:$0x3FAC] =	sst s0;
	s0 =	simm.s32 @!p2 $0x0  }
0x16: {  	s3 =	sld [smem:$0x3FDB];
	s0 =	simm.s32 @p2 $0x1  }
0x17: {  	s4 =	simm.s32 $0x1BF5;
	[smem:$0x3FAE] =	sst s0  }
0x18: {  	s0 =	sld [smem:$0x3F91];
	_ =	swait.ge [sflag:s4], $0x0  }
0x19: {  	s7 =	sld [smem:$0x3F92]  }
0x1a: {  	s8 =	sadd.s32 $0xFFFFE003, lr  }
0x1b: {  	s9 =	sadd.s32 $0xFFFFFEF7, lr;
	s5 =	simm.s32 $0xFFFFFFFF;
	p2 =	slt.u32 s8, $0xFFFFF086  }
0x1c: {  	p1 =	slt.u32 s9, $0xF7A;
	s5 =	simm.s32 @!p2 $0x0  }
0x1d: {  	s5 =	simm.s32 @p1 $0x1;
	p0 =	seq.s32 s7, s2  }
0x1e: {  	s7 =	smul.u32 @!p0 $0xF7A, s2;
	p2 =	seq.s32 @!p0 s5, $0x0  }
0x1f: {  	s9 =	smul.u32 $0xF7A, s1;
	s8 =	simm.s32 @!p0 $0x1BF5;
	p2 =	por !p2, p0  }
0x20: {  	[sflag:s8] =	ssyncset.s32 @!p0 $0xFFFFF086;
	s6 =	sadd.s32 @!p0 s3, s7;
	s7 =	simm.s32 @!p0 $0x108  }
0x21: {  	s3 =	sadd.s32 s3, s9;
	s6 =	sadd.s32 @!p0 $0x88, s6;
	s7 =	simm.s32 @p2 $0x1082  }
0x22: {  	[simem:s7], [sflag:s8] =	dma.local @!p0 [hbm:s6], $0xF7A  }
0x23: {  	s9 =	sor.u32 $0xD0000000, s2;
	s6 =	simm.s32 $0x108;
	_ =	swait.ge @!p0 [sflag:s8], $0x0  }
0x24: {  	s3 =	sadd.s32 $0x88, s3;
	s6 =	simm.s32 @!p1 $0x1082;
	[sflag:s4] =	ssyncset.s32 $0xFFFFF086  }
0x25: {  	[simem:s6], [sflag:s4] =	dma.local [hbm:s3], $0xF7A  }
0x26: {  	[smem:$0x3F92] =	sst s1;
	(tag) =	ssettag s2;
	_ =	strace s9  }
0x27: {  	s1 =	sld [smem:$0x3FA2]  }
0x28: {  	s2 =	sld [smem:$0x3FA3]  }
0x29: {  	s4 =	sld [smem:$0x3FA5]  }
0x2a: {  	p0 =	seq.s32 s5, $0x0;
	s5 =	sld [smem:$0x3FA6]  }
0x2b: {  	s6 =	sld [smem:$0x3FA7]  }
0x2c: {  	s7 =	sld [smem:$0x3FA8]  }
0x2d: {  	s3 =	simm.s32 $0x108;
	s8 =	sld [smem:$0x3FA9]  }
0x2e: {  	s3 =	simm.s32 @!p0 $0x1082;
	s9 =	sld [smem:$0x3FAA]  }
0x2f: {  	lr =	sadd.s32 s0, s3;
	s0 =	sld [smem:$0x3FA1]  }
0x30: {  	s3 =	sld [smem:$0x3FA4]  }
0x31: {  	[smem:$0x3FAD] =	sst s10  }
0x32: {  	s10 =	sld [smem:$0x3FAB];
	_ =	sdelay $0x3  }
0x33: {  	p0 =	seq.s32 s10, $0x1;
	s10 =	sld [smem:$0x3FAD];
	_ =	sdelay $0x3  }
0x34: {  	[smem:$0x3FAD] =	sst s10  }
0x35: {  	s10 =	sld [smem:$0x3FAC];
	_ =	sdelay $0x3  }
0x36: {  	p1 =	seq.s32 s10, $0x1;
	s10 =	sld [smem:$0x3FAD];
	_ =	sdelay $0x3  }
0x37: {  	[smem:$0x3FAD] =	sst s10  }
0x38: {  	s10 =	sld [smem:$0x3FAE]  }
0x39: {  	_ = 	snop;
	(pc) =	sbr.ind lr, $3  }
0x3a: {  	_ = 	snop  }
0x3b: {  	_ = 	snop  }
0x3c: {  	p2 =	seq.s32 s10, $0x1;
	s10 =	sld [smem:$0x3FAD]  }
0x3d: {  	_ =	shalt  }
0x3e: {  	_ =	shalt  }
0x3f: {  	_ =	shalt  }
0x40: {  	_ =	shalt  }
0x41: {  	_ =	shalt  }
0x42: {  	_ =	shalt  }
0x43: {  	_ =	shalt  }
0x44: {  	_ =	shalt  }
0x45: {  	_ =	shalt  }
0x46: {  	_ =	shalt  }
0x47: {  	_ =	shalt  }
0x48: {  	_ =	shalt  }
0x49: {  	_ =	shalt  }
0x4a: {  	_ =	shalt  }
0x4b: {  	_ =	shalt  }
0x4c: {  	_ =	shalt  }
0x4d: {  	_ =	shalt  }
0x4e: {  	_ =	shalt  }
0x4f: {  	_ =	shalt  }
0x50: {  	_ =	shalt  }
0x51: {  	_ =	shalt  }
0x52: {  	_ =	shalt  }
0x53: {  	_ =	shalt  }
0x54: {  	_ =	shalt  }
0x55: {  	_ =	shalt  }
0x56: {  	_ =	shalt  }
0x57: {  	_ =	shalt  }
0x58: {  	_ =	shalt  }
0x59: {  	_ =	shalt  }
0x5a: {  	_ =	shalt  }
0x5b: {  	_ =	shalt  }
0x5c: {  	_ =	shalt  }
0x5d: {  	_ =	shalt  }
0x5e: {  	_ =	shalt  }
0x5f: {  	_ =	shalt  }
0x60: {  	_ =	shalt  }
0x61: {  	_ =	shalt  }
0x62: {  	_ =	shalt  }
0x63: {  	_ =	shalt  }
0x64: {  	_ =	shalt  }
0x65: {  	_ =	shalt  }
0x66: {  	_ =	shalt  }
0x67: {  	_ =	shalt  }
0x68: {  	_ =	shalt  }
0x69: {  	_ =	shalt  }
0x6a: {  	_ =	shalt  }
0x6b: {  	_ =	shalt  }
0x6c: {  	_ =	shalt  }
0x6d: {  	_ =	shalt  }
0x6e: {  	_ =	shalt  }
0x6f: {  	_ =	shalt  }
0x70: {  	_ =	shalt  }
0x71: {  	_ =	shalt  }
0x72: {  	_ =	shalt  }
0x73: {  	_ =	shalt  }
0x74: {  	_ =	shalt  }
0x75: {  	_ =	shalt  }
0x76: {  	_ =	shalt  }
0x77: {  	_ =	shalt  }
0x78: {  	_ =	shalt  }
0x79: {  	_ =	shalt  }
0x7a: {  	_ =	shalt  }
0x7b: {  	_ =	shalt  }
0x7c: {  	_ =	shalt  }
0x7d: {  	_ =	shalt  }
0x7e: {  	_ =	shalt  }
0x7f: {  	_ =	shalt  }
0x80: {  	_ =	shalt  }
0x81: {  	_ =	shalt  }
0x82: {  	_ =	shalt  }
0x83: {  	_ =	shalt  }
0x84: {  	_ =	shalt  }
0x85: {  	_ =	shalt  }
0x86: {  	_ =	shalt  }
0x87: {  	_ =	shalt  }
.Lfunc_end0:
.L_simem_size_0:
called_computation_lowered:
.L_overlay_start_0:
0x88: {  	s2 =	sld [smem:$0x3FD9]  }
0x89: {  	s3 =	sld [smem:$0x3FFE];
	_ =	sdelay $0x1  }
0x8a: {  	s1 =	srdreg.scid  }
0x8b: {  	s0 =	sand.u32 $0x1, s1  }
0x8c: {  	s17 =	sshll.u32 s0, $0xA;
	s2 =	sadd.s32 s3, s2  }
0x8d: {  	s2 =	sadd.s32 s2, s17  }
0x8e: {  	[smem:$0x3FB9] =	sst s2  }
0x8f: {  	_ = 	snop  }
0x90: {  	s2 =	sld [smem:$0x3FD0];
	(tm) =	ssettm $0x1  }
0x91: {  	s18 =	sld [smem:$0x3FFB];
	_ =	sdelay $0x3  }
0x92: {  	_ =	strace s18  }
0x93: {  	s3 =	sld [smem:$0x3FFC];
	_ =	sdelay $0x3  }
0x94: {  	_ =	strace s3  }
0x95: {  	s3 =	sld [smem:$0x3FFD];
	_ =	sdelay $0x3  }
0x96: {  	_ =	strace s3  }
0x97: {  	_ =	strace $0x8FFFFFFF  }
0x98: {  	s19 =	sld [smem:$0x3FDB];
	_ =	sdelay $0x1  }
0x99: {  	s4 =	simm.s32 $_scs_section_size  }
0x9a: {  	s5 =	simm.s32 $_size__tile_overlayer_lowered;
	s6 =	simm.s32 $_tile_overlayer_lowered  }
0x9b: {  	s22 =	simm.s32 $0x1BFF;
	s21 =	sshll.u32 s6, $0x1;
	s3 =	sadd.s32 s4, s19  }
0x9c: {  	s7 =	simm.s32 $0x0;
	s20 =	sshll.u32 s5, $0x1;
	s5 =	sadd.s32 s21, s3  }
0x9d: {  	[timem:s7], [sflag:s22] =	dma.local [hbm:s5], s20  }
0x9e: {  	_ =	swait.ge [sflag:s22], s20  }
0x9f: {  	s4 =	ssub.s32 $0x0, s20;
	[sflag:s22] =	ssyncset.done $0x0  }
0xa0: {  	[sflag:s22] =	ssyncadd.s32 s4;
	_ =	sdelay $0x1  }
0xa1: {  	s23 =	simm.s32 $0x1B8B  }
0xa2: {  	_ =	swait.ge [sflag:s23], $0x1  }
0xa3: {  	[sflag:s23] =	ssyncset.done $0x0  }
0xa4: {  	s25 =	simm.s32 $0x1B8E;
	s24 =	sld [smem:$0x3FFE];
	[sflag:s23] =	ssyncadd.s32 $0xFFFFFFFF  }
0xa5: {  	s26 =	simm.s32 $execute0_lowered;
	[smem:$0x3FD2] =	sst s25  }
0xa6: {  	s5 =	sshll.u32 s26, $0x1;
	_ =	strace $0x80000046;
	[dreg:$0x1] =	wrdreg $0xFFFFFFFF  }
0xa7: {  	s28 =	simm.s32 $_size_execute0_lowered;
	s3 =	sadd.s32 s3, s5;
	[dreg:$0x0] =	wrdreg $0x0  }
0xa8: {  	s5 =	sshll.u32 s28, $0x1;
	[dreg:$0x2] =	wrdreg s3  }
0xa9: {  	[dreg:$0x3] =	wrdreg s5  }
0xaa: {  	[dreg:$0x4] =	wrdreg $0xC0  }
0xab: {  	_ =	task [dreg:s7], $0x5FFFF  }
0xac: {  	[dreg:$0x1] =	wrdreg $0xFFFFFFFF  }
0xad: {  	[dreg:$0x0] =	wrdreg $0x60  }
0xae: {  	[dreg:$0x2] =	wrdreg s2  }
0xaf: {  	[dreg:$0x3] =	wrdreg s24  }
0xb0: {  	[dreg:$0x4] =	wrdreg $0x1C0000  }
0xb1: {  	[dreg:$0x5] =	wrdreg $0x9  }
0xb2: {  	_ =	task.clear_ibuf [dreg:s7], $0x6FFFF;
	_ =	strace $0x90000046  }
0xb3: {  	s29 =	simm.s32 $0x9;
	_ =	strace $0x80000048  }
0xb4: {  	_ =	swait.ge [sflag:s29], $0x1  }
0xb5: {  	[sflag:s29] =	ssyncadd.s32 $0xFFFFFFFF  }
0xb6: {  	_ =	strace $0x90000048  }
0xb7: {  	_ =	sfence  }
0xb8: {  	s30 =	sld [smem:$0x0];
	_ =	sdelay $0x2  }
0xb9: {  	s31 =	sshll.u32 s1, $0xD;
	s1 =	sshrl.u32 s1, $0x2  }
0xba: {  	s3 =	sand.u32 $0x4000, s31;
	s1 =	sadd.s32 s1, s30  }
0xbb: {  	s0 =	sor.u32 s3, s0;
	s1 =	sshll.u32 s1, $0x11  }
0xbc: {  	s0 =	sor.u32 s1, s0  }
0xbd: {  	s0 =	sadd.s32 $0x8F2B, s0  }
0xbe: {  	[sflag:s0] =	ssyncadd.remote.s32 $0x1  }
0xbf: {  	_ =	sfence.sel $0xFFFF  }
0xc0: {  	[dreg:$0x0] =	wrdreg $0xFFFFFFFF;
	(pc) =	sbr.abs _section_cstart, $3  }
0xc1: {  	[dreg:$0x1] =	wrdreg $0xFFFFFFFF  }
0xc2: {  	_ =	task.clear_ibuf [dreg:s7], $0x2FFFF;
	_ =	strace $0x9FFFFFFF  }
0xc3: {  	(tm) =	ssettm $0x7FFFFFFF  }
tec
execute0_lowered:
.L_overlay_start_1:
0x0: {  	(tag) =	ssettag $0x1  }
0x1: {  	s0 =	rddreg [dreg:$0x0]  }
0x2: {  	s1 =	rddreg [dreg:$0x1]  }
0x3: {  	s2 =	srdreg.scid;
	s12 =	stileid.u32  }
0x4: {  	s14 =	simm.s32 $0x80;
	s19 =	simm.s32 $0x7000;
	s20 =	simm.s32 $0x9800  }
0x5: {  	s21 =	simm.s32 $0x0;
	s4 =	sand.u32 $0x1, s2;
	s5 =	smul.u32 $0x90, s12  }
0x6: {  	s3 =	sshll.u32 s12, $0x4;
	s2 =	rddreg [dreg:$0x2];
	s7 =	sshll.u32 s12, $0x1  }
0x7: {  	p0 =	seq.s32 s4, $0x0;
	s6 =	sor.u32 $0x900, s3;
	s3 =	simm.s32 $0x0  }
0x8: {  	s29 =	sor.u32 s4, s7;
	s30 =	ssub.s32 $0x2, s4;
	s4 =	sadd.s32 $0x29200, s1  }
0x9: {  	s6 =	smov.u32 @p0 s5;
	[smem:$0x7FF] =	sst s3;
	s31 =	sshrl.u32 s30, $0x1  }
0xa: {  	s5 =	sshll.u32 s6, $0x4;
	_ =	strace $0x80000047;
	s6 =	sshll.u32 s6, $0xB  }
0xb: {  	s9 =	ssub.s32 s30, s31;
	s8 =	sadd.s32 s5, s1;
	s5 =	smul.u32 $0x500, s29  }
0xc: {  	s11 =	sadd.s32 s6, s1;
	s9 =	smax.u32 s9, $0x1;
	s6 =	sadd.s32 $0x33800, s8  }
0xd: {  	s10 =	sadd.s32 $0x48000, s11;
	s1 =	sadd.s32 s5, s1;
	s5 =	simm.s32 $0x90  }
0xe: {  	s11 =	sadd.s32 $0x49000, s11;
	s5 =	simm.s32 @!p0 $0x10;
	s7 =	sadd.s32 $0x29800, s1  }
0xf: {  	s8 =	sadd.s32 $0x3E000, s1;
	p0 =	sne.s32 s12, $0x0;
	s12 =	simm.s32 $0x5  }
.LBB2_1:
0x10: {  	[tilespmem:s3], [sflag:$0x5] =	stream.linear.gather [hbm4b:s6+s3], $0x4800, $0x38;
	[tilespmem:$0x1C280] =	vst v63  }
0x11: {  	_ =	swait.ge [sflag:s12], $0x4800  }
0x12: {  	[sflag:s12] =	ssyncset.done $0x0  }
0x13: {  	s1 =	simm.s32 $0x4800;
	[sflag:s12] =	ssyncadd.s32 $0xFFFFB800  }
0x14: {  	[tilespmem:s1], [sflag:$0x5] =	stream.linear.gather [hbm4b:s7+s3], $0x2800, $0x38;
	[tilespmem:$0x1C280] =	vst v63  }
0x15: {  	_ =	swait.ge [sflag:s12], $0x2800  }
0x16: {  	[sflag:s12] =	ssyncset.done $0x0  }
0x17: {  	[sflag:s12] =	ssyncadd.s32 $0xFFFFD800  }
0x18: {  	s1 =	simm.s32 @p0 $0x7000;
	[bflag:$0x0] =	sbarrier.arrive @p0 $0xFFFF  }
0x19: {  	[tilespmem:s1], [sflag:$0x5] =	stream.linear.gather @p0 [spmem:s2], $0x2800, $0x38;
	[tilespmem:$0x1C280] =	vst v63  }
0x1a: {  	s1 =	simm.s32 @p0 $0x5  }
0x1b: {  	_ =	swait.ge @p0 [sflag:s1], $0x2800  }
0x1c: {  	[sflag:s1] =	ssyncset.done @p0 $0x0  }
0x1d: {  	s13 =	simm.s32 @!p0 $0x7000;
	[sflag:s1] =	ssyncadd.s32 @p0 $0xFFFFD800;
	s1 =	simm.s32 @!p0 $0x0  }
0x1e: {  	[tilespmem:s13], [sflag:$0x5] =	stream.linear.gather @!p0 [hbm4b:s4+s1], $0x2800, $0x38;
	[tilespmem:$0x1C280] =	vst v63  }
0x1f: {  	s1 =	simm.s32 @!p0 $0x5  }
0x20: {  	_ =	swait.ge @!p0 [sflag:s1], $0x2800  }
0x21: {  	[sflag:s1] =	ssyncset.done @!p0 $0x0  }
0x22: {  	[sflag:s1] =	ssyncadd.s32 @!p0 $0xFFFFD800  }
0x23: {  	[spmem:s2] =	stream.linear.scatter @!p0 [tilespmem:s13], [sflag:$0x5], $0x2800, $0x38;
	[tilespmem:$0x1C280] =	vst v63  }
0x24: {  	_ =	swait.ge @!p0 [sflag:s1], $0x2800  }
0x25: {  	[sflag:s1] =	ssyncset.done @!p0 $0x0  }
0x26: {  	[sflag:s1] =	ssyncadd.s32 @!p0 $0xFFFFD800  }
0x27: {  	s24 =	simm.s32 $0xC000;
	[bflag:$0x0] =	sbarrier.arrive @!p0 $0xFFFF  }
0x28: {  	[tilespmem:s24], [sflag:$0x1] =	stream.indirect.gather [hbm4b:s0+s14], $0x80, s3, s14, $0xb8;
	[tilespmem:$0x1C280] =	vst v63  }
0x29: {  	s25 =	simm.s32 $0x10000;
	s26 =	simm.s32 $0x100;
	p3 =	sle.u32 s5, $0x0  }
0x2a: {  	[tilespmem:s25], [sflag:$0x2] =	stream.indirect.gather [hbm4b:s0+s14], $0x80, s14, s14, $0xb8;
	[tilespmem:$0x1C280] =	vst v63  }
0x2b: {  	s31 =	simm.s32 $0x14000;
	p1 =	sle.u32 s5, $0x3;
	s22 =	simm.s32 @!p3 $0x1  }
0x2c: {  	[tilespmem:s31], [sflag:$0x3] =	stream.indirect.gather [hbm4b:s0+s14], $0x80, s26, s14, $0xb8;
	[tilespmem:$0x1C280] =	vst v63  }
0x2d: {  	s13 =	simm.s32 @!p1 $0x80;
	s1 =	simm.s32 $0x180;
	s25 =	simm.s32 @!p1 $0x18000  }
0x2e: {  	[tilespmem:s25], [sflag:$0x4] =	stream.indirect.gather @!p1 [hbm4b:s0+s13], $0x80, s1, s13, $0xb8;
	[tilespmem:$0x1C280] =	vst v63  }
0x2f: {  	_ =	swait.ge @!p3 [sflag:s22], $0x4000  }
0x30: {  	s23 =	simm.s32 @!p3 $0x6;
	[sflag:s22] =	ssyncset.done @!p3 $0x0  }
0x31: {  	s1 =	simm.s32 @!p3 $0x0;
	s13 =	simm.s32 @!p3 $0xC000;
	[sflag:s22] =	ssyncadd.s32 @!p3 $0xFFFFC000  }
0x32: {  	[hbm4b:s10+s1] =	stream.linear.scatter @!p3 [tilespmem:s13], [sflag:$0x6], $0x4000, $0x38;
	[tilespmem:$0x1C280] =	vst v63  }
0x33: {  	p2 =	sle.u32 s5, $0x4;
	p4 =	sle.u32 s5, $0x1;
	_ =	swait.ge @!p3 [sflag:s23], $0x4000  }
0x34: {  	s22 =	simm.s32 @!p2 $0xC000;
	s1 =	simm.s32 @!p2 $0x200;
	[sflag:s23] =	ssyncset.done @!p3 $0x0  }
0x35: {  	s13 =	simm.s32 @!p2 $0x80;
	[sflag:s23] =	ssyncadd.s32 @!p3 $0xFFFFC000;
	s23 =	simm.s32 @!p4 $0x2  }
0x36: {  	[tilespmem:s22], [sflag:$0x1] =	stream.indirect.gather @!p2 [hbm4b:s0+s13], $0x80, s1, s13, $0xb8;
	[tilespmem:$0x1C280] =	vst v63  }
0x37: {  	_ =	swait.ge @!p4 [sflag:s23], $0x4000  }
0x38: {  	s1 =	simm.s32 @!p4 $0x10000;
	s13 =	sadd.s32 @!p4 $0xFFFFF800, s11;
	[sflag:s23] =	ssyncset.done @!p4 $0x0  }
0x39: {  	s22 =	simm.s32 @!p4 $0x0;
	[sflag:s23] =	ssyncadd.s32 @!p4 $0xFFFFC000;
	s23 =	simm.s32 @!p4 $0x6  }
0x3a: {  	[hbm4b:s13+s22] =	stream.linear.scatter @!p4 [tilespmem:s1], [sflag:$0x6], $0x4000, $0x38;
	[tilespmem:$0x1C280] =	vst v63  }
0x3b: {  	p5 =	sle.u32 s5, $0x5;
	_ =	swait.ge @!p4 [sflag:s23], $0x4000  }
0x3c: {  	p3 =	sle.u32 s5, $0x2;
	s1 =	simm.s32 @!p5 $0x280;
	[sflag:s23] =	ssyncset.done @!p4 $0x0  }
0x3d: {  	s13 =	simm.s32 @!p5 $0x80;
	s22 =	simm.s32 @!p5 $0x10000;
	[sflag:s23] =	ssyncadd.s32 @!p4 $0xFFFFC000  }
0x3e: {  	[tilespmem:s22], [sflag:$0x2] =	stream.indirect.gather @!p5 [hbm4b:s0+s13], $0x80, s1, s13, $0xb8;
	[tilespmem:$0x1C280] =	vst v63  }
0x3f: {  	p1 =	por p1, p1;
	s1 =	simm.s32 @!p3 $0x3  }
0x40: {  	s26 =	simm.s32 $0x8;
	s29 =	simm.s32 @!p1 $0x4;
	_ =	swait.ge @!p3 [sflag:s1], $0x4000  }
0x41: {  	s30 =	sadd.s32 @!p1 $0x800, s11;
	s24 =	simm.s32 @!p3 $0x14000;
	[sflag:s1] =	ssyncset.done @!p3 $0x0  }
0x42: {  	s13 =	simm.s32 @!p3 $0x0;
	[sflag:s1] =	ssyncadd.s32 @!p3 $0xFFFFC000;
	s1 =	simm.s32 @!p3 $0x6  }
0x43: {  	[hbm4b:s11+s13] =	stream.linear.scatter @!p3 [tilespmem:s24], [sflag:$0x6], $0x4000, $0x38;
	[tilespmem:$0x1C280] =	vst v63  }
0x44: {  	s23 =	simm.s32 $0x4;
	p4 =	sle.u32 s5, $0x6;
	_ =	swait.ge @!p3 [sflag:s1], $0x4000  }
0x45: {  	s22 =	sadd.s32 $0x2000, s11;
	s28 =	simm.s32 @!p4 $0x14000;
	[sflag:s1] =	ssyncset.done @!p3 $0x0  }
0x46: {  	s13 =	simm.s32 @!p4 $0x300;
	[sflag:s1] =	ssyncadd.s32 @!p3 $0xFFFFC000;
	s1 =	simm.s32 @!p4 $0x80  }
0x47: {  	[tilespmem:s28], [sflag:$0x3] =	stream.indirect.gather @!p4 [hbm4b:s0+s1], $0x80, s13, s1, $0xb8;
	[tilespmem:$0x1C280] =	vst v63  }
0x48: {  	s24 =	simm.s32 $0x380;
	s28 =	sadd.s32 $0x2000, s10;
	_ =	swait.ge @!p1 [sflag:s29], $0x4000  }
0x49: {  	s1 =	simm.s32 @!p1 $0x0;
	s13 =	simm.s32 @!p1 $0x5;
	[sflag:s29] =	ssyncset.done @!p1 $0x0  }
0x4a: {  	p4 =	sle.u32 s5, $0x7;
	[sflag:s29] =	ssyncadd.s32 @!p1 $0xFFFFC000;
	s29 =	simm.s32 $0x8  }
.LBB2_2:
0x4b: {  	[hbm4b:s30+s1] =	stream.linear.scatter @!p1 [tilespmem:s25], [sflag:$0x5], $0x4000, $0x38;
	[tilespmem:$0x1C280] =	vst v63  }
0x4c: {  	s31 =	smov.u32 s23;
	s23 =	smov.u32 s26;
	s30 =	smov.u32 s22  }
0x4d: {  	s15 =	simm.s32 @!p4 $0x80;
	s25 =	simm.s32 @!p4 $0x18000;
	_ =	swait.ge @!p1 [sflag:s13], $0x4000  }
0x4e: {  	s26 =	sadd.s32 $0x4, s26;
	s16 =	simm.s32 @!p2 $0x1;
	[sflag:s13] =	ssyncset.done @!p1 $0x0  }
0x4f: {  	s1 =	smov.u32 s24;
	p3 =	sne.s32 s26, $0x90;
	[sflag:s13] =	ssyncadd.s32 @!p1 $0xFFFFC000  }
0x50: {  	[tilespmem:s25], [sflag:$0x4] =	stream.indirect.gather @!p4 [hbm4b:s0+s15], $0x80, s24, s15, $0xb8;
	[tilespmem:$0x1C280] =	vst v63  }
0x51: {  	s13 =	simm.s32 @!p2 $0x0;
	s15 =	simm.s32 @!p2 $0xC000;
	_ =	swait.ge @!p2 [sflag:s16], $0x4000  }
0x52: {  	s17 =	simm.s32 @!p2 $0x6;
	p1 =	por p4, p4;
	[sflag:s16] =	ssyncset.done @!p2 $0x0  }
0x53: {  	p5 =	sge.u32 s29, s5;
	[sflag:s16] =	ssyncadd.s32 @!p2 $0xFFFFC000;
	s16 =	sadd.s32 $0x1, s31  }
0x54: {  	[hbm4b:s28+s13] =	stream.linear.scatter @!p2 [tilespmem:s15], [sflag:$0x6], $0x4000, $0x38;
	[tilespmem:$0x1C280] =	vst v63  }
0x55: {  	s13 =	sadd.s32 @!p5 $0x80, s24;
	p4 =	sge.u32 s16, s5;
	_ =	swait.ge @!p2 [sflag:s17], $0x4000  }
0x56: {  	s15 =	simm.s32 @!p5 $0x80;
	s16 =	simm.s32 @!p5 $0xC000;
	[sflag:s17] =	ssyncset.done @!p2 $0x0  }
0x57: {  	s29 =	smov.u32 s26;
	[sflag:s17] =	ssyncadd.s32 @!p2 $0xFFFFC000;
	s17 =	simm.s32 @!p4 $0x2  }
0x58: {  	[tilespmem:s16], [sflag:$0x1] =	stream.indirect.gather @!p5 [hbm4b:s0+s15], $0x80, s13, s15, $0xb8;
	[tilespmem:$0x1C280] =	vst v63  }
0x59: {  	s13 =	simm.s32 @!p4 $0x10000;
	_ =	swait.ge @!p4 [sflag:s17], $0x4000  }
0x5a: {  	s15 =	sadd.s32 @!p4 $0xFFFFF800, s22;
	s16 =	simm.s32 @!p4 $0x0;
	[sflag:s17] =	ssyncset.done @!p4 $0x0  }
0x5b: {  	s18 =	sadd.s32 $0x5, s31;
	[sflag:s17] =	ssyncadd.s32 @!p4 $0xFFFFC000;
	s17 =	simm.s32 @!p4 $0x6  }
0x5c: {  	[hbm4b:s15+s16] =	stream.linear.scatter @!p4 [tilespmem:s13], [sflag:$0x6], $0x4000, $0x38;
	[tilespmem:$0x1C280] =	vst v63  }
0x5d: {  	p5 =	sge.u32 s18, s5;
	s13 =	sadd.s32 $0x2, s31;
	_ =	swait.ge @!p4 [sflag:s17], $0x4000  }
0x5e: {  	s15 =	sadd.s32 @!p5 $0x100, s24;
	p2 =	sge.u32 s13, s5;
	[sflag:s17] =	ssyncset.done @!p4 $0x0  }
0x5f: {  	s16 =	simm.s32 @!p5 $0x10000;
	s13 =	simm.s32 @!p5 $0x80;
	[sflag:s17] =	ssyncadd.s32 @!p4 $0xFFFFC000  }
0x60: {  	[tilespmem:s16], [sflag:$0x2] =	stream.indirect.gather @!p5 [hbm4b:s0+s13], $0x80, s15, s13, $0xb8;
	[tilespmem:$0x1C280] =	vst v63  }
0x61: {  	s22 =	sadd.s32 $0x2000, s22;
	s13 =	simm.s32 @!p2 $0x3  }
0x62: {  	s24 =	sadd.s32 $0x200, s24;
	s17 =	sadd.s32 $0x6, s31;
	_ =	swait.ge @!p2 [sflag:s13], $0x4000  }
0x63: {  	s15 =	simm.s32 @!p2 $0x0;
	s16 =	simm.s32 @!p2 $0x14000;
	[sflag:s13] =	ssyncset.done @!p2 $0x0  }
0x64: {  	p4 =	sge.u32 s17, s5;
	[sflag:s13] =	ssyncadd.s32 @!p2 $0xFFFFC000;
	s13 =	simm.s32 @!p2 $0x6  }
0x65: {  	[hbm4b:s30+s15] =	stream.linear.scatter @!p2 [tilespmem:s16], [sflag:$0x6], $0x4000, $0x38;
	[tilespmem:$0x1C280] =	vst v63  }
0x66: {  	s28 =	sadd.s32 $0x2000, s28;
	s1 =	sadd.s32 @!p4 $0x180, s1;
	_ =	swait.ge @!p2 [sflag:s13], $0x4000  }
0x67: {  	s15 =	simm.s32 @!p4 $0x14000;
	s16 =	simm.s32 @!p1 $0x4;
	[sflag:s13] =	ssyncset.done @!p2 $0x0  }
.Ltmp0:
0x68: {  	[sflag:s13] =	ssyncadd.s32 @!p2 $0xFFFFC000;
	s13 =	simm.s32 @!p4 $0x80;
	(pc) =	sbr.rel @p3 .LBB2_2-.Ltmp0, $4  }
0x69: {  	[tilespmem:s15], [sflag:$0x3] =	stream.indirect.gather @!p4 [hbm4b:s0+s13], $0x80, s1, s13, $0xb8;
	[tilespmem:$0x1C280] =	vst v63  }
0x6a: {  	p2 =	sge.u32 s23, s5;
	s1 =	simm.s32 @!p1 $0x0;
	_ =	swait.ge @!p1 [sflag:s16], $0x4000  }
0x6b: {  	s15 =	sadd.s32 $0x3, s23;
	s13 =	simm.s32 @!p1 $0x5;
	[sflag:s16] =	ssyncset.done @!p1 $0x0  }
0x6c: {  	s30 =	sadd.s32 @!p1 $0x800, s30;
	p4 =	sge.u32 s15, s5;
	[sflag:s16] =	ssyncadd.s32 @!p1 $0xFFFFC000  }
0x6d: {  	[hbm4b:s30+s1] =	stream.linear.scatter @!p1 [tilespmem:s25], [sflag:$0x5], $0x4000, $0x38;
	[tilespmem:$0x1C280] =	vst v63  }
0x6e: {  	_ =	swait.ge @!p1 [sflag:s13], $0x4000  }
0x6f: {  	s15 =	simm.s32 @!p4 $0x80;
	[sflag:s13] =	ssyncset.done @!p1 $0x0  }
0x70: {  	s1 =	simm.s32 @!p4 $0x18000;
	s16 =	simm.s32 @!p2 $0x1;
	[sflag:s13] =	ssyncadd.s32 @!p1 $0xFFFFC000  }
0x71: {  	[tilespmem:s1], [sflag:$0x4] =	stream.indirect.gather @!p4 [hbm4b:s0+s15], $0x80, s24, s15, $0xb8;
	[tilespmem:$0x1C280] =	vst v63  }
0x72: {  	s17 =	simm.s32 @!p2 $0x6;
	_ =	swait.ge @!p2 [sflag:s16], $0x4000  }
0x73: {  	p3 =	sge.u32 s29, s5;
	s29 =	sadd.s32 $0x1, s23;
	[sflag:s16] =	ssyncset.done @!p2 $0x0  }
0x74: {  	s13 =	simm.s32 @!p2 $0x0;
	s15 =	simm.s32 @!p2 $0xC000;
	[sflag:s16] =	ssyncadd.s32 @!p2 $0xFFFFC000  }
0x75: {  	[hbm4b:s28+s13] =	stream.linear.scatter @!p2 [tilespmem:s15], [sflag:$0x6], $0x4000, $0x38;
	[tilespmem:$0x1C280] =	vst v63  }
0x76: {  	p1 =	sge.u32 s29, s5;
	_ =	swait.ge @!p2 [sflag:s17], $0x4000  }
0x77: {  	s16 =	simm.s32 @!p3 $0xC000;
	s15 =	sadd.s32 @!p3 $0x80, s24;
	[sflag:s17] =	ssyncset.done @!p2 $0x0  }
0x78: {  	s13 =	simm.s32 @!p3 $0x80;
	[sflag:s17] =	ssyncadd.s32 @!p2 $0xFFFFC000;
	s17 =	simm.s32 @!p1 $0x2  }
0x79: {  	[tilespmem:s16], [sflag:$0x1] =	stream.indirect.gather @!p3 [hbm4b:s0+s13], $0x80, s15, s13, $0xb8;
	[tilespmem:$0x1C280] =	vst v63  }
0x7a: {  	s18 =	sadd.s32 $0x5, s23;
	_ =	swait.ge @!p1 [sflag:s17], $0x4000  }
0x7b: {  	s13 =	simm.s32 @!p1 $0x10000;
	s15 =	sadd.s32 @!p1 $0xFFFFF800, s22;
	[sflag:s17] =	ssyncset.done @!p1 $0x0  }
0x7c: {  	s16 =	simm.s32 @!p1 $0x0;
	[sflag:s17] =	ssyncadd.s32 @!p1 $0xFFFFC000;
	s17 =	simm.s32 @!p1 $0x6  }
0x7d: {  	[hbm4b:s15+s16] =	stream.linear.scatter @!p1 [tilespmem:s13], [sflag:$0x6], $0x4000, $0x38;
	[tilespmem:$0x1C280] =	vst v63  }
0x7e: {  	s30 =	sadd.s32 $0x2, s23;
	p3 =	sge.u32 s18, s5;
	_ =	swait.ge @!p1 [sflag:s17], $0x4000  }
0x7f: {  	p2 =	sge.u32 s30, s5;
	s15 =	sadd.s32 @!p3 $0x100, s24;
	[sflag:s17] =	ssyncset.done @!p1 $0x0  }
0x80: {  	s13 =	simm.s32 @!p3 $0x80;
	s16 =	simm.s32 @!p3 $0x10000;
	[sflag:s17] =	ssyncadd.s32 @!p1 $0xFFFFC000  }
0x81: {  	[tilespmem:s16], [sflag:$0x2] =	stream.indirect.gather @!p3 [hbm4b:s0+s13], $0x80, s15, s13, $0xb8;
	[tilespmem:$0x1C280] =	vst v63  }
0x82: {  	s13 =	simm.s32 @!p2 $0x3  }
0x83: {  	_ =	swait.ge @!p2 [sflag:s13], $0x4000  }
0x84: {  	s31 =	sadd.s32 $0x6, s23;
	s15 =	simm.s32 @!p2 $0x0;
	[sflag:s13] =	ssyncset.done @!p2 $0x0  }
0x85: {  	s16 =	simm.s32 @!p2 $0x14000;
	[sflag:s13] =	ssyncadd.s32 @!p2 $0xFFFFC000;
	s13 =	simm.s32 @!p2 $0x6  }
0x86: {  	[hbm4b:s22+s15] =	stream.linear.scatter @!p2 [tilespmem:s16], [sflag:$0x6], $0x4000, $0x38;
	[tilespmem:$0x1C280] =	vst v63  }
0x87: {  	p1 =	por p4, p4;
	p3 =	sge.u32 s31, s5;
	_ =	swait.ge @!p2 [sflag:s13], $0x4000  }
0x88: {  	s17 =	simm.s32 @!p1 $0x4;
	s15 =	sadd.s32 @!p3 $0x180, s24;
	[sflag:s13] =	ssyncset.done @!p2 $0x0  }
0x89: {  	s16 =	simm.s32 @!p3 $0x14000;
	[sflag:s13] =	ssyncadd.s32 @!p2 $0xFFFFC000;
	s13 =	simm.s32 @!p3 $0x80  }
0x8a: {  	[tilespmem:s16], [sflag:$0x3] =	stream.indirect.gather @!p3 [hbm4b:s0+s13], $0x80, s15, s13, $0xb8;
	[tilespmem:$0x1C280] =	vst v63  }
0x8b: {  	_ =	swait.ge @!p1 [sflag:s17], $0x4000  }
0x8c: {  	s13 =	simm.s32 @!p1 $0x0;
	[sflag:s17] =	ssyncset.done @!p1 $0x0  }
0x8d: {  	s15 =	simm.s32 @!p1 $0x5;
	s16 =	sadd.s32 @!p1 $0x800, s22;
	[sflag:s17] =	ssyncadd.s32 @!p1 $0xFFFFC000  }
0x8e: {  	[hbm4b:s16+s13] =	stream.linear.scatter @!p1 [tilespmem:s1], [sflag:$0x5], $0x4000, $0x38;
	[tilespmem:$0x1C280] =	vst v63  }
0x8f: {  	_ =	swait.ge @!p1 [sflag:s15], $0x4000  }
0x90: {  	[sflag:s15] =	ssyncset.done @!p1 $0x0  }
0x91: {  	s1 =	simm.s32 $0x0;
	[sflag:s15] =	ssyncadd.s32 @!p1 $0xFFFFC000  }
0x92: {  	v0 =	vld [tilespmem:s1+$0x4800];
	_ =	sdelay $0x7  }
0x93: {  	s22 =	simm.s32 $0x80;
	s13 =	simm.s32 $0x10;
	v0 =	vld.idx.msk [tilespmem:v0+s19+$0x0], $0xffff  }
.LBB2_4:
0x94: {  	p1 =	sne.s32 s22, $0x9FC0;
	v1 =	vld [tilespmem:s13+$0x4800];
	_ =	sdelay $0x3  }
.Ltmp1:
0x95: {  	(pc) =	sbr.rel @p1 .LBB2_4-.Ltmp1, $2  }
0x96: {  	[tilespmem:s1+$0x9800] =	vst v0;
	s1 =	smov.u32 s13;
	_ =	sdelay $0x2  }
0x97: {  	s13 =	sshra.s32 s22, $0x2;
	s22 =	sadd.s32 $0x40, s22;
	v0 =	vld.idx.msk [tilespmem:v1+s19+$0x0], $0xffff  }
0x98: {  	v1 =	vld [tilespmem:s13+$0x4800];
	_ =	sdelay $0x6  }
0x99: {  	[tilespmem:s1+$0x9800] =	vst v0  }
0x9a: {  	v0 =	vld.idx.msk [tilespmem:v1+s19+$0x0], $0xffff;
	_ =	sdelay $0x2  }
0x9b: {  	s21 =	sadd.s32 $0x1, s21  }
0x9c: {  	p1 =	sne.s32 s21, s9  }
.Ltmp2:
0x9d: {  	[tilespmem:s13+$0x9800] =	vst v0;
	(pc) =	sbr.rel @p1 .LBB2_1-.Ltmp2, $4  }
0x9e: {  	[hbm4b:s8+s3] =	stream.linear.scatter [tilespmem:s20], [sflag:$0x5], $0x2800, $0x38;
	[tilespmem:$0x1C280] =	vst v63  }
0x9f: {  	_ =	swait.ge [sflag:s12], $0x2800  }
0xa0: {  	[sflag:s12] =	ssyncset.done $0x0  }
0xa1: {  	[sflag:s12] =	ssyncadd.s32 $0xFFFFD800  }
0xa2: {  	_ =	sfence.sel $0x180000  }
0xa3: {  	[bflag:$0x0] =	sbarrier.arrive $0xFFFF  }
0xa4: {  	_ =	strace $0x90000047  }
0xa5: {  	[bflag:$0x2] =	sbarrier.arrive $0xFFFF  }
0xa6: {  	s0 =	rddreg [dreg:$0x3]  }
0xa7: {  	s0 =	sadd.s32 @!p0 $0x100000, s0  }
0xa8: {  	[sflag:s0] =	ssyncadd.tile.s32 @!p0 $0x1;
	_ =	shalt  }
.Lfunc_end2:
_tile_overlayer_lowered:
.L_overlay_start_2:
0xa9: {  	(tag) =	ssettag $0x2  }
0xaa: {  	s0 =	rddreg [dreg:$0x0];
	s2 =	stileid.u32  }
0xab: {  	s1 =	rddreg [dreg:$0x1];
	p0 =	sne.s32 s2, $0x0  }
0xac: {  	s3 =	rddreg [dreg:$0x2];
	[bflag:$0x3] =	sbarrier.arrive $0xFFFF;
	s2 =	simm.s32 @!p0 $0x1C05  }
0xad: {  	[timem:s3], [sflag:s2] =	dma.local @!p0 [hbm:s0], s1  }
0xae: {  	s0 =	simm.s32 @!p0 $0x5  }
0xaf: {  	_ =	swait.ge @!p0 [sflag:s0], s1  }
0xb0: {  	s1 =	ssub.s32 @!p0 $0x0, s1;
	[sflag:s0] =	ssyncset.done @!p0 $0x0  }
0xb1: {  	[sflag:s0] =	ssyncadd.s32 @!p0 s1  }
0xb2: {  	[bflag:$0x3] =	sbarrier.arrive $0xFFFF  }
0xb3: {  	_ =	shalt  }

</sc_bundles>
